<compile_context>
chip_gen: v7x
topology: tpu7x:2x2x1
jax: 0.10.2.dev20260603
libtpu: 0.0.44.dev20260713+nightly
codegen_flags: <defaults>
</compile_context>

<pallas_src>
import functools

import jax
import jax.numpy as jnp
from jax import lax
from jax.experimental import pallas as pl
from jax.experimental.pallas import tpu as pltpu
from jax.experimental.pallas import tpu_sc as plsc

S, H, E, L, Hh = 2048, 768, 8, 3, 384
TB = 256
NB = S // TB
NSTEP = 16
NW = 32
BPW = S // NW


def _dot(a, b):
    return jax.lax.dot_general(a, b, (((1,), (0,)), ((), ())),
                               preferred_element_type=jnp.float32)


def _iota(shape, d):
    return jax.lax.broadcasted_iota(jnp.int32, shape, d).astype(jnp.float32)


def _shift_down(c, k):
    return jnp.concatenate([jnp.zeros((k,) + c.shape[1:], c.dtype), c[:-k]], 0)


def _route_meta(x, W1, b1, W2, b2,
                pos_ref, eid_ref, sb_ref, se_ref, sv_ref, sf_ref):
    h = jnp.maximum(_dot(x, W1) + b1, 0.0)
    scores = _dot(h, W2) + b2
    probs = jax.nn.softmax(scores, axis=-1)
    pmax = jnp.max(probs, axis=1, keepdims=True)
    eidx = jax.lax.broadcasted_iota(jnp.int32, (S, E), 1)
    top = jnp.min(jnp.where(probs == pmax, eidx, E), axis=1, keepdims=True)

    onehot = (top == eidx).astype(jnp.float32)
    c = onehot
    k = 1
    while k < S:
        c = c + _shift_down(c, k)
        k *= 2
    counts = c[S - 1:S, :]
    inc = counts
    k = 1
    while k < E:
        inc = inc + jnp.concatenate(
            [jnp.zeros((1, k), jnp.float32), inc[:, :-k]], 1)
        k *= 2
    offs = inc - counts
    ends = offs + counts

    pos = jnp.sum(onehot * (offs + c - 1.0), axis=1, keepdims=True)
    pos_ref[...] = jnp.reshape(pos.astype(jnp.int32), (16, 128))

    p_iota = _iota((S, E), 0)
    eid = jnp.sum((p_iota >= ends).astype(jnp.float32), axis=1, keepdims=True)
    eid_ref[...] = eid.astype(jnp.int32)

    b_lo = _iota((NB, E), 0) * TB
    flag = ((offs < b_lo + TB) & (ends > b_lo)
            & (counts > 0.0)).astype(jnp.float32)
    inc_e = flag
    k = 1
    while k < E:
        inc_e = inc_e + jnp.concatenate(
            [jnp.zeros((NB, k), jnp.float32), inc_e[:, :-k]], 1)
        k *= 2
    rowtot = inc_e[:, E - 1:E]
    inc_b = rowtot
    k = 1
    while k < NB:
        inc_b = inc_b + _shift_down(inc_b, k)
        k *= 2
    rank = (inc_e - flag) + (inc_b - rowtot)

    t_iota = _iota((NSTEP, NB, E), 0)
    eq = (rank[None] == t_iota) * flag[None]
    b3 = _iota((NSTEP, NB, E), 1)
    e3 = _iota((NSTEP, NB, E), 2)
    sv = jnp.sum(jnp.sum(eq, axis=2, keepdims=True), axis=1)
    sb = jnp.sum(jnp.sum(eq * b3, axis=2, keepdims=True), axis=1)
    se = jnp.sum(jnp.sum(eq * e3, axis=2, keepdims=True), axis=1)
    sb = sb + (1.0 - sv) * (NB - 1)
    se = se + (1.0 - sv) * (E - 1)
    sb_i = sb.astype(jnp.int32)
    prev = jnp.concatenate([jnp.full((1, 1), -1, jnp.int32), sb_i[:-1]], 0)
    sb_ref[...] = sb_i
    se_ref[...] = se.astype(jnp.int32)
    sv_ref[...] = sv.astype(jnp.int32)
    sf_ref[...] = (sb_i != prev).astype(jnp.int32)


_META_SHAPES = [((16, 128), jnp.int32),
                ((S, 1), jnp.int32),
                ((NSTEP, 1), jnp.int32),
                ((NSTEP, 1), jnp.int32),
                ((NSTEP, 1), jnp.int32),
                ((NSTEP, 1), jnp.int32)]


def _router_body(x_ref, W1_ref, b1_ref, W2_ref, b2_ref, *outs):
    _route_meta(x_ref[...], W1_ref[...], b1_ref[...], W2_ref[...],
                b2_ref[...], *outs[:-1])
    outs[-1][...] = jax.lax.broadcasted_iota(jnp.int32, (S, 128), 0)


def _run_router(x, W1l, b1l, W2l, b2l):
    return pl.pallas_call(
        _router_body,
        out_shape=[jax.ShapeDtypeStruct(s, d) for s, d in _META_SHAPES]
        + [jax.ShapeDtypeStruct((S, 128), jnp.int32)],
    )(x, W1l, b1l, W2l, b2l)


def _hw_weight(hw_ref, l):
    w0 = hw_ref[0]
    w1 = hw_ref[1]
    w2 = hw_ref[2]
    m = jnp.maximum(jnp.maximum(w0, w1), w2)
    e0 = jnp.exp(w0 - m)
    e1 = jnp.exp(w1 - m)
    e2 = jnp.exp(w2 - m)
    return (e0, e1, e2)[l] / (e0 + e1 + e2)


def _gmm_body(sb_ref, se_ref, sv_ref, sf_ref, *args, l, last):
    i = 0
    xs_ref = args[i]; i += 1
    if l == 2:
        accin_ref = args[i]; i += 1
    T_ref = args[i]; i += 1
    bb_ref = args[i]; i += 1
    if last:
        inv16_ref = args[i]; i += 1
    eid_ref = args[i]; i += 1
    a_ref = args[i]; i += 1
    hw_ref = args[i]; i += 1
    if not last:
        W1_ref = args[i]; i += 1
        b1_ref = args[i]; i += 1
        W2_ref = args[i]; i += 1
        b2_ref = args[i]; i += 1
    if not last:
        os_ref = args[i]; i += 1
    if l > 0:
        acc_ref = args[i]; i += 1
    if not last:
        meta_refs = args[i:i + 6]; i += 6
    else:
        inv2d_ref = args[i]; i += 1

    t = pl.program_id(0)
    e = se_ref[t, 0]
    a = a_ref[l, e]
    valid = sv_ref[t, 0]
    first = sf_ref[t, 0]
    b = sb_ref[t, 0]
    rows = pl.ds(b * TB, TB)
    mask = jnp.where(valid > 0,
                     (eid_ref[...] == e).astype(jnp.float32),
                     jnp.zeros_like(eid_ref, jnp.float32))
    Ts = a * T_ref[0, 0]
    contrib = _dot(xs_ref[...] * mask, Ts) + mask * (a * bb_ref[0, 0])
    hw_l = _hw_weight(hw_ref, l)

    @pl.when(first == 1)
    def _():
        if not last:
            os_ref[rows, :] = contrib
        if l == 1:
            acc_ref[rows, :] = (_hw_weight(hw_ref, 0) * xs_ref[...]
                                + hw_l * contrib)
        elif l == 2:
            acc_ref[rows, :] = accin_ref[...] + hw_l * contrib

    @pl.when(first == 0)
    def _():
        if not last:
            os_ref[rows, :] += contrib
        if l > 0:
            acc_ref[rows, :] += hw_l * contrib

    if not last:
        @pl.when(t == NSTEP - 1)
        def _():
            _route_meta(os_ref[...], W1_ref[...], b1_ref[...], W2_ref[...],
                        b2_ref[...], *meta_refs)
    else:
        @pl.when(t == NSTEP - 1)
        def _():
            inv2d_ref[...] = jnp.reshape(inv16_ref[:, 0:1], (NW, BPW))


def _run_gmm(l, last, sb, se, sv, sf, xs, accin, Tl, bbl, eid, al, hier_w,
             W1n, b1n, W2n, b2n, inv16=None):
    f32 = jnp.float32
    in_specs = [pl.BlockSpec((TB, H), lambda t, sb, se, sv, sf: (sb[t, 0], 0))]
    ops = [xs]
    if l == 2:
        in_specs.append(
            pl.BlockSpec((TB, H), lambda t, sb, se, sv, sf: (sb[t, 0], 0)))
        ops.append(accin)
    in_specs += [
        pl.BlockSpec((1, 1, H, H),
                     lambda t, sb, se, sv, sf: (l, se[t, 0], 0, 0)),
        pl.BlockSpec((1, 1, 1, H),
                     lambda t, sb, se, sv, sf: (l, se[t, 0], 0, 0)),
    ]
    ops += [Tl, bbl]
    if last:
        in_specs.append(pl.BlockSpec((S, 128), lambda t, sb, se, sv, sf: (0, 0)))
        ops.append(inv16)
    in_specs += [
        pl.BlockSpec((TB, 1), lambda t, sb, se, sv, sf: (sb[t, 0], 0)),
        pl.BlockSpec(memory_space=pltpu.SMEM),
        pl.BlockSpec(memory_space=pltpu.SMEM),
    ]
    ops += [eid, al, hier_w]
    if not last:
        in_specs += [pl.BlockSpec((H, Hh), lambda t, sb, se, sv, sf: (0, 0)),
                     pl.BlockSpec((1, Hh), lambda t, sb, se, sv, sf: (0, 0)),
                     pl.BlockSpec((Hh, E), lambda t, sb, se, sv, sf: (0, 0)),
                     pl.BlockSpec((1, E), lambda t, sb, se, sv, sf: (0, 0))]
        ops += [W1n, b1n, W2n, b2n]

    out_specs = []
    out_shape = []
    if not last:
        out_specs.append(
            pl.BlockSpec((S, H), lambda t, sb, se, sv, sf: (0, 0)))
        out_shape.append(jax.ShapeDtypeStruct((S, H), f32))
    if l > 0:
        out_specs.append(
            pl.BlockSpec((S, H), lambda t, sb, se, sv, sf: (0, 0)))
        out_shape.append(jax.ShapeDtypeStruct((S, H), f32))
    if not last:
        for shp, dt in _META_SHAPES:
            out_specs.append(
                pl.BlockSpec(shp, lambda t, sb, se, sv, sf: tuple(
                    0 for _ in shp)))
            out_shape.append(jax.ShapeDtypeStruct(shp, dt))
    else:
        out_specs.append(
            pl.BlockSpec((NW, BPW), lambda t, sb, se, sv, sf: (0, 0)))
        out_shape.append(jax.ShapeDtypeStruct((NW, BPW), jnp.int32))

    grid_spec = pltpu.PrefetchScalarGridSpec(
        num_scalar_prefetch=4,
        grid=(NSTEP,),
        in_specs=in_specs,
        out_specs=out_specs,
    )
    return pl.pallas_call(
        functools.partial(_gmm_body, l=l, last=last),
        grid_spec=grid_spec,
        out_shape=out_shape,
    )(sb, se, sv, sf, *ops)



def _sc_scatter1(pos2d, x, ids16):
    mesh = plsc.VectorSubcoreMesh(core_axis_name="c", subcore_axis_name="s")

    @functools.partial(
        pl.kernel, mesh=mesh,
        out_type=[jax.ShapeDtypeStruct((S, H), jnp.float32),
                  jax.ShapeDtypeStruct((S, 128), jnp.int32)],
        scratch_types=[pltpu.VMEM((BPW,), jnp.int32),
                       pltpu.VMEM((BPW, 128), jnp.int32),
                       pltpu.VMEM((BPW, H), jnp.float32),
                       pltpu.SemaphoreType.DMA],
    )
    def k(pos_hbm, x_hbm, ids_hbm, out_hbm, inv_hbm, idx_v, ids_v, rows_v,
          sem):
        wid = lax.axis_index("s") * 2 + lax.axis_index("c")
        pltpu.sync_copy(pos_hbm.at[wid], idx_v)
        pltpu.sync_copy(x_hbm.at[pl.ds(wid * BPW, BPW)], rows_v)
        pltpu.sync_copy(ids_hbm.at[pl.ds(wid * BPW, BPW)], ids_v)
        cp1 = pltpu.async_copy(rows_v, out_hbm.at[idx_v], sem)
        cp2 = pltpu.async_copy(ids_v, inv_hbm.at[idx_v], sem)
        cp1.wait()
        cp2.wait()

    return k(pos2d, x, ids16)


def _sc_scatter2(pos2d, inv16, x, acc):
    mesh = plsc.VectorSubcoreMesh(core_axis_name="c", subcore_axis_name="s")

    @functools.partial(
        pl.kernel, mesh=mesh,
        out_type=[jax.ShapeDtypeStruct((S, H), jnp.float32),
                  jax.ShapeDtypeStruct((S, H), jnp.float32),
                  jax.ShapeDtypeStruct((S, 128), jnp.int32)],
        scratch_types=[pltpu.VMEM((BPW,), jnp.int32),
                       pltpu.VMEM((BPW, 128), jnp.int32),
                       pltpu.VMEM((BPW, H), jnp.float32),
                       pltpu.VMEM((BPW, H), jnp.float32),
                       pltpu.SemaphoreType.DMA],
    )
    def k(pos_hbm, inv_hbm, x_hbm, acc_hbm, xs_hbm, accs_hbm, invn_hbm,
          idx_v, ids_v, rows_v, rows2_v, sem):
        wid = lax.axis_index("s") * 2 + lax.axis_index("c")
        pltpu.sync_copy(pos_hbm.at[wid], idx_v)
        pltpu.sync_copy(inv_hbm.at[pl.ds(wid * BPW, BPW)], ids_v)
        pltpu.sync_copy(x_hbm.at[pl.ds(wid * BPW, BPW)], rows_v)
        pltpu.sync_copy(acc_hbm.at[pl.ds(wid * BPW, BPW)], rows2_v)
        cp1 = pltpu.async_copy(rows_v, xs_hbm.at[idx_v], sem)
        cp2 = pltpu.async_copy(rows2_v, accs_hbm.at[idx_v], sem)
        cp3 = pltpu.async_copy(ids_v, invn_hbm.at[idx_v], sem)
        cp1.wait()
        cp2.wait()
        cp3.wait()

    return k(pos2d, inv16, x, acc)


def _sc_fin(inv2d, acc):
    mesh = plsc.VectorSubcoreMesh(core_axis_name="c", subcore_axis_name="s")

    @functools.partial(
        pl.kernel, mesh=mesh,
        out_type=jax.ShapeDtypeStruct((S, H), jnp.float32),
        scratch_types=[pltpu.VMEM((BPW,), jnp.int32),
                       pltpu.VMEM((BPW, H), jnp.float32),
                       pltpu.SemaphoreType.DMA],
    )
    def k(inv_hbm, acc_hbm, out_hbm, idx_v, rows_v, sem):
        wid = lax.axis_index("s") * 2 + lax.axis_index("c")
        pltpu.sync_copy(inv_hbm.at[wid], idx_v)
        pltpu.sync_copy(acc_hbm.at[pl.ds(wid * BPW, BPW)], rows_v)
        pltpu.async_copy(rows_v, out_hbm.at[idx_v], sem).wait()

    return k(inv2d, acc)


def kernel(hidden_states, W1, b1, W2, b2, assignments, hier_w, rand_T, rand_b):
    x = hidden_states.reshape(S, H)
    b1r = [b1[l].reshape(1, Hh) for l in range(L)]
    b2r = [b2[l].reshape(1, E) for l in range(L)]

    bbr = rand_b.reshape(L, E, 1, H)
    pos0, eid0, sb, se, sv, sf, ids16 = _run_router(
        x, W1[0], b1r[0], W2[0], b2r[0])
    xs, inv0 = _sc_scatter1(pos0.reshape(NW, BPW), x, ids16)
    os0, pos1, eid1, sb1, se1, sv1, sf1 = _run_gmm(
        0, False, sb, se, sv, sf, xs, None, rand_T, bbr, eid0,
        assignments, hier_w, W1[1], b1r[1], W2[1], b2r[1])
    xs1, inv1 = _sc_scatter1(pos1.reshape(NW, BPW), os0, inv0)
    os1, acc1, pos2, eid2, sb2, se2, sv2, sf2 = _run_gmm(
        1, False, sb1, se1, sv1, sf1, xs1, None, rand_T, bbr, eid1,
        assignments, hier_w, W1[2], b1r[2], W2[2], b2r[2])
    xs2, accs2, inv2 = _sc_scatter2(pos2.reshape(NW, BPW), inv1, os1, acc1)
    acc2, inv2d = _run_gmm(
        2, True, sb2, se2, sv2, sf2, xs2, accs2, rand_T, bbr, eid2,
        assignments, hier_w, None, None, None, None, inv16=inv2)
    fin = _sc_fin(inv2d, acc2)
    return fin.reshape(1, S, H)

# --- scband reference (transcript-rebuilt; emitter-appended) ---
"""Pipeline reference for scband-hierarchical-router-8555574854213 (READ-ONLY COPY).

The authoritative reference and input builder live on the scoring server;
editing this copy changes nothing except your own understanding.
"""

import jax, jax.numpy as jnp
import numpy as np

B, S, H = 1, 2048, 768
E = 8
L = 3
Hh = H // 2


def setup_inputs(seed: int = 0) -> dict:
    key = jax.random.key(seed)
    ks = [jax.random.fold_in(key, i) for i in range(12)]
    hidden_states = jax.random.normal(ks[0], (B, S, H), dtype=jnp.float32)
    # level router params, stacked over levels
    W1 = jax.random.normal(ks[1], (L, H, Hh), dtype=jnp.float32) * (1.0 / np.sqrt(H))
    b1 = jnp.zeros((L, Hh), dtype=jnp.float32)
    W2 = jax.random.normal(ks[2], (L, Hh, E), dtype=jnp.float32) * (1.0 / np.sqrt(Hh))
    b2 = jnp.zeros((L, E), dtype=jnp.float32)
    # learned hierarchical params
    assignments = jax.random.normal(ks[3], (L, E), dtype=jnp.float32)
    hier_w = jnp.ones((L,), dtype=jnp.float32)
    # the torch module draws fresh randn expert transforms in forward; we
    # materialize them once as fixed (non-learned) random constants
    rand_T = jax.random.normal(ks[4], (L, E, H, H), dtype=jnp.float32)
    rand_b = jax.random.normal(ks[5], (L, E, H), dtype=jnp.float32)
    return {"hidden_states": hidden_states, "W1": W1, "b1": b1, "W2": W2,
            "b2": b2, "assignments": assignments, "hier_w": hier_w,
            "rand_T": rand_T, "rand_b": rand_b}


def reference(hidden_states, W1, b1, W2, b2, assignments, hier_w, rand_T, rand_b):
    current = hidden_states
    level_outputs = []
    for l in range(L):
        # level router: Linear -> ReLU -> (Dropout eval=no-op) -> Linear
        h = jnp.maximum(current @ W1[l] + b1[l], 0.0)
        scores = h @ W2[l] + b2[l]
        probs = jax.nn.softmax(scores, axis=-1)
        top_idx = jnp.argmax(probs, axis=-1)  # topk k=1
        masks = jax.nn.one_hot(top_idx, E, dtype=jnp.float32)  # [B, S, E]
        level_output = jnp.zeros_like(current)
        for e in range(E):
            mask = masks[:, :, e:e + 1]
            expert_input = current * mask
            T = assignments[l, e] * rand_T[l, e]
            bb = assignments[l, e] * rand_b[l, e]
            expert_out = expert_input @ T + bb
            level_output = level_output + expert_out * mask
        level_outputs.append(level_output)
        current = level_output
    hw = jax.nn.softmax(hier_w, axis=0)
    final = jnp.zeros_like(hidden_states)
    for l in range(L):
        final = final + hw[l] * level_outputs[l]
    return final

if __name__ == "__main__":
    import jax
    _d = setup_inputs()
    print(jax.jit(kernel)(*tuple(_d.values())))

</pallas_src>

<mosaic_0001>
#map = affine_map<(d0, d1) -> (0, 0)>
module attributes {stable_mosaic.version = 14 : i64} {
  func.func @k(%arg0: i32, %arg1: i32, %arg2: memref<32x64xi32, #tpu.memory_space<hbm>>, %arg3: memref<2048x768xf32, #tpu.memory_space<hbm>>, %arg4: memref<2048x128xi32, #tpu.memory_space<hbm>>, %arg5: memref<2048x768xf32, #tpu.memory_space<hbm>>, %arg6: memref<2048x128xi32, #tpu.memory_space<hbm>>, %arg7: memref<64xi32, #tpu.memory_space<vmem>>, %arg8: memref<64x128xi32, #tpu.memory_space<vmem>>, %arg9: memref<64x768xf32, #tpu.memory_space<vmem>>, %arg10: memref<!tpu.dma_semaphore, #tpu.memory_space<semaphore_mem>>) attributes {dimension_semantics = [#tpu.dimension_semantics<core_parallel>, #tpu.dimension_semantics<subcore_parallel>], iteration_bounds = array<i64: 2, 16>, scalar_prefetch = 0 : i64, scratch_operands = 4 : i64, tpu.core_type = #tpu.core_type<sc_vector_subcore>, window_params = [{transform_indices = #map}, {transform_indices = #map}, {transform_indices = #map}, {transform_indices = #map}, {transform_indices = #map}]} {
    %mul3A = arith.constant 2 : i32
    %mul3A_0 = arith.muli %arg1, %mul3A : i32
    %add3A = arith.addi %mul3A_0, %arg0 : i32
    "tpu.region"() ({
      %run_scoped3A = tpu.sem_alloc : memref<!tpu.dma_semaphore, #tpu.memory_space<semaphore_mem>>
      %dma_start3A_15 = arith.constant 0 : i32
      %dma_start3A_16 = tpu.memref_slice %arg2[%add3A, %dma_start3A_15] : memref<32x64xi32, #tpu.memory_space<hbm>> -> memref<1x64xi32, #tpu.memory_space<hbm>>
      %dma_start3A_17 = tpu.memref_squeeze %dma_start3A_16 : memref<1x64xi32, #tpu.memory_space<hbm>> -> memref<64xi32, #tpu.memory_space<hbm>>
      %dma_start3A_18 = arith.constant 0 : i32
      %dma_start3A_19 = tpu.memref_slice %arg2[%add3A, %dma_start3A_18] : memref<32x64xi32, #tpu.memory_space<hbm>> -> memref<1x64xi32, #tpu.memory_space<hbm>>
      %dma_start3A_20 = tpu.memref_squeeze %dma_start3A_19 : memref<1x64xi32, #tpu.memory_space<hbm>> -> memref<64xi32, #tpu.memory_space<hbm>>
      tpu.enqueue_dma source(%dma_start3A_20 : memref<64xi32, #tpu.memory_space<hbm>>) target(%arg7 : memref<64xi32, #tpu.memory_space<vmem>>) target_semaphore(%run_scoped3A : memref<!tpu.dma_semaphore, #tpu.memory_space<semaphore_mem>>)
      %dma_wait3A_21 = arith.constant 0 : i32
      %dma_wait3A_22 = tpu.memref_slice %arg2[%add3A, %dma_wait3A_21] : memref<32x64xi32, #tpu.memory_space<hbm>> -> memref<1x64xi32, #tpu.memory_space<hbm>>
      %dma_wait3A_23 = tpu.memref_squeeze %dma_wait3A_22 : memref<1x64xi32, #tpu.memory_space<hbm>> -> memref<64xi32, #tpu.memory_space<hbm>>
      %dma_wait3A_24 = arith.constant 0 : i32
      %dma_wait3A_25 = tpu.memref_slice %arg2[%add3A, %dma_wait3A_24] : memref<32x64xi32, #tpu.memory_space<hbm>> -> memref<1x64xi32, #tpu.memory_space<hbm>>
      %dma_wait3A_26 = tpu.memref_squeeze %dma_wait3A_25 : memref<1x64xi32, #tpu.memory_space<hbm>> -> memref<64xi32, #tpu.memory_space<hbm>>
      tpu.wait_dma2 semaphore(%run_scoped3A : memref<!tpu.dma_semaphore, #tpu.memory_space<semaphore_mem>>) src(%dma_wait3A_26 : memref<64xi32, #tpu.memory_space<hbm>>) dst(%arg7 : memref<64xi32, #tpu.memory_space<vmem>>)
      tpu.yield
    }) : () -> ()
    %mul3A_1 = arith.constant 64 : i32
    %mul3A_2 = arith.muli %add3A, %mul3A_1 : i32
    "tpu.region"() ({
      %run_scoped3A = tpu.sem_alloc : memref<!tpu.dma_semaphore, #tpu.memory_space<semaphore_mem>>
      %dma_start3A_15 = arith.constant 0 : i32
      %dma_start3A_16 = tpu.memref_slice %arg3[%mul3A_2, %dma_start3A_15] : memref<2048x768xf32, #tpu.memory_space<hbm>> -> memref<64x768xf32, #tpu.memory_space<hbm>>
      %dma_start3A_17 = arith.constant 0 : i32
      %dma_start3A_18 = tpu.memref_slice %arg3[%mul3A_2, %dma_start3A_17] : memref<2048x768xf32, #tpu.memory_space<hbm>> -> memref<64x768xf32, #tpu.memory_space<hbm>>
      tpu.enqueue_dma source(%dma_start3A_18 : memref<64x768xf32, #tpu.memory_space<hbm>>) target(%arg9 : memref<64x768xf32, #tpu.memory_space<vmem>>) target_semaphore(%run_scoped3A : memref<!tpu.dma_semaphore, #tpu.memory_space<semaphore_mem>>)
      %dma_wait3A_19 = arith.constant 0 : i32
      %dma_wait3A_20 = tpu.memref_slice %arg3[%mul3A_2, %dma_wait3A_19] : memref<2048x768xf32, #tpu.memory_space<hbm>> -> memref<64x768xf32, #tpu.memory_space<hbm>>
      %dma_wait3A_21 = arith.constant 0 : i32
      %dma_wait3A_22 = tpu.memref_slice %arg3[%mul3A_2, %dma_wait3A_21] : memref<2048x768xf32, #tpu.memory_space<hbm>> -> memref<64x768xf32, #tpu.memory_space<hbm>>
      tpu.wait_dma2 semaphore(%run_scoped3A : memref<!tpu.dma_semaphore, #tpu.memory_space<semaphore_mem>>) src(%dma_wait3A_22 : memref<64x768xf32, #tpu.memory_space<hbm>>) dst(%arg9 : memref<64x768xf32, #tpu.memory_space<vmem>>)
      tpu.yield
    }) : () -> ()
    %mul3A_3 = arith.constant 64 : i32
    %mul3A_4 = arith.muli %add3A, %mul3A_3 : i32
    "tpu.region"() ({
      %run_scoped3A = tpu.sem_alloc : memref<!tpu.dma_semaphore, #tpu.memory_space<semaphore_mem>>
      %dma_start3A_15 = arith.constant 0 : i32
      %dma_start3A_16 = tpu.memref_slice %arg4[%mul3A_4, %dma_start3A_15] : memref<2048x128xi32, #tpu.memory_space<hbm>> -> memref<64x128xi32, #tpu.memory_space<hbm>>
      %dma_start3A_17 = arith.constant 0 : i32
      %dma_start3A_18 = tpu.memref_slice %arg4[%mul3A_4, %dma_start3A_17] : memref<2048x128xi32, #tpu.memory_space<hbm>> -> memref<64x128xi32, #tpu.memory_space<hbm>>
      tpu.enqueue_dma source(%dma_start3A_18 : memref<64x128xi32, #tpu.memory_space<hbm>>) target(%arg8 : memref<64x128xi32, #tpu.memory_space<vmem>>) target_semaphore(%run_scoped3A : memref<!tpu.dma_semaphore, #tpu.memory_space<semaphore_mem>>)
      %dma_wait3A_19 = arith.constant 0 : i32
      %dma_wait3A_20 = tpu.memref_slice %arg4[%mul3A_4, %dma_wait3A_19] : memref<2048x128xi32, #tpu.memory_space<hbm>> -> memref<64x128xi32, #tpu.memory_space<hbm>>
      %dma_wait3A_21 = arith.constant 0 : i32
      %dma_wait3A_22 = tpu.memref_slice %arg4[%mul3A_4, %dma_wait3A_21] : memref<2048x128xi32, #tpu.memory_space<hbm>> -> memref<64x128xi32, #tpu.memory_space<hbm>>
      tpu.wait_dma2 semaphore(%run_scoped3A : memref<!tpu.dma_semaphore, #tpu.memory_space<semaphore_mem>>) src(%dma_wait3A_22 : memref<64x128xi32, #tpu.memory_space<hbm>>) dst(%arg8 : memref<64x128xi32, #tpu.memory_space<vmem>>)
      tpu.yield
    }) : () -> ()
    %dma_start3A = arith.constant 0 : i32
    %dma_start3A_5 = arith.constant 0 : i32
    %dma_start3A_6 = tpu.memref_slice %arg5[%dma_start3A, %dma_start3A_5] : memref<2048x768xf32, #tpu.memory_space<hbm>> -> memref<2048x768xf32, #tpu.memory_space<hbm>>
    tpu.enqueue_indirect_dma source(%arg9 : memref<64x768xf32, #tpu.memory_space<vmem>>) target(%dma_start3A_6 : memref<2048x768xf32, #tpu.memory_space<hbm>>) offsets(%arg7 : memref<64xi32, #tpu.memory_space<vmem>>) semaphore(%arg10 : memref<!tpu.dma_semaphore, #tpu.memory_space<semaphore_mem>>)
    %dma_start3A_7 = arith.constant 0 : i32
    %dma_start3A_8 = arith.constant 0 : i32
    %dma_start3A_9 = tpu.memref_slice %arg6[%dma_start3A_7, %dma_start3A_8] : memref<2048x128xi32, #tpu.memory_space<hbm>> -> memref<2048x128xi32, #tpu.memory_space<hbm>>
    tpu.enqueue_indirect_dma source(%arg8 : memref<64x128xi32, #tpu.memory_space<vmem>>) target(%dma_start3A_9 : memref<2048x128xi32, #tpu.memory_space<hbm>>) offsets(%arg7 : memref<64xi32, #tpu.memory_space<vmem>>) semaphore(%arg10 : memref<!tpu.dma_semaphore, #tpu.memory_space<semaphore_mem>>)
    %dma_wait3A = arith.constant 0 : i32
    %dma_wait3A_10 = arith.constant 0 : i32
    %dma_wait3A_11 = tpu.memref_slice %arg5[%dma_wait3A, %dma_wait3A_10] : memref<2048x768xf32, #tpu.memory_space<hbm>> -> memref<2048x768xf32, #tpu.memory_space<hbm>>
    tpu.wait_indirect_dma semaphore(%arg10 : memref<!tpu.dma_semaphore, #tpu.memory_space<semaphore_mem>>) src(%arg9 : memref<64x768xf32, #tpu.memory_space<vmem>>) dst(%dma_wait3A_11 : memref<2048x768xf32, #tpu.memory_space<hbm>>)
    %dma_wait3A_12 = arith.constant 0 : i32
    %dma_wait3A_13 = arith.constant 0 : i32
    %dma_wait3A_14 = tpu.memref_slice %arg6[%dma_wait3A_12, %dma_wait3A_13] : memref<2048x128xi32, #tpu.memory_space<hbm>> -> memref<2048x128xi32, #tpu.memory_space<hbm>>
    tpu.wait_indirect_dma semaphore(%arg10 : memref<!tpu.dma_semaphore, #tpu.memory_space<semaphore_mem>>) src(%arg8 : memref<64x128xi32, #tpu.memory_space<vmem>>) dst(%dma_wait3A_14 : memref<2048x128xi32, #tpu.memory_space<hbm>>)
    return
  }
}

#map = affine_map<(d0, d1) -> (0, 0)>
module attributes {stable_mosaic.version = 14 : i64} {
  func.func @k(%arg0: i32, %arg1: i32, %arg2: memref<32x64xi32, #tpu.memory_space<hbm>>, %arg3: memref<2048x768xf32, #tpu.memory_space<hbm>>, %arg4: memref<2048x768xf32, #tpu.memory_space<hbm>>, %arg5: memref<64xi32, #tpu.memory_space<vmem>>, %arg6: memref<64x768xf32, #tpu.memory_space<vmem>>, %arg7: memref<!tpu.dma_semaphore, #tpu.memory_space<semaphore_mem>>) attributes {dimension_semantics = [#tpu.dimension_semantics<core_parallel>, #tpu.dimension_semantics<subcore_parallel>], iteration_bounds = array<i64: 2, 16>, scalar_prefetch = 0 : i64, scratch_operands = 3 : i64, tpu.core_type = #tpu.core_type<sc_vector_subcore>, window_params = [{transform_indices = #map}, {transform_indices = #map}, {transform_indices = #map}]} {
    %mul3A = arith.constant 2 : i32
    %mul3A_0 = arith.muli %arg1, %mul3A : i32
    %add3A = arith.addi %mul3A_0, %arg0 : i32
    "tpu.region"() ({
      %run_scoped3A = tpu.sem_alloc : memref<!tpu.dma_semaphore, #tpu.memory_space<semaphore_mem>>
      %dma_start3A_7 = arith.constant 0 : i32
      %dma_start3A_8 = tpu.memref_slice %arg2[%add3A, %dma_start3A_7] : memref<32x64xi32, #tpu.memory_space<hbm>> -> memref<1x64xi32, #tpu.memory_space<hbm>>
      %dma_start3A_9 = tpu.memref_squeeze %dma_start3A_8 : memref<1x64xi32, #tpu.memory_space<hbm>> -> memref<64xi32, #tpu.memory_space<hbm>>
      %dma_start3A_10 = arith.constant 0 : i32
      %dma_start3A_11 = tpu.memref_slice %arg2[%add3A, %dma_start3A_10] : memref<32x64xi32, #tpu.memory_space<hbm>> -> memref<1x64xi32, #tpu.memory_space<hbm>>
      %dma_start3A_12 = tpu.memref_squeeze %dma_start3A_11 : memref<1x64xi32, #tpu.memory_space<hbm>> -> memref<64xi32, #tpu.memory_space<hbm>>
      tpu.enqueue_dma source(%dma_start3A_12 : memref<64xi32, #tpu.memory_space<hbm>>) target(%arg5 : memref<64xi32, #tpu.memory_space<vmem>>) target_semaphore(%run_scoped3A : memref<!tpu.dma_semaphore, #tpu.memory_space<semaphore_mem>>)
      %dma_wait3A_13 = arith.constant 0 : i32
      %dma_wait3A_14 = tpu.memref_slice %arg2[%add3A, %dma_wait3A_13] : memref<32x64xi32, #tpu.memory_space<hbm>> -> memref<1x64xi32, #tpu.memory_space<hbm>>
      %dma_wait3A_15 = tpu.memref_squeeze %dma_wait3A_14 : memref<1x64xi32, #tpu.memory_space<hbm>> -> memref<64xi32, #tpu.memory_space<hbm>>
      %dma_wait3A_16 = arith.constant 0 : i32
      %dma_wait3A_17 = tpu.memref_slice %arg2[%add3A, %dma_wait3A_16] : memref<32x64xi32, #tpu.memory_space<hbm>> -> memref<1x64xi32, #tpu.memory_space<hbm>>
      %dma_wait3A_18 = tpu.memref_squeeze %dma_wait3A_17 : memref<1x64xi32, #tpu.memory_space<hbm>> -> memref<64xi32, #tpu.memory_space<hbm>>
      tpu.wait_dma2 semaphore(%run_scoped3A : memref<!tpu.dma_semaphore, #tpu.memory_space<semaphore_mem>>) src(%dma_wait3A_18 : memref<64xi32, #tpu.memory_space<hbm>>) dst(%arg5 : memref<64xi32, #tpu.memory_space<vmem>>)
      tpu.yield
    }) : () -> ()
    %mul3A_1 = arith.constant 64 : i32
    %mul3A_2 = arith.muli %add3A, %mul3A_1 : i32
    "tpu.region"() ({
      %run_scoped3A = tpu.sem_alloc : memref<!tpu.dma_semaphore, #tpu.memory_space<semaphore_mem>>
      %dma_start3A_7 = arith.constant 0 : i32
      %dma_start3A_8 = tpu.memref_slice %arg3[%mul3A_2, %dma_start3A_7] : memref<2048x768xf32, #tpu.memory_space<hbm>> -> memref<64x768xf32, #tpu.memory_space<hbm>>
      %dma_start3A_9 = arith.constant 0 : i32
      %dma_start3A_10 = tpu.memref_slice %arg3[%mul3A_2, %dma_start3A_9] : memref<2048x768xf32, #tpu.memory_space<hbm>> -> memref<64x768xf32, #tpu.memory_space<hbm>>
      tpu.enqueue_dma source(%dma_start3A_10 : memref<64x768xf32, #tpu.memory_space<hbm>>) target(%arg6 : memref<64x768xf32, #tpu.memory_space<vmem>>) target_semaphore(%run_scoped3A : memref<!tpu.dma_semaphore, #tpu.memory_space<semaphore_mem>>)
      %dma_wait3A_11 = arith.constant 0 : i32
      %dma_wait3A_12 = tpu.memref_slice %arg3[%mul3A_2, %dma_wait3A_11] : memref<2048x768xf32, #tpu.memory_space<hbm>> -> memref<64x768xf32, #tpu.memory_space<hbm>>
      %dma_wait3A_13 = arith.constant 0 : i32
      %dma_wait3A_14 = tpu.memref_slice %arg3[%mul3A_2, %dma_wait3A_13] : memref<2048x768xf32, #tpu.memory_space<hbm>> -> memref<64x768xf32, #tpu.memory_space<hbm>>
      tpu.wait_dma2 semaphore(%run_scoped3A : memref<!tpu.dma_semaphore, #tpu.memory_space<semaphore_mem>>) src(%dma_wait3A_14 : memref<64x768xf32, #tpu.memory_space<hbm>>) dst(%arg6 : memref<64x768xf32, #tpu.memory_space<vmem>>)
      tpu.yield
    }) : () -> ()
    %dma_start3A = arith.constant 0 : i32
    %dma_start3A_3 = arith.constant 0 : i32
    %dma_start3A_4 = tpu.memref_slice %arg4[%dma_start3A, %dma_start3A_3] : memref<2048x768xf32, #tpu.memory_space<hbm>> -> memref<2048x768xf32, #tpu.memory_space<hbm>>
    tpu.enqueue_indirect_dma source(%arg6 : memref<64x768xf32, #tpu.memory_space<vmem>>) target(%dma_start3A_4 : memref<2048x768xf32, #tpu.memory_space<hbm>>) offsets(%arg5 : memref<64xi32, #tpu.memory_space<vmem>>) semaphore(%arg7 : memref<!tpu.dma_semaphore, #tpu.memory_space<semaphore_mem>>)
    %dma_wait3A = arith.constant 0 : i32
    %dma_wait3A_5 = arith.constant 0 : i32
    %dma_wait3A_6 = tpu.memref_slice %arg4[%dma_wait3A, %dma_wait3A_5] : memref<2048x768xf32, #tpu.memory_space<hbm>> -> memref<2048x768xf32, #tpu.memory_space<hbm>>
    tpu.wait_indirect_dma semaphore(%arg7 : memref<!tpu.dma_semaphore, #tpu.memory_space<semaphore_mem>>) src(%arg6 : memref<64x768xf32, #tpu.memory_space<vmem>>) dst(%dma_wait3A_6 : memref<2048x768xf32, #tpu.memory_space<hbm>>)
    return
  }
}

#map = affine_map<(d0, d1) -> (0, 0)>
module attributes {stable_mosaic.version = 14 : i64} {
  func.func @k(%arg0: i32, %arg1: i32, %arg2: memref<32x64xi32, #tpu.memory_space<hbm>>, %arg3: memref<2048x768xf32, #tpu.memory_space<hbm>>, %arg4: memref<2048x128xi32, #tpu.memory_space<hbm>>, %arg5: memref<2048x768xf32, #tpu.memory_space<hbm>>, %arg6: memref<2048x128xi32, #tpu.memory_space<hbm>>, %arg7: memref<64xi32, #tpu.memory_space<vmem>>, %arg8: memref<64x128xi32, #tpu.memory_space<vmem>>, %arg9: memref<64x768xf32, #tpu.memory_space<vmem>>, %arg10: memref<!tpu.dma_semaphore, #tpu.memory_space<semaphore_mem>>) attributes {dimension_semantics = [#tpu.dimension_semantics<core_parallel>, #tpu.dimension_semantics<subcore_parallel>], iteration_bounds = array<i64: 2, 16>, scalar_prefetch = 0 : i64, scratch_operands = 4 : i64, tpu.core_type = #tpu.core_type<sc_vector_subcore>, window_params = [{transform_indices = #map}, {transform_indices = #map}, {transform_indices = #map}, {transform_indices = #map}, {transform_indices = #map}]} {
    %mul3A = arith.constant 2 : i32
    %mul3A_0 = arith.muli %arg1, %mul3A : i32
    %add3A = arith.addi %mul3A_0, %arg0 : i32
    "tpu.region"() ({
      %run_scoped3A = tpu.sem_alloc : memref<!tpu.dma_semaphore, #tpu.memory_space<semaphore_mem>>
      %dma_start3A_15 = arith.constant 0 : i32
      %dma_start3A_16 = tpu.memref_slice %arg2[%add3A, %dma_start3A_15] : memref<32x64xi32, #tpu.memory_space<hbm>> -> memref<1x64xi32, #tpu.memory_space<hbm>>
      %dma_start3A_17 = tpu.memref_squeeze %dma_start3A_16 : memref<1x64xi32, #tpu.memory_space<hbm>> -> memref<64xi32, #tpu.memory_space<hbm>>
      %dma_start3A_18 = arith.constant 0 : i32
      %dma_start3A_19 = tpu.memref_slice %arg2[%add3A, %dma_start3A_18] : memref<32x64xi32, #tpu.memory_space<hbm>> -> memref<1x64xi32, #tpu.memory_space<hbm>>
      %dma_start3A_20 = tpu.memref_squeeze %dma_start3A_19 : memref<1x64xi32, #tpu.memory_space<hbm>> -> memref<64xi32, #tpu.memory_space<hbm>>
      tpu.enqueue_dma source(%dma_start3A_20 : memref<64xi32, #tpu.memory_space<hbm>>) target(%arg7 : memref<64xi32, #tpu.memory_space<vmem>>) target_semaphore(%run_scoped3A : memref<!tpu.dma_semaphore, #tpu.memory_space<semaphore_mem>>)
      %dma_wait3A_21 = arith.constant 0 : i32
      %dma_wait3A_22 = tpu.memref_slice %arg2[%add3A, %dma_wait3A_21] : memref<32x64xi32, #tpu.memory_space<hbm>> -> memref<1x64xi32, #tpu.memory_space<hbm>>
      %dma_wait3A_23 = tpu.memref_squeeze %dma_wait3A_22 : memref<1x64xi32, #tpu.memory_space<hbm>> -> memref<64xi32, #tpu.memory_space<hbm>>
      %dma_wait3A_24 = arith.constant 0 : i32
      %dma_wait3A_25 = tpu.memref_slice %arg2[%add3A, %dma_wait3A_24] : memref<32x64xi32, #tpu.memory_space<hbm>> -> memref<1x64xi32, #tpu.memory_space<hbm>>
      %dma_wait3A_26 = tpu.memref_squeeze %dma_wait3A_25 : memref<1x64xi32, #tpu.memory_space<hbm>> -> memref<64xi32, #tpu.memory_space<hbm>>
      tpu.wait_dma2 semaphore(%run_scoped3A : memref<!tpu.dma_semaphore, #tpu.memory_space<semaphore_mem>>) src(%dma_wait3A_26 : memref<64xi32, #tpu.memory_space<hbm>>) dst(%arg7 : memref<64xi32, #tpu.memory_space<vmem>>)
      tpu.yield
    }) : () -> ()
    %mul3A_1 = arith.constant 64 : i32
    %mul3A_2 = arith.muli %add3A, %mul3A_1 : i32
    "tpu.region"() ({
      %run_scoped3A = tpu.sem_alloc : memref<!tpu.dma_semaphore, #tpu.memory_space<semaphore_mem>>
      %dma_start3A_15 = arith.constant 0 : i32
      %dma_start3A_16 = tpu.memref_slice %arg3[%mul3A_2, %dma_start3A_15] : memref<2048x768xf32, #tpu.memory_space<hbm>> -> memref<64x768xf32, #tpu.memory_space<hbm>>
      %dma_start3A_17 = arith.constant 0 : i32
      %dma_start3A_18 = tpu.memref_slice %arg3[%mul3A_2, %dma_start3A_17] : memref<2048x768xf32, #tpu.memory_space<hbm>> -> memref<64x768xf32, #tpu.memory_space<hbm>>
      tpu.enqueue_dma source(%dma_start3A_18 : memref<64x768xf32, #tpu.memory_space<hbm>>) target(%arg9 : memref<64x768xf32, #tpu.memory_space<vmem>>) target_semaphore(%run_scoped3A : memref<!tpu.dma_semaphore, #tpu.memory_space<semaphore_mem>>)
      %dma_wait3A_19 = arith.constant 0 : i32
      %dma_wait3A_20 = tpu.memref_slice %arg3[%mul3A_2, %dma_wait3A_19] : memref<2048x768xf32, #tpu.memory_space<hbm>> -> memref<64x768xf32, #tpu.memory_space<hbm>>
      %dma_wait3A_21 = arith.constant 0 : i32
      %dma_wait3A_22 = tpu.memref_slice %arg3[%mul3A_2, %dma_wait3A_21] : memref<2048x768xf32, #tpu.memory_space<hbm>> -> memref<64x768xf32, #tpu.memory_space<hbm>>
      tpu.wait_dma2 semaphore(%run_scoped3A : memref<!tpu.dma_semaphore, #tpu.memory_space<semaphore_mem>>) src(%dma_wait3A_22 : memref<64x768xf32, #tpu.memory_space<hbm>>) dst(%arg9 : memref<64x768xf32, #tpu.memory_space<vmem>>)
      tpu.yield
    }) : () -> ()
    %mul3A_3 = arith.constant 64 : i32
    %mul3A_4 = arith.muli %add3A, %mul3A_3 : i32
    "tpu.region"() ({
      %run_scoped3A = tpu.sem_alloc : memref<!tpu.dma_semaphore, #tpu.memory_space<semaphore_mem>>
      %dma_start3A_15 = arith.constant 0 : i32
      %dma_start3A_16 = tpu.memref_slice %arg4[%mul3A_4, %dma_start3A_15] : memref<2048x128xi32, #tpu.memory_space<hbm>> -> memref<64x128xi32, #tpu.memory_space<hbm>>
      %dma_start3A_17 = arith.constant 0 : i32
      %dma_start3A_18 = tpu.memref_slice %arg4[%mul3A_4, %dma_start3A_17] : memref<2048x128xi32, #tpu.memory_space<hbm>> -> memref<64x128xi32, #tpu.memory_space<hbm>>
      tpu.enqueue_dma source(%dma_start3A_18 : memref<64x128xi32, #tpu.memory_space<hbm>>) target(%arg8 : memref<64x128xi32, #tpu.memory_space<vmem>>) target_semaphore(%run_scoped3A : memref<!tpu.dma_semaphore, #tpu.memory_space<semaphore_mem>>)
      %dma_wait3A_19 = arith.constant 0 : i32
      %dma_wait3A_20 = tpu.memref_slice %arg4[%mul3A_4, %dma_wait3A_19] : memref<2048x128xi32, #tpu.memory_space<hbm>> -> memref<64x128xi32, #tpu.memory_space<hbm>>
      %dma_wait3A_21 = arith.constant 0 : i32
      %dma_wait3A_22 = tpu.memref_slice %arg4[%mul3A_4, %dma_wait3A_21] : memref<2048x128xi32, #tpu.memory_space<hbm>> -> memref<64x128xi32, #tpu.memory_space<hbm>>
      tpu.wait_dma2 semaphore(%run_scoped3A : memref<!tpu.dma_semaphore, #tpu.memory_space<semaphore_mem>>) src(%dma_wait3A_22 : memref<64x128xi32, #tpu.memory_space<hbm>>) dst(%arg8 : memref<64x128xi32, #tpu.memory_space<vmem>>)
      tpu.yield
    }) : () -> ()
    %dma_start3A = arith.constant 0 : i32
    %dma_start3A_5 = arith.constant 0 : i32
    %dma_start3A_6 = tpu.memref_slice %arg5[%dma_start3A, %dma_start3A_5] : memref<2048x768xf32, #tpu.memory_space<hbm>> -> memref<2048x768xf32, #tpu.memory_space<hbm>>
    tpu.enqueue_indirect_dma source(%arg9 : memref<64x768xf32, #tpu.memory_space<vmem>>) target(%dma_start3A_6 : memref<2048x768xf32, #tpu.memory_space<hbm>>) offsets(%arg7 : memref<64xi32, #tpu.memory_space<vmem>>) semaphore(%arg10 : memref<!tpu.dma_semaphore, #tpu.memory_space<semaphore_mem>>)
    %dma_start3A_7 = arith.constant 0 : i32
    %dma_start3A_8 = arith.constant 0 : i32
    %dma_start3A_9 = tpu.memref_slice %arg6[%dma_start3A_7, %dma_start3A_8] : memref<2048x128xi32, #tpu.memory_space<hbm>> -> memref<2048x128xi32, #tpu.memory_space<hbm>>
    tpu.enqueue_indirect_dma source(%arg8 : memref<64x128xi32, #tpu.memory_space<vmem>>) target(%dma_start3A_9 : memref<2048x128xi32, #tpu.memory_space<hbm>>) offsets(%arg7 : memref<64xi32, #tpu.memory_space<vmem>>) semaphore(%arg10 : memref<!tpu.dma_semaphore, #tpu.memory_space<semaphore_mem>>)
    %dma_wait3A = arith.constant 0 : i32
    %dma_wait3A_10 = arith.constant 0 : i32
    %dma_wait3A_11 = tpu.memref_slice %arg5[%dma_wait3A, %dma_wait3A_10] : memref<2048x768xf32, #tpu.memory_space<hbm>> -> memref<2048x768xf32, #tpu.memory_space<hbm>>
    tpu.wait_indirect_dma semaphore(%arg10 : memref<!tpu.dma_semaphore, #tpu.memory_space<semaphore_mem>>) src(%arg9 : memref<64x768xf32, #tpu.memory_space<vmem>>) dst(%dma_wait3A_11 : memref<2048x768xf32, #tpu.memory_space<hbm>>)
    %dma_wait3A_12 = arith.constant 0 : i32
    %dma_wait3A_13 = arith.constant 0 : i32
    %dma_wait3A_14 = tpu.memref_slice %arg6[%dma_wait3A_12, %dma_wait3A_13] : memref<2048x128xi32, #tpu.memory_space<hbm>> -> memref<2048x128xi32, #tpu.memory_space<hbm>>
    tpu.wait_indirect_dma semaphore(%arg10 : memref<!tpu.dma_semaphore, #tpu.memory_space<semaphore_mem>>) src(%arg8 : memref<64x128xi32, #tpu.memory_space<vmem>>) dst(%dma_wait3A_14 : memref<2048x128xi32, #tpu.memory_space<hbm>>)
    return
  }
}

#map = affine_map<(d0, d1) -> (0, 0)>
module attributes {stable_mosaic.version = 14 : i64} {
  func.func @k(%arg0: i32, %arg1: i32, %arg2: memref<32x64xi32, #tpu.memory_space<hbm>>, %arg3: memref<2048x128xi32, #tpu.memory_space<hbm>>, %arg4: memref<2048x768xf32, #tpu.memory_space<hbm>>, %arg5: memref<2048x768xf32, #tpu.memory_space<hbm>>, %arg6: memref<2048x768xf32, #tpu.memory_space<hbm>>, %arg7: memref<2048x768xf32, #tpu.memory_space<hbm>>, %arg8: memref<2048x128xi32, #tpu.memory_space<hbm>>, %arg9: memref<64xi32, #tpu.memory_space<vmem>>, %arg10: memref<64x128xi32, #tpu.memory_space<vmem>>, %arg11: memref<64x768xf32, #tpu.memory_space<vmem>>, %arg12: memref<64x768xf32, #tpu.memory_space<vmem>>, %arg13: memref<!tpu.dma_semaphore, #tpu.memory_space<semaphore_mem>>) attributes {dimension_semantics = [#tpu.dimension_semantics<core_parallel>, #tpu.dimension_semantics<subcore_parallel>], iteration_bounds = array<i64: 2, 16>, scalar_prefetch = 0 : i64, scratch_operands = 5 : i64, tpu.core_type = #tpu.core_type<sc_vector_subcore>, window_params = [{transform_indices = #map}, {transform_indices = #map}, {transform_indices = #map}, {transform_indices = #map}, {transform_indices = #map}, {transform_indices = #map}, {transform_indices = #map}]} {
    %mul3A = arith.constant 2 : i32
    %mul3A_0 = arith.muli %arg1, %mul3A : i32
    %add3A = arith.addi %mul3A_0, %arg0 : i32
    "tpu.region"() ({
      %run_scoped3A = tpu.sem_alloc : memref<!tpu.dma_semaphore, #tpu.memory_space<semaphore_mem>>
      %dma_start3A_23 = arith.constant 0 : i32
      %dma_start3A_24 = tpu.memref_slice %arg2[%add3A, %dma_start3A_23] : memref<32x64xi32, #tpu.memory_space<hbm>> -> memref<1x64xi32, #tpu.memory_space<hbm>>
      %dma_start3A_25 = tpu.memref_squeeze %dma_start3A_24 : memref<1x64xi32, #tpu.memory_space<hbm>> -> memref<64xi32, #tpu.memory_space<hbm>>
      %dma_start3A_26 = arith.constant 0 : i32
      %dma_start3A_27 = tpu.memref_slice %arg2[%add3A, %dma_start3A_26] : memref<32x64xi32, #tpu.memory_space<hbm>> -> memref<1x64xi32, #tpu.memory_space<hbm>>
      %dma_start3A_28 = tpu.memref_squeeze %dma_start3A_27 : memref<1x64xi32, #tpu.memory_space<hbm>> -> memref<64xi32, #tpu.memory_space<hbm>>
      tpu.enqueue_dma source(%dma_start3A_28 : memref<64xi32, #tpu.memory_space<hbm>>) target(%arg9 : memref<64xi32, #tpu.memory_space<vmem>>) target_semaphore(%run_scoped3A : memref<!tpu.dma_semaphore, #tpu.memory_space<semaphore_mem>>)
      %dma_wait3A_29 = arith.constant 0 : i32
      %dma_wait3A_30 = tpu.memref_slice %arg2[%add3A, %dma_wait3A_29] : memref<32x64xi32, #tpu.memory_space<hbm>> -> memref<1x64xi32, #tpu.memory_space<hbm>>
      %dma_wait3A_31 = tpu.memref_squeeze %dma_wait3A_30 : memref<1x64xi32, #tpu.memory_space<hbm>> -> memref<64xi32, #tpu.memory_space<hbm>>
      %dma_wait3A_32 = arith.constant 0 : i32
      %dma_wait3A_33 = tpu.memref_slice %arg2[%add3A, %dma_wait3A_32] : memref<32x64xi32, #tpu.memory_space<hbm>> -> memref<1x64xi32, #tpu.memory_space<hbm>>
      %dma_wait3A_34 = tpu.memref_squeeze %dma_wait3A_33 : memref<1x64xi32, #tpu.memory_space<hbm>> -> memref<64xi32, #tpu.memory_space<hbm>>
      tpu.wait_dma2 semaphore(%run_scoped3A : memref<!tpu.dma_semaphore, #tpu.memory_space<semaphore_mem>>) src(%dma_wait3A_34 : memref<64xi32, #tpu.memory_space<hbm>>) dst(%arg9 : memref<64xi32, #tpu.memory_space<vmem>>)
      tpu.yield
    }) : () -> ()
    %mul3A_1 = arith.constant 64 : i32
    %mul3A_2 = arith.muli %add3A, %mul3A_1 : i32
    "tpu.region"() ({
      %run_scoped3A = tpu.sem_alloc : memref<!tpu.dma_semaphore, #tpu.memory_space<semaphore_mem>>
      %dma_start3A_23 = arith.constant 0 : i32
      %dma_start3A_24 = tpu.memref_slice %arg3[%mul3A_2, %dma_start3A_23] : memref<2048x128xi32, #tpu.memory_space<hbm>> -> memref<64x128xi32, #tpu.memory_space<hbm>>
      %dma_start3A_25 = arith.constant 0 : i32
      %dma_start3A_26 = tpu.memref_slice %arg3[%mul3A_2, %dma_start3A_25] : memref<2048x128xi32, #tpu.memory_space<hbm>> -> memref<64x128xi32, #tpu.memory_space<hbm>>
      tpu.enqueue_dma source(%dma_start3A_26 : memref<64x128xi32, #tpu.memory_space<hbm>>) target(%arg10 : memref<64x128xi32, #tpu.memory_space<vmem>>) target_semaphore(%run_scoped3A : memref<!tpu.dma_semaphore, #tpu.memory_space<semaphore_mem>>)
      %dma_wait3A_27 = arith.constant 0 : i32
      %dma_wait3A_28 = tpu.memref_slice %arg3[%mul3A_2, %dma_wait3A_27] : memref<2048x128xi32, #tpu.memory_space<hbm>> -> memref<64x128xi32, #tpu.memory_space<hbm>>
      %dma_wait3A_29 = arith.constant 0 : i32
      %dma_wait3A_30 = tpu.memref_slice %arg3[%mul3A_2, %dma_wait3A_29] : memref<2048x128xi32, #tpu.memory_space<hbm>> -> memref<64x128xi32, #tpu.memory_space<hbm>>
      tpu.wait_dma2 semaphore(%run_scoped3A : memref<!tpu.dma_semaphore, #tpu.memory_space<semaphore_mem>>) src(%dma_wait3A_30 : memref<64x128xi32, #tpu.memory_space<hbm>>) dst(%arg10 : memref<64x128xi32, #tpu.memory_space<vmem>>)
      tpu.yield
    }) : () -> ()
    %mul3A_3 = arith.constant 64 : i32
    %mul3A_4 = arith.muli %add3A, %mul3A_3 : i32
    "tpu.region"() ({
      %run_scoped3A = tpu.sem_alloc : memref<!tpu.dma_semaphore, #tpu.memory_space<semaphore_mem>>
      %dma_start3A_23 = arith.constant 0 : i32
      %dma_start3A_24 = tpu.memref_slice %arg4[%mul3A_4, %dma_start3A_23] : memref<2048x768xf32, #tpu.memory_space<hbm>> -> memref<64x768xf32, #tpu.memory_space<hbm>>
      %dma_start3A_25 = arith.constant 0 : i32
      %dma_start3A_26 = tpu.memref_slice %arg4[%mul3A_4, %dma_start3A_25] : memref<2048x768xf32, #tpu.memory_space<hbm>> -> memref<64x768xf32, #tpu.memory_space<hbm>>
      tpu.enqueue_dma source(%dma_start3A_26 : memref<64x768xf32, #tpu.memory_space<hbm>>) target(%arg11 : memref<64x768xf32, #tpu.memory_space<vmem>>) target_semaphore(%run_scoped3A : memref<!tpu.dma_semaphore, #tpu.memory_space<semaphore_mem>>)
      %dma_wait3A_27 = arith.constant 0 : i32
      %dma_wait3A_28 = tpu.memref_slice %arg4[%mul3A_4, %dma_wait3A_27] : memref<2048x768xf32, #tpu.memory_space<hbm>> -> memref<64x768xf32, #tpu.memory_space<hbm>>
      %dma_wait3A_29 = arith.constant 0 : i32
      %dma_wait3A_30 = tpu.memref_slice %arg4[%mul3A_4, %dma_wait3A_29] : memref<2048x768xf32, #tpu.memory_space<hbm>> -> memref<64x768xf32, #tpu.memory_space<hbm>>
      tpu.wait_dma2 semaphore(%run_scoped3A : memref<!tpu.dma_semaphore, #tpu.memory_space<semaphore_mem>>) src(%dma_wait3A_30 : memref<64x768xf32, #tpu.memory_space<hbm>>) dst(%arg11 : memref<64x768xf32, #tpu.memory_space<vmem>>)
      tpu.yield
    }) : () -> ()
    %mul3A_5 = arith.constant 64 : i32
    %mul3A_6 = arith.muli %add3A, %mul3A_5 : i32
    "tpu.region"() ({
      %run_scoped3A = tpu.sem_alloc : memref<!tpu.dma_semaphore, #tpu.memory_space<semaphore_mem>>
      %dma_start3A_23 = arith.constant 0 : i32
      %dma_start3A_24 = tpu.memref_slice %arg5[%mul3A_6, %dma_start3A_23] : memref<2048x768xf32, #tpu.memory_space<hbm>> -> memref<64x768xf32, #tpu.memory_space<hbm>>
      %dma_start3A_25 = arith.constant 0 : i32
      %dma_start3A_26 = tpu.memref_slice %arg5[%mul3A_6, %dma_start3A_25] : memref<2048x768xf32, #tpu.memory_space<hbm>> -> memref<64x768xf32, #tpu.memory_space<hbm>>
      tpu.enqueue_dma source(%dma_start3A_26 : memref<64x768xf32, #tpu.memory_space<hbm>>) target(%arg12 : memref<64x768xf32, #tpu.memory_space<vmem>>) target_semaphore(%run_scoped3A : memref<!tpu.dma_semaphore, #tpu.memory_space<semaphore_mem>>)
      %dma_wait3A_27 = arith.constant 0 : i32
      %dma_wait3A_28 = tpu.memref_slice %arg5[%mul3A_6, %dma_wait3A_27] : memref<2048x768xf32, #tpu.memory_space<hbm>> -> memref<64x768xf32, #tpu.memory_space<hbm>>
      %dma_wait3A_29 = arith.constant 0 : i32
      %dma_wait3A_30 = tpu.memref_slice %arg5[%mul3A_6, %dma_wait3A_29] : memref<2048x768xf32, #tpu.memory_space<hbm>> -> memref<64x768xf32, #tpu.memory_space<hbm>>
      tpu.wait_dma2 semaphore(%run_scoped3A : memref<!tpu.dma_semaphore, #tpu.memory_space<semaphore_mem>>) src(%dma_wait3A_30 : memref<64x768xf32, #tpu.memory_space<hbm>>) dst(%arg12 : memref<64x768xf32, #tpu.memory_space<vmem>>)
      tpu.yield
    }) : () -> ()
    %dma_start3A = arith.constant 0 : i32
    %dma_start3A_7 = arith.constant 0 : i32
    %dma_start3A_8 = tpu.memref_slice %arg6[%dma_start3A, %dma_start3A_7] : memref<2048x768xf32, #tpu.memory_space<hbm>> -> memref<2048x768xf32, #tpu.memory_space<hbm>>
    tpu.enqueue_indirect_dma source(%arg11 : memref<64x768xf32, #tpu.memory_space<vmem>>) target(%dma_start3A_8 : memref<2048x768xf32, #tpu.memory_space<hbm>>) offsets(%arg9 : memref<64xi32, #tpu.memory_space<vmem>>) semaphore(%arg13 : memref<!tpu.dma_semaphore, #tpu.memory_space<semaphore_mem>>)
    %dma_start3A_9 = arith.constant 0 : i32
    %dma_start3A_10 = arith.constant 0 : i32
    %dma_start3A_11 = tpu.memref_slice %arg7[%dma_start3A_9, %dma_start3A_10] : memref<2048x768xf32, #tpu.memory_space<hbm>> -> memref<2048x768xf32, #tpu.memory_space<hbm>>
    tpu.enqueue_indirect_dma source(%arg12 : memref<64x768xf32, #tpu.memory_space<vmem>>) target(%dma_start3A_11 : memref<2048x768xf32, #tpu.memory_space<hbm>>) offsets(%arg9 : memref<64xi32, #tpu.memory_space<vmem>>) semaphore(%arg13 : memref<!tpu.dma_semaphore, #tpu.memory_space<semaphore_mem>>)
    %dma_start3A_12 = arith.constant 0 : i32
    %dma_start3A_13 = arith.constant 0 : i32
    %dma_start3A_14 = tpu.memref_slice %arg8[%dma_start3A_12, %dma_start3A_13] : memref<2048x128xi32, #tpu.memory_space<hbm>> -> memref<2048x128xi32, #tpu.memory_space<hbm>>
    tpu.enqueue_indirect_dma source(%arg10 : memref<64x128xi32, #tpu.memory_space<vmem>>) target(%dma_start3A_14 : memref<2048x128xi32, #tpu.memory_space<hbm>>) offsets(%arg9 : memref<64xi32, #tpu.memory_space<vmem>>) semaphore(%arg13 : memref<!tpu.dma_semaphore, #tpu.memory_space<semaphore_mem>>)
    %dma_wait3A = arith.constant 0 : i32
    %dma_wait3A_15 = arith.constant 0 : i32
    %dma_wait3A_16 = tpu.memref_slice %arg6[%dma_wait3A, %dma_wait3A_15] : memref<2048x768xf32, #tpu.memory_space<hbm>> -> memref<2048x768xf32, #tpu.memory_space<hbm>>
    tpu.wait_indirect_dma semaphore(%arg13 : memref<!tpu.dma_semaphore, #tpu.memory_space<semaphore_mem>>) src(%arg11 : memref<64x768xf32, #tpu.memory_space<vmem>>) dst(%dma_wait3A_16 : memref<2048x768xf32, #tpu.memory_space<hbm>>)
    %dma_wait3A_17 = arith.constant 0 : i32
    %dma_wait3A_18 = arith.constant 0 : i32
    %dma_wait3A_19 = tpu.memref_slice %arg7[%dma_wait3A_17, %dma_wait3A_18] : memref<2048x768xf32, #tpu.memory_space<hbm>> -> memref<2048x768xf32, #tpu.memory_space<hbm>>
    tpu.wait_indirect_dma semaphore(%arg13 : memref<!tpu.dma_semaphore, #tpu.memory_space<semaphore_mem>>) src(%arg12 : memref<64x768xf32, #tpu.memory_space<vmem>>) dst(%dma_wait3A_19 : memref<2048x768xf32, #tpu.memory_space<hbm>>)
    %dma_wait3A_20 = arith.constant 0 : i32
    %dma_wait3A_21 = arith.constant 0 : i32
    %dma_wait3A_22 = tpu.memref_slice %arg8[%dma_wait3A_20, %dma_wait3A_21] : memref<2048x128xi32, #tpu.memory_space<hbm>> -> memref<2048x128xi32, #tpu.memory_space<hbm>>
    tpu.wait_indirect_dma semaphore(%arg13 : memref<!tpu.dma_semaphore, #tpu.memory_space<semaphore_mem>>) src(%arg10 : memref<64x128xi32, #tpu.memory_space<vmem>>) dst(%dma_wait3A_22 : memref<2048x128xi32, #tpu.memory_space<hbm>>)
    return
  }
}

module attributes {stable_mosaic.version = 14 : i64} {
  func.func @_router_body(%arg0: memref<2048x768xf32, #tpu.memory_space<vmem>>, %arg1: memref<768x384xf32, #tpu.memory_space<vmem>>, %arg2: memref<1x384xf32, #tpu.memory_space<vmem>>, %arg3: memref<384x8xf32, #tpu.memory_space<vmem>>, %arg4: memref<1x8xf32, #tpu.memory_space<vmem>>, %arg5: memref<16x128xi32, #tpu.memory_space<vmem>>, %arg6: memref<2048x1xi32, #tpu.memory_space<vmem>>, %arg7: memref<16x1xi32, #tpu.memory_space<vmem>>, %arg8: memref<16x1xi32, #tpu.memory_space<vmem>>, %arg9: memref<16x1xi32, #tpu.memory_space<vmem>>, %arg10: memref<16x1xi32, #tpu.memory_space<vmem>>, %arg11: memref<2048x128xi32, #tpu.memory_space<vmem>>) attributes {dimension_semantics = [], scalar_prefetch = 0 : i64, scratch_operands = 0 : i64, tpu.core_type = #tpu.core_type<tc>} {
    %get3A = arith.constant 0 : index
    %get3A_0 = arith.constant 0 : index
    %get3A_1 = vector.load %arg0[%get3A, %get3A_0] : memref<2048x768xf32, #tpu.memory_space<vmem>>, vector<2048x768xf32>
    %get3A_2 = arith.constant 0 : index
    %get3A_3 = arith.constant 0 : index
    %get3A_4 = vector.load %arg1[%get3A_2, %get3A_3] : memref<768x384xf32, #tpu.memory_space<vmem>>, vector<768x384xf32>
    %get3A_5 = arith.constant 0 : index
    %get3A_6 = arith.constant 0 : index
    %get3A_7 = vector.load %arg2[%get3A_5, %get3A_6] : memref<1x384xf32, #tpu.memory_space<vmem>>, vector<1x384xf32>
    %get3A_8 = arith.constant 0 : index
    %get3A_9 = arith.constant 0 : index
    %get3A_10 = vector.load %arg3[%get3A_8, %get3A_9] : memref<384x8xf32, #tpu.memory_space<vmem>>, vector<384x8xf32>
    %get3A_11 = arith.constant 0 : index
    %get3A_12 = arith.constant 0 : index
    %get3A_13 = vector.load %arg4[%get3A_11, %get3A_12] : memref<1x8xf32, #tpu.memory_space<vmem>>, vector<1x8xf32>
    %dot_general3A = arith.constant dense<0.000000e+00> : vector<2048x384xf32>
    %dot_general3A_14 = tpu.matmul %get3A_1, %get3A_4, %dot_general3A {dimension_numbers = #tpu.dot_dimension_numbers<[1], [0], [0], [1], [0, 0, 1, 1], [], []>, transpose_lhs_hint = false} : vector<2048x768xf32>, vector<768x384xf32>, vector<2048x384xf32> -> vector<2048x384xf32>
    %add3A = vector.broadcast %get3A_7 : vector<1x384xf32> to vector<2048x384xf32>
    %add3A_15 = arith.addf %dot_general3A_14, %add3A : vector<2048x384xf32>
    %max3A = arith.constant 0.000000e+00 : f32
    %max3A_16 = vector.broadcast %max3A : f32 to vector<2048x384xf32>
    %max3A_17 = arith.maximumf %add3A_15, %max3A_16 : vector<2048x384xf32>
    %dot_general3A_18 = arith.constant dense<0.000000e+00> : vector<2048x8xf32>
    %dot_general3A_19 = tpu.matmul %max3A_17, %get3A_10, %dot_general3A_18 {dimension_numbers = #tpu.dot_dimension_numbers<[1], [0], [0], [1], [0, 0, 1, 1], [], []>, transpose_lhs_hint = false} : vector<2048x384xf32>, vector<384x8xf32>, vector<2048x8xf32> -> vector<2048x8xf32>
    %add3A_20 = vector.broadcast %get3A_13 : vector<1x8xf32> to vector<2048x8xf32>
    %add3A_21 = arith.addf %dot_general3A_19, %add3A_20 : vector<2048x8xf32>
    %reduce_max3A = arith.constant dense<0xFF800000> : vector<2048xf32>
    %reduce_max3A_22 = vector.multi_reduction <maximumf>, %add3A_21, %reduce_max3A [1] : vector<2048x8xf32> to vector<2048xf32>
    %max3A_23 = arith.constant 0xFF800000 : f32
    %max3A_24 = vector.broadcast %max3A_23 : f32 to vector<2048xf32>
    %max3A_25 = arith.maximumf %max3A_24, %reduce_max3A_22 : vector<2048xf32>
    %broadcast_in_dim3A = vector.shape_cast %max3A_25 : vector<2048xf32> to vector<2048x1xf32>
    %sub3A = vector.broadcast %broadcast_in_dim3A : vector<2048x1xf32> to vector<2048x8xf32>
    %sub3A_26 = arith.subf %add3A_21, %sub3A : vector<2048x8xf32>
    %exp3A = math.exp %sub3A_26 : vector<2048x8xf32>
    %reduce_sum3A = arith.constant dense<0.000000e+00> : vector<2048xf32>
    %reduce_sum3A_27 = vector.multi_reduction <add>, %exp3A, %reduce_sum3A [1] : vector<2048x8xf32> to vector<2048xf32>
    %broadcast_in_dim3A_28 = vector.shape_cast %reduce_sum3A_27 : vector<2048xf32> to vector<2048x1xf32>
    %div3A = vector.broadcast %broadcast_in_dim3A_28 : vector<2048x1xf32> to vector<2048x8xf32>
    %div3A_29 = arith.divf %exp3A, %div3A : vector<2048x8xf32>
    %reduce_max3A_30 = arith.constant dense<0xFF800000> : vector<2048xf32>
    %reduce_max3A_31 = vector.multi_reduction <maximumf>, %div3A_29, %reduce_max3A_30 [1] : vector<2048x8xf32> to vector<2048xf32>
    %broadcast_in_dim3A_32 = vector.shape_cast %reduce_max3A_31 : vector<2048xf32> to vector<2048x1xf32>
    %iota3A = tpu.iota {dimensions = array<i32: 1>} : vector<2048x8xi32>
    %eq3A = vector.broadcast %broadcast_in_dim3A_32 : vector<2048x1xf32> to vector<2048x8xf32>
    %eq3A_33 = arith.cmpf oeq, %div3A_29, %eq3A : vector<2048x8xf32>
    %jit3A = arith.constant 8 : i32
    %broadcast_in_dim3A_34 = vector.broadcast %jit3A : i32 to vector<2048x8xi32>
    %select_n3A = arith.select %eq3A_33, %iota3A, %broadcast_in_dim3A_34 : vector<2048x8xi1>, vector<2048x8xi32>
    %reduce_min3A = arith.constant dense<2147483647> : vector<2048xi32>
    %reduce_min3A_35 = vector.multi_reduction <minsi>, %select_n3A, %reduce_min3A [1] : vector<2048x8xi32> to vector<2048xi32>
    %broadcast_in_dim3A_36 = vector.shape_cast %reduce_min3A_35 : vector<2048xi32> to vector<2048x1xi32>
    %eq3A_37 = vector.broadcast %broadcast_in_dim3A_36 : vector<2048x1xi32> to vector<2048x8xi32>
    %eq3A_38 = arith.cmpi eq, %eq3A_37, %iota3A : vector<2048x8xi32>
    %convert_element_type3A = arith.extui %eq3A_38 : vector<2048x8xi1> to vector<2048x8xi32>
    %convert_element_type3A_39 = arith.sitofp %convert_element_type3A : vector<2048x8xi32> to vector<2048x8xf32>
    %broadcast_in_dim3A_40 = arith.constant 0.000000e+00 : f32
    %broadcast_in_dim3A_41 = vector.broadcast %broadcast_in_dim3A_40 : f32 to vector<1x8xf32>
    %slice3A = vector.extract_strided_slice %convert_element_type3A_39 {offsets = [0, 0], sizes = [2047, 8], strides = [1, 1]} : vector<2048x8xf32> to vector<2047x8xf32>
    %concatenate3A = tpu.concatenate %broadcast_in_dim3A_41, %slice3A in 0 : vector<1x8xf32>, vector<2047x8xf32> -> vector<2048x8xf32>
    %add3A_42 = arith.addf %convert_element_type3A_39, %concatenate3A : vector<2048x8xf32>
    %broadcast_in_dim3A_43 = arith.constant 0.000000e+00 : f32
    %broadcast_in_dim3A_44 = vector.broadcast %broadcast_in_dim3A_43 : f32 to vector<2x8xf32>
    %slice3A_45 = vector.extract_strided_slice %add3A_42 {offsets = [0, 0], sizes = [2046, 8], strides = [1, 1]} : vector<2048x8xf32> to vector<2046x8xf32>
    %concatenate3A_46 = tpu.concatenate %broadcast_in_dim3A_44, %slice3A_45 in 0 : vector<2x8xf32>, vector<2046x8xf32> -> vector<2048x8xf32>
    %add3A_47 = arith.addf %add3A_42, %concatenate3A_46 : vector<2048x8xf32>
    %broadcast_in_dim3A_48 = arith.constant 0.000000e+00 : f32
    %broadcast_in_dim3A_49 = vector.broadcast %broadcast_in_dim3A_48 : f32 to vector<4x8xf32>
    %slice3A_50 = vector.extract_strided_slice %add3A_47 {offsets = [0, 0], sizes = [2044, 8], strides = [1, 1]} : vector<2048x8xf32> to vector<2044x8xf32>
    %concatenate3A_51 = tpu.concatenate %broadcast_in_dim3A_49, %slice3A_50 in 0 : vector<4x8xf32>, vector<2044x8xf32> -> vector<2048x8xf32>
    %add3A_52 = arith.addf %add3A_47, %concatenate3A_51 : vector<2048x8xf32>
    %broadcast_in_dim3A_53 = arith.constant 0.000000e+00 : f32
    %broadcast_in_dim3A_54 = vector.broadcast %broadcast_in_dim3A_53 : f32 to vector<8x8xf32>
    %slice3A_55 = vector.extract_strided_slice %add3A_52 {offsets = [0, 0], sizes = [2040, 8], strides = [1, 1]} : vector<2048x8xf32> to vector<2040x8xf32>
    %concatenate3A_56 = tpu.concatenate %broadcast_in_dim3A_54, %slice3A_55 in 0 : vector<8x8xf32>, vector<2040x8xf32> -> vector<2048x8xf32>
    %add3A_57 = arith.addf %add3A_52, %concatenate3A_56 : vector<2048x8xf32>
    %broadcast_in_dim3A_58 = arith.constant 0.000000e+00 : f32
    %broadcast_in_dim3A_59 = vector.broadcast %broadcast_in_dim3A_58 : f32 to vector<16x8xf32>
    %slice3A_60 = vector.extract_strided_slice %add3A_57 {offsets = [0, 0], sizes = [2032, 8], strides = [1, 1]} : vector<2048x8xf32> to vector<2032x8xf32>
    %concatenate3A_61 = tpu.concatenate %broadcast_in_dim3A_59, %slice3A_60 in 0 : vector<16x8xf32>, vector<2032x8xf32> -> vector<2048x8xf32>
    %add3A_62 = arith.addf %add3A_57, %concatenate3A_61 : vector<2048x8xf32>
    %broadcast_in_dim3A_63 = arith.constant 0.000000e+00 : f32
    %broadcast_in_dim3A_64 = vector.broadcast %broadcast_in_dim3A_63 : f32 to vector<32x8xf32>
    %slice3A_65 = vector.extract_strided_slice %add3A_62 {offsets = [0, 0], sizes = [2016, 8], strides = [1, 1]} : vector<2048x8xf32> to vector<2016x8xf32>
    %concatenate3A_66 = tpu.concatenate %broadcast_in_dim3A_64, %slice3A_65 in 0 : vector<32x8xf32>, vector<2016x8xf32> -> vector<2048x8xf32>
    %add3A_67 = arith.addf %add3A_62, %concatenate3A_66 : vector<2048x8xf32>
    %broadcast_in_dim3A_68 = arith.constant 0.000000e+00 : f32
    %broadcast_in_dim3A_69 = vector.broadcast %broadcast_in_dim3A_68 : f32 to vector<64x8xf32>
    %slice3A_70 = vector.extract_strided_slice %add3A_67 {offsets = [0, 0], sizes = [1984, 8], strides = [1, 1]} : vector<2048x8xf32> to vector<1984x8xf32>
    %concatenate3A_71 = tpu.concatenate %broadcast_in_dim3A_69, %slice3A_70 in 0 : vector<64x8xf32>, vector<1984x8xf32> -> vector<2048x8xf32>
    %add3A_72 = arith.addf %add3A_67, %concatenate3A_71 : vector<2048x8xf32>
    %broadcast_in_dim3A_73 = arith.constant 0.000000e+00 : f32
    %broadcast_in_dim3A_74 = vector.broadcast %broadcast_in_dim3A_73 : f32 to vector<128x8xf32>
    %slice3A_75 = vector.extract_strided_slice %add3A_72 {offsets = [0, 0], sizes = [1920, 8], strides = [1, 1]} : vector<2048x8xf32> to vector<1920x8xf32>
    %concatenate3A_76 = tpu.concatenate %broadcast_in_dim3A_74, %slice3A_75 in 0 : vector<128x8xf32>, vector<1920x8xf32> -> vector<2048x8xf32>
    %add3A_77 = arith.addf %add3A_72, %concatenate3A_76 : vector<2048x8xf32>
    %broadcast_in_dim3A_78 = arith.constant 0.000000e+00 : f32
    %broadcast_in_dim3A_79 = vector.broadcast %broadcast_in_dim3A_78 : f32 to vector<256x8xf32>
    %slice3A_80 = vector.extract_strided_slice %add3A_77 {offsets = [0, 0], sizes = [1792, 8], strides = [1, 1]} : vector<2048x8xf32> to vector<1792x8xf32>
    %concatenate3A_81 = tpu.concatenate %broadcast_in_dim3A_79, %slice3A_80 in 0 : vector<256x8xf32>, vector<1792x8xf32> -> vector<2048x8xf32>
    %add3A_82 = arith.addf %add3A_77, %concatenate3A_81 : vector<2048x8xf32>
    %broadcast_in_dim3A_83 = arith.constant 0.000000e+00 : f32
    %broadcast_in_dim3A_84 = vector.broadcast %broadcast_in_dim3A_83 : f32 to vector<512x8xf32>
    %slice3A_85 = vector.extract_strided_slice %add3A_82 {offsets = [0, 0], sizes = [1536, 8], strides = [1, 1]} : vector<2048x8xf32> to vector<1536x8xf32>
    %concatenate3A_86 = tpu.concatenate %broadcast_in_dim3A_84, %slice3A_85 in 0 : vector<512x8xf32>, vector<1536x8xf32> -> vector<2048x8xf32>
    %add3A_87 = arith.addf %add3A_82, %concatenate3A_86 : vector<2048x8xf32>
    %broadcast_in_dim3A_88 = arith.constant 0.000000e+00 : f32
    %broadcast_in_dim3A_89 = vector.broadcast %broadcast_in_dim3A_88 : f32 to vector<1024x8xf32>
    %slice3A_90 = vector.extract_strided_slice %add3A_87 {offsets = [0, 0], sizes = [1024, 8], strides = [1, 1]} : vector<2048x8xf32> to vector<1024x8xf32>
    %concatenate3A_91 = tpu.concatenate %broadcast_in_dim3A_89, %slice3A_90 in 0 : vector<1024x8xf32>, vector<1024x8xf32> -> vector<2048x8xf32>
    %add3A_92 = arith.addf %add3A_87, %concatenate3A_91 : vector<2048x8xf32>
    %slice3A_93 = vector.extract_strided_slice %add3A_92 {offsets = [2047, 0], sizes = [1, 8], strides = [1, 1]} : vector<2048x8xf32> to vector<1x8xf32>
    %broadcast_in_dim3A_94 = arith.constant 0.000000e+00 : f32
    %broadcast_in_dim3A_95 = vector.broadcast %broadcast_in_dim3A_94 : f32 to vector<1x1xf32>
    %slice3A_96 = vector.extract_strided_slice %slice3A_93 {offsets = [0, 0], sizes = [1, 7], strides = [1, 1]} : vector<1x8xf32> to vector<1x7xf32>
    %concatenate3A_97 = tpu.concatenate %broadcast_in_dim3A_95, %slice3A_96 in 1 : vector<1x1xf32>, vector<1x7xf32> -> vector<1x8xf32>
    %add3A_98 = arith.addf %slice3A_93, %concatenate3A_97 : vector<1x8xf32>
    %broadcast_in_dim3A_99 = arith.constant 0.000000e+00 : f32
    %broadcast_in_dim3A_100 = vector.broadcast %broadcast_in_dim3A_99 : f32 to vector<1x2xf32>
    %slice3A_101 = vector.extract_strided_slice %add3A_98 {offsets = [0, 0], sizes = [1, 6], strides = [1, 1]} : vector<1x8xf32> to vector<1x6xf32>
    %concatenate3A_102 = tpu.concatenate %broadcast_in_dim3A_100, %slice3A_101 in 1 : vector<1x2xf32>, vector<1x6xf32> -> vector<1x8xf32>
    %add3A_103 = arith.addf %add3A_98, %concatenate3A_102 : vector<1x8xf32>
    %broadcast_in_dim3A_104 = arith.constant 0.000000e+00 : f32
    %broadcast_in_dim3A_105 = vector.broadcast %broadcast_in_dim3A_104 : f32 to vector<1x4xf32>
    %slice3A_106 = vector.extract_strided_slice %add3A_103 {offsets = [0, 0], sizes = [1, 4], strides = [1, 1]} : vector<1x8xf32> to vector<1x4xf32>
    %concatenate3A_107 = tpu.concatenate %broadcast_in_dim3A_105, %slice3A_106 in 1 : vector<1x4xf32>, vector<1x4xf32> -> vector<1x8xf32>
    %add3A_108 = arith.addf %add3A_103, %concatenate3A_107 : vector<1x8xf32>
    %sub3A_109 = arith.subf %add3A_108, %slice3A_93 : vector<1x8xf32>
    %add3A_110 = arith.addf %sub3A_109, %slice3A_93 : vector<1x8xf32>
    %add3A_111 = vector.broadcast %sub3A_109 : vector<1x8xf32> to vector<2048x8xf32>
    %add3A_112 = arith.addf %add3A_111, %add3A_92 : vector<2048x8xf32>
    %sub3A_113 = arith.constant 1.000000e+00 : f32
    %sub3A_114 = vector.broadcast %sub3A_113 : f32 to vector<2048x8xf32>
    %sub3A_115 = arith.subf %add3A_112, %sub3A_114 : vector<2048x8xf32>
    %mul3A = arith.mulf %convert_element_type3A_39, %sub3A_115 : vector<2048x8xf32>
    %reduce_sum3A_116 = arith.constant dense<0.000000e+00> : vector<2048xf32>
    %reduce_sum3A_117 = vector.multi_reduction <add>, %mul3A, %reduce_sum3A_116 [1] : vector<2048x8xf32> to vector<2048xf32>
    %broadcast_in_dim3A_118 = vector.shape_cast %reduce_sum3A_117 : vector<2048xf32> to vector<2048x1xf32>
    %convert_element_type3A_119 = arith.fptosi %broadcast_in_dim3A_118 : vector<2048x1xf32> to vector<2048x1xi32>
    %reshape3A = vector.shape_cast %convert_element_type3A_119 : vector<2048x1xi32> to vector<16x128xi32>
    %swap3A = arith.constant 0 : index
    %swap3A_120 = arith.constant 0 : index
    %swap3A_121 = vector.load %arg5[%swap3A, %swap3A_120] : memref<16x128xi32, #tpu.memory_space<vmem>>, vector<16x128xi32>
    tpu.vector_store %arg5[%swap3A, %swap3A_120], %reshape3A {strides = array<i32>} : memref<16x128xi32, #tpu.memory_space<vmem>>, vector<16x128xi32>,
    %iota3A_122 = tpu.iota {dimensions = array<i32: 0>} : vector<2048x8xi32>
    %convert_element_type3A_123 = arith.sitofp %iota3A_122 : vector<2048x8xi32> to vector<2048x8xf32>
    %ge3A = vector.broadcast %add3A_110 : vector<1x8xf32> to vector<2048x8xf32>
    %ge3A_124 = arith.cmpf oge, %convert_element_type3A_123, %ge3A : vector<2048x8xf32>
    %convert_element_type3A_125 = arith.extui %ge3A_124 : vector<2048x8xi1> to vector<2048x8xi32>
    %convert_element_type3A_126 = arith.sitofp %convert_element_type3A_125 : vector<2048x8xi32> to vector<2048x8xf32>
    %reduce_sum3A_127 = arith.constant dense<0.000000e+00> : vector<2048xf32>
    %reduce_sum3A_128 = vector.multi_reduction <add>, %convert_element_type3A_126, %reduce_sum3A_127 [1] : vector<2048x8xf32> to vector<2048xf32>
    %broadcast_in_dim3A_129 = vector.shape_cast %reduce_sum3A_128 : vector<2048xf32> to vector<2048x1xf32>
    %convert_element_type3A_130 = arith.fptosi %broadcast_in_dim3A_129 : vector<2048x1xf32> to vector<2048x1xi32>
    %swap3A_131 = arith.constant 0 : index
    %swap3A_132 = arith.constant 0 : index
    %swap3A_133 = vector.load %arg6[%swap3A_131, %swap3A_132] : memref<2048x1xi32, #tpu.memory_space<vmem>>, vector<2048x1xi32>
    tpu.vector_store %arg6[%swap3A_131, %swap3A_132], %convert_element_type3A_130 {strides = array<i32>} : memref<2048x1xi32, #tpu.memory_space<vmem>>, vector<2048x1xi32>,
    %iota3A_134 = tpu.iota {dimensions = array<i32: 0>} : vector<8x8xi32>
    %convert_element_type3A_135 = arith.sitofp %iota3A_134 : vector<8x8xi32> to vector<8x8xf32>
    %mul3A_136 = arith.constant 2.560000e+02 : f32
    %mul3A_137 = vector.broadcast %mul3A_136 : f32 to vector<8x8xf32>
    %mul3A_138 = arith.mulf %convert_element_type3A_135, %mul3A_137 : vector<8x8xf32>
    %add3A_139 = arith.constant 2.560000e+02 : f32
    %add3A_140 = vector.broadcast %add3A_139 : f32 to vector<8x8xf32>
    %add3A_141 = arith.addf %mul3A_138, %add3A_140 : vector<8x8xf32>
    %lt3A = vector.broadcast %sub3A_109 : vector<1x8xf32> to vector<8x8xf32>
    %lt3A_142 = arith.cmpf olt, %lt3A, %add3A_141 : vector<8x8xf32>
    %gt3A = vector.broadcast %add3A_110 : vector<1x8xf32> to vector<8x8xf32>
    %gt3A_143 = arith.cmpf ogt, %gt3A, %mul3A_138 : vector<8x8xf32>
    %and3A = arith.andi %lt3A_142, %gt3A_143 : vector<8x8xi1>
    %gt3A_144 = arith.constant 0.000000e+00 : f32
    %gt3A_145 = vector.broadcast %gt3A_144 : f32 to vector<1x8xf32>
    %gt3A_146 = arith.cmpf ogt, %slice3A_93, %gt3A_145 : vector<1x8xf32>
    %and3A_147 = vector.broadcast %gt3A_146 : vector<1x8xi1> to vector<8x8xi1>
    %and3A_148 = arith.andi %and3A, %and3A_147 : vector<8x8xi1>
    %convert_element_type3A_149 = arith.extui %and3A_148 : vector<8x8xi1> to vector<8x8xi32>
    %convert_element_type3A_150 = arith.sitofp %convert_element_type3A_149 : vector<8x8xi32> to vector<8x8xf32>
    %broadcast_in_dim3A_151 = arith.constant 0.000000e+00 : f32
    %broadcast_in_dim3A_152 = vector.broadcast %broadcast_in_dim3A_151 : f32 to vector<8x1xf32>
    %slice3A_153 = vector.extract_strided_slice %convert_element_type3A_150 {offsets = [0, 0], sizes = [8, 7], strides = [1, 1]} : vector<8x8xf32> to vector<8x7xf32>
    %concatenate3A_154 = tpu.concatenate %broadcast_in_dim3A_152, %slice3A_153 in 1 : vector<8x1xf32>, vector<8x7xf32> -> vector<8x8xf32>
    %add3A_155 = arith.addf %convert_element_type3A_150, %concatenate3A_154 : vector<8x8xf32>
    %broadcast_in_dim3A_156 = arith.constant 0.000000e+00 : f32
    %broadcast_in_dim3A_157 = vector.broadcast %broadcast_in_dim3A_156 : f32 to vector<8x2xf32>
    %slice3A_158 = vector.extract_strided_slice %add3A_155 {offsets = [0, 0], sizes = [8, 6], strides = [1, 1]} : vector<8x8xf32> to vector<8x6xf32>
    %concatenate3A_159 = tpu.concatenate %broadcast_in_dim3A_157, %slice3A_158 in 1 : vector<8x2xf32>, vector<8x6xf32> -> vector<8x8xf32>
    %add3A_160 = arith.addf %add3A_155, %concatenate3A_159 : vector<8x8xf32>
    %broadcast_in_dim3A_161 = arith.constant 0.000000e+00 : f32
    %broadcast_in_dim3A_162 = vector.broadcast %broadcast_in_dim3A_161 : f32 to vector<8x4xf32>
    %slice3A_163 = vector.extract_strided_slice %add3A_160 {offsets = [0, 0], sizes = [8, 4], strides = [1, 1]} : vector<8x8xf32> to vector<8x4xf32>
    %concatenate3A_164 = tpu.concatenate %broadcast_in_dim3A_162, %slice3A_163 in 1 : vector<8x4xf32>, vector<8x4xf32> -> vector<8x8xf32>
    %add3A_165 = arith.addf %add3A_160, %concatenate3A_164 : vector<8x8xf32>
    %slice3A_166 = vector.extract_strided_slice %add3A_165 {offsets = [0, 7], sizes = [8, 1], strides = [1, 1]} : vector<8x8xf32> to vector<8x1xf32>
    %broadcast_in_dim3A_167 = arith.constant 0.000000e+00 : f32
    %broadcast_in_dim3A_168 = vector.broadcast %broadcast_in_dim3A_167 : f32 to vector<1x1xf32>
    %slice3A_169 = vector.extract_strided_slice %slice3A_166 {offsets = [0, 0], sizes = [7, 1], strides = [1, 1]} : vector<8x1xf32> to vector<7x1xf32>
    %concatenate3A_170 = tpu.concatenate %broadcast_in_dim3A_168, %slice3A_169 in 0 : vector<1x1xf32>, vector<7x1xf32> -> vector<8x1xf32>
    %add3A_171 = arith.addf %slice3A_166, %concatenate3A_170 : vector<8x1xf32>
    %broadcast_in_dim3A_172 = arith.constant 0.000000e+00 : f32
    %broadcast_in_dim3A_173 = vector.broadcast %broadcast_in_dim3A_172 : f32 to vector<2x1xf32>
    %slice3A_174 = vector.extract_strided_slice %add3A_171 {offsets = [0, 0], sizes = [6, 1], strides = [1, 1]} : vector<8x1xf32> to vector<6x1xf32>
    %concatenate3A_175 = tpu.concatenate %broadcast_in_dim3A_173, %slice3A_174 in 0 : vector<2x1xf32>, vector<6x1xf32> -> vector<8x1xf32>
    %add3A_176 = arith.addf %add3A_171, %concatenate3A_175 : vector<8x1xf32>
    %broadcast_in_dim3A_177 = arith.constant 0.000000e+00 : f32
    %broadcast_in_dim3A_178 = vector.broadcast %broadcast_in_dim3A_177 : f32 to vector<4x1xf32>
    %slice3A_179 = vector.extract_strided_slice %add3A_176 {offsets = [0, 0], sizes = [4, 1], strides = [1, 1]} : vector<8x1xf32> to vector<4x1xf32>
    %concatenate3A_180 = tpu.concatenate %broadcast_in_dim3A_178, %slice3A_179 in 0 : vector<4x1xf32>, vector<4x1xf32> -> vector<8x1xf32>
    %add3A_181 = arith.addf %add3A_176, %concatenate3A_180 : vector<8x1xf32>
    %sub3A_182 = arith.subf %add3A_165, %convert_element_type3A_150 : vector<8x8xf32>
    %sub3A_183 = arith.subf %add3A_181, %slice3A_166 : vector<8x1xf32>
    %add3A_184 = vector.broadcast %sub3A_183 : vector<8x1xf32> to vector<8x8xf32>
    %add3A_185 = arith.addf %sub3A_182, %add3A_184 : vector<8x8xf32>
    %iota3A_186 = tpu.iota {dimensions = array<i32: 0>} : vector<16x8x8xi32>
    %convert_element_type3A_187 = arith.sitofp %iota3A_186 : vector<16x8x8xi32> to vector<16x8x8xf32>
    %broadcast_in_dim3A_188 = vector.shape_cast %add3A_185 : vector<8x8xf32> to vector<1x8x8xf32>
    %eq3A_189 = vector.broadcast %broadcast_in_dim3A_188 : vector<1x8x8xf32> to vector<16x8x8xf32>
    %eq3A_190 = arith.cmpf oeq, %eq3A_189, %convert_element_type3A_187 : vector<16x8x8xf32>
    %broadcast_in_dim3A_191 = vector.shape_cast %convert_element_type3A_150 : vector<8x8xf32> to vector<1x8x8xf32>
    %convert_element_type3A_192 = arith.extui %eq3A_190 : vector<16x8x8xi1> to vector<16x8x8xi32>
    %convert_element_type3A_193 = arith.sitofp %convert_element_type3A_192 : vector<16x8x8xi32> to vector<16x8x8xf32>
    %mul3A_194 = vector.broadcast %broadcast_in_dim3A_191 : vector<1x8x8xf32> to vector<16x8x8xf32>
    %mul3A_195 = arith.mulf %convert_element_type3A_193, %mul3A_194 : vector<16x8x8xf32>
    %iota3A_196 = tpu.iota {dimensions = array<i32: 1>} : vector<16x8x8xi32>
    %convert_element_type3A_197 = arith.sitofp %iota3A_196 : vector<16x8x8xi32> to vector<16x8x8xf32>
    %iota3A_198 = tpu.iota {dimensions = array<i32: 2>} : vector<16x8x8xi32>
    %convert_element_type3A_199 = arith.sitofp %iota3A_198 : vector<16x8x8xi32> to vector<16x8x8xf32>
    %reduce_sum3A_200 = arith.constant dense<0.000000e+00> : vector<16x8xf32>
    %reduce_sum3A_201 = vector.multi_reduction <add>, %mul3A_195, %reduce_sum3A_200 [2] : vector<16x8x8xf32> to vector<16x8xf32>
    %broadcast_in_dim3A_202 = vector.shape_cast %reduce_sum3A_201 : vector<16x8xf32> to vector<16x8x1xf32>
    %reduce_sum3A_203 = arith.constant dense<0.000000e+00> : vector<16x1xf32>
    %reduce_sum3A_204 = vector.multi_reduction <add>, %broadcast_in_dim3A_202, %reduce_sum3A_203 [1] : vector<16x8x1xf32> to vector<16x1xf32>
    %mul3A_205 = arith.mulf %mul3A_195, %convert_element_type3A_197 : vector<16x8x8xf32>
    %reduce_sum3A_206 = arith.constant dense<0.000000e+00> : vector<16x8xf32>
    %reduce_sum3A_207 = vector.multi_reduction <add>, %mul3A_205, %reduce_sum3A_206 [2] : vector<16x8x8xf32> to vector<16x8xf32>
    %broadcast_in_dim3A_208 = vector.shape_cast %reduce_sum3A_207 : vector<16x8xf32> to vector<16x8x1xf32>
    %reduce_sum3A_209 = arith.constant dense<0.000000e+00> : vector<16x1xf32>
    %reduce_sum3A_210 = vector.multi_reduction <add>, %broadcast_in_dim3A_208, %reduce_sum3A_209 [1] : vector<16x8x1xf32> to vector<16x1xf32>
    %mul3A_211 = arith.mulf %mul3A_195, %convert_element_type3A_199 : vector<16x8x8xf32>
    %reduce_sum3A_212 = arith.constant dense<0.000000e+00> : vector<16x8xf32>
    %reduce_sum3A_213 = vector.multi_reduction <add>, %mul3A_211, %reduce_sum3A_212 [2] : vector<16x8x8xf32> to vector<16x8xf32>
    %broadcast_in_dim3A_214 = vector.shape_cast %reduce_sum3A_213 : vector<16x8xf32> to vector<16x8x1xf32>
    %reduce_sum3A_215 = arith.constant dense<0.000000e+00> : vector<16x1xf32>
    %reduce_sum3A_216 = vector.multi_reduction <add>, %broadcast_in_dim3A_214, %reduce_sum3A_215 [1] : vector<16x8x1xf32> to vector<16x1xf32>
    %sub3A_217 = arith.constant 1.000000e+00 : f32
    %sub3A_218 = vector.broadcast %sub3A_217 : f32 to vector<16x1xf32>
    %sub3A_219 = arith.subf %sub3A_218, %reduce_sum3A_204 : vector<16x1xf32>
    %mul3A_220 = arith.constant 7.000000e+00 : f32
    %mul3A_221 = vector.broadcast %mul3A_220 : f32 to vector<16x1xf32>
    %mul3A_222 = arith.mulf %sub3A_219, %mul3A_221 : vector<16x1xf32>
    %add3A_223 = arith.addf %reduce_sum3A_210, %mul3A_222 : vector<16x1xf32>
    %sub3A_224 = arith.constant 1.000000e+00 : f32
    %sub3A_225 = vector.broadcast %sub3A_224 : f32 to vector<16x1xf32>
    %sub3A_226 = arith.subf %sub3A_225, %reduce_sum3A_204 : vector<16x1xf32>
    %mul3A_227 = arith.constant 7.000000e+00 : f32
    %mul3A_228 = vector.broadcast %mul3A_227 : f32 to vector<16x1xf32>
    %mul3A_229 = arith.mulf %sub3A_226, %mul3A_228 : vector<16x1xf32>
    %add3A_230 = arith.addf %reduce_sum3A_216, %mul3A_229 : vector<16x1xf32>
    %convert_element_type3A_231 = arith.fptosi %add3A_223 : vector<16x1xf32> to vector<16x1xi32>
    %broadcast_in_dim3A_232 = arith.constant -1 : i32
    %broadcast_in_dim3A_233 = vector.broadcast %broadcast_in_dim3A_232 : i32 to vector<1x1xi32>
    %slice3A_234 = vector.extract_strided_slice %convert_element_type3A_231 {offsets = [0, 0], sizes = [15, 1], strides = [1, 1]} : vector<16x1xi32> to vector<15x1xi32>
    %concatenate3A_235 = tpu.concatenate %broadcast_in_dim3A_233, %slice3A_234 in 0 : vector<1x1xi32>, vector<15x1xi32> -> vector<16x1xi32>
    %swap3A_236 = arith.constant 0 : index
    %swap3A_237 = arith.constant 0 : index
    %swap3A_238 = vector.load %arg7[%swap3A_236, %swap3A_237] : memref<16x1xi32, #tpu.memory_space<vmem>>, vector<16x1xi32>
    tpu.vector_store %arg7[%swap3A_236, %swap3A_237], %convert_element_type3A_231 {strides = array<i32>} : memref<16x1xi32, #tpu.memory_space<vmem>>, vector<16x1xi32>,
    %convert_element_type3A_239 = arith.fptosi %add3A_230 : vector<16x1xf32> to vector<16x1xi32>
    %swap3A_240 = arith.constant 0 : index
    %swap3A_241 = arith.constant 0 : index
    %swap3A_242 = vector.load %arg8[%swap3A_240, %swap3A_241] : memref<16x1xi32, #tpu.memory_space<vmem>>, vector<16x1xi32>
    tpu.vector_store %arg8[%swap3A_240, %swap3A_241], %convert_element_type3A_239 {strides = array<i32>} : memref<16x1xi32, #tpu.memory_space<vmem>>, vector<16x1xi32>,
    %convert_element_type3A_243 = arith.fptosi %reduce_sum3A_204 : vector<16x1xf32> to vector<16x1xi32>
    %swap3A_244 = arith.constant 0 : index
    %swap3A_245 = arith.constant 0 : index
    %swap3A_246 = vector.load %arg9[%swap3A_244, %swap3A_245] : memref<16x1xi32, #tpu.memory_space<vmem>>, vector<16x1xi32>
    tpu.vector_store %arg9[%swap3A_244, %swap3A_245], %convert_element_type3A_243 {strides = array<i32>} : memref<16x1xi32, #tpu.memory_space<vmem>>, vector<16x1xi32>,
    %ne3A = arith.cmpi ne, %convert_element_type3A_231, %concatenate3A_235 : vector<16x1xi32>
    %convert_element_type3A_247 = arith.extui %ne3A : vector<16x1xi1> to vector<16x1xi32>
    %swap3A_248 = arith.constant 0 : index
    %swap3A_249 = arith.constant 0 : index
    %swap3A_250 = vector.load %arg10[%swap3A_248, %swap3A_249] : memref<16x1xi32, #tpu.memory_space<vmem>>, vector<16x1xi32>
    tpu.vector_store %arg10[%swap3A_248, %swap3A_249], %convert_element_type3A_247 {strides = array<i32>} : memref<16x1xi32, #tpu.memory_space<vmem>>, vector<16x1xi32>,
    %iota3A_251 = tpu.iota {dimensions = array<i32: 0>} : vector<2048x128xi32>
    %swap3A_252 = arith.constant 0 : index
    %swap3A_253 = arith.constant 0 : index
    %swap3A_254 = vector.load %arg11[%swap3A_252, %swap3A_253] : memref<2048x128xi32, #tpu.memory_space<vmem>>, vector<2048x128xi32>
    tpu.vector_store %arg11[%swap3A_252, %swap3A_253], %iota3A_251 {strides = array<i32>} : memref<2048x128xi32, #tpu.memory_space<vmem>>, vector<2048x128xi32>,
    return
  }
}

module attributes {stable_mosaic.version = 14 : i64} {
  func.func @_gmm_body(%arg0: i32, %arg1: memref<16x1xi32, #tpu.memory_space<smem>>, %arg2: memref<16x1xi32, #tpu.memory_space<smem>>, %arg3: memref<16x1xi32, #tpu.memory_space<smem>>, %arg4: memref<16x1xi32, #tpu.memory_space<smem>>, %arg5: memref<256x768xf32, #tpu.memory_space<vmem>>, %arg6: memref<1x1x768x768xf32, #tpu.memory_space<vmem>>, %arg7: memref<1x1x1x768xf32, #tpu.memory_space<vmem>>, %arg8: memref<256x1xi32, #tpu.memory_space<vmem>>, %arg9: memref<3x8xf32, #tpu.memory_space<smem>>, %arg10: memref<3xf32, #tpu.memory_space<smem>>, %arg11: memref<768x384xf32, #tpu.memory_space<vmem>>, %arg12: memref<1x384xf32, #tpu.memory_space<vmem>>, %arg13: memref<384x8xf32, #tpu.memory_space<vmem>>, %arg14: memref<1x8xf32, #tpu.memory_space<vmem>>, %arg15: memref<2048x768xf32, #tpu.memory_space<vmem>>, %arg16: memref<16x128xi32, #tpu.memory_space<vmem>>, %arg17: memref<2048x1xi32, #tpu.memory_space<vmem>>, %arg18: memref<16x1xi32, #tpu.memory_space<vmem>>, %arg19: memref<16x1xi32, #tpu.memory_space<vmem>>, %arg20: memref<16x1xi32, #tpu.memory_space<vmem>>, %arg21: memref<16x1xi32, #tpu.memory_space<vmem>>) attributes {dimension_semantics = [#tpu.dimension_semantics<arbitrary>], iteration_bounds = array<i64: 16>, scalar_prefetch = 4 : i64, scratch_operands = 0 : i64, tpu.core_type = #tpu.core_type<tc>, window_params = [{transform_indices = @transform_0, window_bounds = array<i64: 256, 768>}, {transform_indices = @transform_1, window_bounds = array<i64: 1, 1, 768, 768>}, {transform_indices = @transform_2, window_bounds = array<i64: 1, 1, 1, 768>}, {transform_indices = @transform_3, window_bounds = array<i64: 256, 1>}, {transform_indices = @transform_4, window_bounds = array<i64: 3, 8>}, {transform_indices = @transform_5, window_bounds = array<i64: 3>}, {pipeline_mode = #tpu.pipeline_mode<synchronous>, transform_indices = @transform_6, window_bounds = array<i64: 768, 384>}, {pipeline_mode = #tpu.pipeline_mode<synchronous>, transform_indices = @transform_7, window_bounds = array<i64: 1, 384>}, {pipeline_mode = #tpu.pipeline_mode<synchronous>, transform_indices = @transform_8, window_bounds = array<i64: 384, 8>}, {pipeline_mode = #tpu.pipeline_mode<synchronous>, transform_indices = @transform_9, window_bounds = array<i64: 1, 8>}, {pipeline_mode = #tpu.pipeline_mode<synchronous>, transform_indices = @transform_10, window_bounds = array<i64: 2048, 768>}, {pipeline_mode = #tpu.pipeline_mode<synchronous>, transform_indices = @transform_11, window_bounds = array<i64: 16, 128>}, {pipeline_mode = #tpu.pipeline_mode<synchronous>, transform_indices = @transform_12, window_bounds = array<i64: 2048, 1>}, {pipeline_mode = #tpu.pipeline_mode<synchronous>, transform_indices = @transform_13, window_bounds = array<i64: 16, 1>}, {pipeline_mode = #tpu.pipeline_mode<synchronous>, transform_indices = @transform_14, window_bounds = array<i64: 16, 1>}, {pipeline_mode = #tpu.pipeline_mode<synchronous>, transform_indices = @transform_15, window_bounds = array<i64: 16, 1>}, {pipeline_mode = #tpu.pipeline_mode<synchronous>, transform_indices = @transform_16, window_bounds = array<i64: 16, 1>}]} {
    %get3A = arith.index_cast %arg0 : i32 to index
    %get3A_0 = arith.constant 0 : index
    %get3A_1 = memref.load %arg2[%get3A, %get3A_0] : memref<16x1xi32, #tpu.memory_space<smem>>
    %get3A_2 = arith.constant 0 : index
    %get3A_3 = arith.index_cast %get3A_1 : i32 to index
    %get3A_4 = memref.load %arg9[%get3A_2, %get3A_3] : memref<3x8xf32, #tpu.memory_space<smem>>
    %get3A_5 = arith.index_cast %arg0 : i32 to index
    %get3A_6 = arith.constant 0 : index
    %get3A_7 = memref.load %arg3[%get3A_5, %get3A_6] : memref<16x1xi32, #tpu.memory_space<smem>>
    %get3A_8 = arith.index_cast %arg0 : i32 to index
    %get3A_9 = arith.constant 0 : index
    %get3A_10 = memref.load %arg4[%get3A_8, %get3A_9] : memref<16x1xi32, #tpu.memory_space<smem>>
    %get3A_11 = arith.index_cast %arg0 : i32 to index
    %get3A_12 = arith.constant 0 : index
    %get3A_13 = memref.load %arg1[%get3A_11, %get3A_12] : memref<16x1xi32, #tpu.memory_space<smem>>
    %mul3A = arith.constant 256 : i32
    %mul3A_14 = arith.muli %get3A_13, %mul3A : i32
    %gt3A = arith.constant 0 : i32
    %gt3A_15 = arith.cmpi sgt, %get3A_7, %gt3A : i32
    %get3A_16 = arith.constant 0 : index
    %get3A_17 = arith.constant 0 : index
    %get3A_18 = vector.load %arg8[%get3A_16, %get3A_17] : memref<256x1xi32, #tpu.memory_space<vmem>>, vector<256x1xi32>
    %eq3A = vector.broadcast %get3A_1 : i32 to vector<256x1xi32>
    %eq3A_19 = arith.cmpi eq, %get3A_18, %eq3A : vector<256x1xi32>
    %convert_element_type3A = arith.extui %eq3A_19 : vector<256x1xi1> to vector<256x1xi32>
    %convert_element_type3A_20 = arith.sitofp %convert_element_type3A : vector<256x1xi32> to vector<256x1xf32>
    %broadcast_in_dim3A = arith.constant 0.000000e+00 : f32
    %broadcast_in_dim3A_21 = vector.broadcast %broadcast_in_dim3A : f32 to vector<256x1xf32>
    %select_n3A = arith.select %gt3A_15, %convert_element_type3A_20, %broadcast_in_dim3A_21 : vector<256x1xf32>
    %get3A_22 = arith.constant 0 : index
    %get3A_23 = arith.constant 0 : index
    %get3A_24 = arith.constant 0 : index
    %get3A_25 = arith.constant 0 : index
    %get3A_26 = vector.load %arg6[%get3A_22, %get3A_23, %get3A_24, %get3A_25] : memref<1x1x768x768xf32, #tpu.memory_space<vmem>>, vector<1x1x768x768xf32>
    %get3A_27 = vector.shape_cast %get3A_26 : vector<1x1x768x768xf32> to vector<768x768xf32>
    %mul3A_28 = vector.broadcast %get3A_4 : f32 to vector<768x768xf32>
    %mul3A_29 = arith.mulf %mul3A_28, %get3A_27 : vector<768x768xf32>
    %get3A_30 = arith.constant 0 : index
    %get3A_31 = arith.constant 0 : index
    %get3A_32 = vector.load %arg5[%get3A_30, %get3A_31] : memref<256x768xf32, #tpu.memory_space<vmem>>, vector<256x768xf32>
    %mul3A_33 = vector.broadcast %select_n3A : vector<256x1xf32> to vector<256x768xf32>
    %mul3A_34 = arith.mulf %get3A_32, %mul3A_33 : vector<256x768xf32>
    %dot_general3A = arith.constant dense<0.000000e+00> : vector<256x768xf32>
    %dot_general3A_35 = tpu.matmul %mul3A_34, %mul3A_29, %dot_general3A {dimension_numbers = #tpu.dot_dimension_numbers<[1], [0], [0], [1], [0, 0, 1, 1], [], []>, transpose_lhs_hint = false} : vector<256x768xf32>, vector<768x768xf32>, vector<256x768xf32> -> vector<256x768xf32>
    %get3A_36 = arith.constant 0 : index
    %get3A_37 = arith.constant 0 : index
    %get3A_38 = arith.constant 0 : index
    %get3A_39 = arith.constant 0 : index
    %get3A_40 = vector.load %arg7[%get3A_36, %get3A_37, %get3A_38, %get3A_39] : memref<1x1x1x768xf32, #tpu.memory_space<vmem>>, vector<1x1x1x768xf32>
    %get3A_41 = vector.shape_cast %get3A_40 : vector<1x1x1x768xf32> to vector<1x768xf32>
    %mul3A_42 = vector.broadcast %get3A_4 : f32 to vector<1x768xf32>
    %mul3A_43 = arith.mulf %mul3A_42, %get3A_41 : vector<1x768xf32>
    %mul3A_44 = vector.broadcast %select_n3A : vector<256x1xf32> to vector<256x768xf32>
    %mul3A_45 = vector.broadcast %mul3A_43 : vector<1x768xf32> to vector<256x768xf32>
    %mul3A_46 = arith.mulf %mul3A_44, %mul3A_45 : vector<256x768xf32>
    %add3A = arith.addf %dot_general3A_35, %mul3A_46 : vector<256x768xf32>
    %eq3A_47 = arith.constant 1 : i32
    %eq3A_48 = arith.cmpi eq, %get3A_10, %eq3A_47 : i32
    %convert_element_type3A_49 = arith.extui %eq3A_48 : i1 to i32
    %cond3A = arith.constant 0 : i32
    %cond3A_50 = arith.cmpi ne, %convert_element_type3A_49, %cond3A : i32
    scf.if %cond3A_50 {
      %swap3A = arith.index_cast %mul3A_14 : i32 to index
      %swap3A_61 = arith.constant 0 : index
      %swap3A_62 = vector.load %arg15[%swap3A, %swap3A_61] : memref<2048x768xf32, #tpu.memory_space<vmem>>, vector<256x768xf32>
      tpu.vector_store %arg15[%swap3A, %swap3A_61], %add3A {strides = array<i32>} : memref<2048x768xf32, #tpu.memory_space<vmem>>, vector<256x768xf32>,
    } else {
    }
    %eq3A_51 = arith.constant 0 : i32
    %eq3A_52 = arith.cmpi eq, %get3A_10, %eq3A_51 : i32
    %convert_element_type3A_53 = arith.extui %eq3A_52 : i1 to i32
    %cond3A_54 = arith.constant 0 : i32
    %cond3A_55 = arith.cmpi ne, %convert_element_type3A_53, %cond3A_54 : i32
    scf.if %cond3A_55 {
      %get3A_61 = arith.index_cast %mul3A_14 : i32 to index
      %get3A_62 = arith.constant 0 : index
      %get3A_63 = vector.load %arg15[%get3A_61, %get3A_62] : memref<2048x768xf32, #tpu.memory_space<vmem>>, vector<256x768xf32>
      %add3A_64 = arith.addf %get3A_63, %add3A : vector<256x768xf32>
      %swap3A = arith.index_cast %mul3A_14 : i32 to index
      %swap3A_65 = arith.constant 0 : index
      %swap3A_66 = vector.load %arg15[%swap3A, %swap3A_65] : memref<2048x768xf32, #tpu.memory_space<vmem>>, vector<256x768xf32>
      tpu.vector_store %arg15[%swap3A, %swap3A_65], %add3A_64 {strides = array<i32>} : memref<2048x768xf32, #tpu.memory_space<vmem>>, vector<256x768xf32>,
    } else {
    }
    %eq3A_56 = arith.constant 15 : i32
    %eq3A_57 = arith.cmpi eq, %arg0, %eq3A_56 : i32
    %convert_element_type3A_58 = arith.extui %eq3A_57 : i1 to i32
    %cond3A_59 = arith.constant 0 : i32
    %cond3A_60 = arith.cmpi ne, %convert_element_type3A_58, %cond3A_59 : i32
    scf.if %cond3A_60 {
      %get3A_61 = arith.constant 0 : index
      %get3A_62 = arith.constant 0 : index
      %get3A_63 = vector.load %arg15[%get3A_61, %get3A_62] : memref<2048x768xf32, #tpu.memory_space<vmem>>, vector<2048x768xf32>
      %get3A_64 = arith.constant 0 : index
      %get3A_65 = arith.constant 0 : index
      %get3A_66 = vector.load %arg11[%get3A_64, %get3A_65] : memref<768x384xf32, #tpu.memory_space<vmem>>, vector<768x384xf32>
      %get3A_67 = arith.constant 0 : index
      %get3A_68 = arith.constant 0 : index
      %get3A_69 = vector.load %arg12[%get3A_67, %get3A_68] : memref<1x384xf32, #tpu.memory_space<vmem>>, vector<1x384xf32>
      %get3A_70 = arith.constant 0 : index
      %get3A_71 = arith.constant 0 : index
      %get3A_72 = vector.load %arg13[%get3A_70, %get3A_71] : memref<384x8xf32, #tpu.memory_space<vmem>>, vector<384x8xf32>
      %get3A_73 = arith.constant 0 : index
      %get3A_74 = arith.constant 0 : index
      %get3A_75 = vector.load %arg14[%get3A_73, %get3A_74] : memref<1x8xf32, #tpu.memory_space<vmem>>, vector<1x8xf32>
      %dot_general3A_76 = arith.constant dense<0.000000e+00> : vector<2048x384xf32>
      %dot_general3A_77 = tpu.matmul %get3A_63, %get3A_66, %dot_general3A_76 {dimension_numbers = #tpu.dot_dimension_numbers<[1], [0], [0], [1], [0, 0, 1, 1], [], []>, transpose_lhs_hint = false} : vector<2048x768xf32>, vector<768x384xf32>, vector<2048x384xf32> -> vector<2048x384xf32>
      %add3A_78 = vector.broadcast %get3A_69 : vector<1x384xf32> to vector<2048x384xf32>
      %add3A_79 = arith.addf %dot_general3A_77, %add3A_78 : vector<2048x384xf32>
      %max3A = arith.constant 0.000000e+00 : f32
      %max3A_80 = vector.broadcast %max3A : f32 to vector<2048x384xf32>
      %max3A_81 = arith.maximumf %add3A_79, %max3A_80 : vector<2048x384xf32>
      %dot_general3A_82 = arith.constant dense<0.000000e+00> : vector<2048x8xf32>
      %dot_general3A_83 = tpu.matmul %max3A_81, %get3A_72, %dot_general3A_82 {dimension_numbers = #tpu.dot_dimension_numbers<[1], [0], [0], [1], [0, 0, 1, 1], [], []>, transpose_lhs_hint = false} : vector<2048x384xf32>, vector<384x8xf32>, vector<2048x8xf32> -> vector<2048x8xf32>
      %add3A_84 = vector.broadcast %get3A_75 : vector<1x8xf32> to vector<2048x8xf32>
      %add3A_85 = arith.addf %dot_general3A_83, %add3A_84 : vector<2048x8xf32>
      %reduce_max3A = arith.constant dense<0xFF800000> : vector<2048xf32>
      %reduce_max3A_86 = vector.multi_reduction <maximumf>, %add3A_85, %reduce_max3A [1] : vector<2048x8xf32> to vector<2048xf32>
      %max3A_87 = arith.constant 0xFF800000 : f32
      %max3A_88 = vector.broadcast %max3A_87 : f32 to vector<2048xf32>
      %max3A_89 = arith.maximumf %max3A_88, %reduce_max3A_86 : vector<2048xf32>
      %broadcast_in_dim3A_90 = vector.shape_cast %max3A_89 : vector<2048xf32> to vector<2048x1xf32>
      %sub3A = vector.broadcast %broadcast_in_dim3A_90 : vector<2048x1xf32> to vector<2048x8xf32>
      %sub3A_91 = arith.subf %add3A_85, %sub3A : vector<2048x8xf32>
      %exp3A = math.exp %sub3A_91 : vector<2048x8xf32>
      %reduce_sum3A = arith.constant dense<0.000000e+00> : vector<2048xf32>
      %reduce_sum3A_92 = vector.multi_reduction <add>, %exp3A, %reduce_sum3A [1] : vector<2048x8xf32> to vector<2048xf32>
      %broadcast_in_dim3A_93 = vector.shape_cast %reduce_sum3A_92 : vector<2048xf32> to vector<2048x1xf32>
      %div3A = vector.broadcast %broadcast_in_dim3A_93 : vector<2048x1xf32> to vector<2048x8xf32>
      %div3A_94 = arith.divf %exp3A, %div3A : vector<2048x8xf32>
      %reduce_max3A_95 = arith.constant dense<0xFF800000> : vector<2048xf32>
      %reduce_max3A_96 = vector.multi_reduction <maximumf>, %div3A_94, %reduce_max3A_95 [1] : vector<2048x8xf32> to vector<2048xf32>
      %broadcast_in_dim3A_97 = vector.shape_cast %reduce_max3A_96 : vector<2048xf32> to vector<2048x1xf32>
      %iota3A = tpu.iota {dimensions = array<i32: 1>} : vector<2048x8xi32>
      %eq3A_98 = vector.broadcast %broadcast_in_dim3A_97 : vector<2048x1xf32> to vector<2048x8xf32>
      %eq3A_99 = arith.cmpf oeq, %div3A_94, %eq3A_98 : vector<2048x8xf32>
      %jit3A = arith.constant 8 : i32
      %broadcast_in_dim3A_100 = vector.broadcast %jit3A : i32 to vector<2048x8xi32>
      %select_n3A_101 = arith.select %eq3A_99, %iota3A, %broadcast_in_dim3A_100 : vector<2048x8xi1>, vector<2048x8xi32>
      %reduce_min3A = arith.constant dense<2147483647> : vector<2048xi32>
      %reduce_min3A_102 = vector.multi_reduction <minsi>, %select_n3A_101, %reduce_min3A [1] : vector<2048x8xi32> to vector<2048xi32>
      %broadcast_in_dim3A_103 = vector.shape_cast %reduce_min3A_102 : vector<2048xi32> to vector<2048x1xi32>
      %eq3A_104 = vector.broadcast %broadcast_in_dim3A_103 : vector<2048x1xi32> to vector<2048x8xi32>
      %eq3A_105 = arith.cmpi eq, %eq3A_104, %iota3A : vector<2048x8xi32>
      %convert_element_type3A_106 = arith.extui %eq3A_105 : vector<2048x8xi1> to vector<2048x8xi32>
      %convert_element_type3A_107 = arith.sitofp %convert_element_type3A_106 : vector<2048x8xi32> to vector<2048x8xf32>
      %broadcast_in_dim3A_108 = arith.constant 0.000000e+00 : f32
      %broadcast_in_dim3A_109 = vector.broadcast %broadcast_in_dim3A_108 : f32 to vector<1x8xf32>
      %slice3A = vector.extract_strided_slice %convert_element_type3A_107 {offsets = [0, 0], sizes = [2047, 8], strides = [1, 1]} : vector<2048x8xf32> to vector<2047x8xf32>
      %concatenate3A = tpu.concatenate %broadcast_in_dim3A_109, %slice3A in 0 : vector<1x8xf32>, vector<2047x8xf32> -> vector<2048x8xf32>
      %add3A_110 = arith.addf %convert_element_type3A_107, %concatenate3A : vector<2048x8xf32>
      %broadcast_in_dim3A_111 = arith.constant 0.000000e+00 : f32
      %broadcast_in_dim3A_112 = vector.broadcast %broadcast_in_dim3A_111 : f32 to vector<2x8xf32>
      %slice3A_113 = vector.extract_strided_slice %add3A_110 {offsets = [0, 0], sizes = [2046, 8], strides = [1, 1]} : vector<2048x8xf32> to vector<2046x8xf32>
      %concatenate3A_114 = tpu.concatenate %broadcast_in_dim3A_112, %slice3A_113 in 0 : vector<2x8xf32>, vector<2046x8xf32> -> vector<2048x8xf32>
      %add3A_115 = arith.addf %add3A_110, %concatenate3A_114 : vector<2048x8xf32>
      %broadcast_in_dim3A_116 = arith.constant 0.000000e+00 : f32
      %broadcast_in_dim3A_117 = vector.broadcast %broadcast_in_dim3A_116 : f32 to vector<4x8xf32>
      %slice3A_118 = vector.extract_strided_slice %add3A_115 {offsets = [0, 0], sizes = [2044, 8], strides = [1, 1]} : vector<2048x8xf32> to vector<2044x8xf32>
      %concatenate3A_119 = tpu.concatenate %broadcast_in_dim3A_117, %slice3A_118 in 0 : vector<4x8xf32>, vector<2044x8xf32> -> vector<2048x8xf32>
      %add3A_120 = arith.addf %add3A_115, %concatenate3A_119 : vector<2048x8xf32>
      %broadcast_in_dim3A_121 = arith.constant 0.000000e+00 : f32
      %broadcast_in_dim3A_122 = vector.broadcast %broadcast_in_dim3A_121 : f32 to vector<8x8xf32>
      %slice3A_123 = vector.extract_strided_slice %add3A_120 {offsets = [0, 0], sizes = [2040, 8], strides = [1, 1]} : vector<2048x8xf32> to vector<2040x8xf32>
      %concatenate3A_124 = tpu.concatenate %broadcast_in_dim3A_122, %slice3A_123 in 0 : vector<8x8xf32>, vector<2040x8xf32> -> vector<2048x8xf32>
      %add3A_125 = arith.addf %add3A_120, %concatenate3A_124 : vector<2048x8xf32>
      %broadcast_in_dim3A_126 = arith.constant 0.000000e+00 : f32
      %broadcast_in_dim3A_127 = vector.broadcast %broadcast_in_dim3A_126 : f32 to vector<16x8xf32>
      %slice3A_128 = vector.extract_strided_slice %add3A_125 {offsets = [0, 0], sizes = [2032, 8], strides = [1, 1]} : vector<2048x8xf32> to vector<2032x8xf32>
      %concatenate3A_129 = tpu.concatenate %broadcast_in_dim3A_127, %slice3A_128 in 0 : vector<16x8xf32>, vector<2032x8xf32> -> vector<2048x8xf32>
      %add3A_130 = arith.addf %add3A_125, %concatenate3A_129 : vector<2048x8xf32>
      %broadcast_in_dim3A_131 = arith.constant 0.000000e+00 : f32
      %broadcast_in_dim3A_132 = vector.broadcast %broadcast_in_dim3A_131 : f32 to vector<32x8xf32>
      %slice3A_133 = vector.extract_strided_slice %add3A_130 {offsets = [0, 0], sizes = [2016, 8], strides = [1, 1]} : vector<2048x8xf32> to vector<2016x8xf32>
      %concatenate3A_134 = tpu.concatenate %broadcast_in_dim3A_132, %slice3A_133 in 0 : vector<32x8xf32>, vector<2016x8xf32> -> vector<2048x8xf32>
      %add3A_135 = arith.addf %add3A_130, %concatenate3A_134 : vector<2048x8xf32>
      %broadcast_in_dim3A_136 = arith.constant 0.000000e+00 : f32
      %broadcast_in_dim3A_137 = vector.broadcast %broadcast_in_dim3A_136 : f32 to vector<64x8xf32>
      %slice3A_138 = vector.extract_strided_slice %add3A_135 {offsets = [0, 0], sizes = [1984, 8], strides = [1, 1]} : vector<2048x8xf32> to vector<1984x8xf32>
      %concatenate3A_139 = tpu.concatenate %broadcast_in_dim3A_137, %slice3A_138 in 0 : vector<64x8xf32>, vector<1984x8xf32> -> vector<2048x8xf32>
      %add3A_140 = arith.addf %add3A_135, %concatenate3A_139 : vector<2048x8xf32>
      %broadcast_in_dim3A_141 = arith.constant 0.000000e+00 : f32
      %broadcast_in_dim3A_142 = vector.broadcast %broadcast_in_dim3A_141 : f32 to vector<128x8xf32>
      %slice3A_143 = vector.extract_strided_slice %add3A_140 {offsets = [0, 0], sizes = [1920, 8], strides = [1, 1]} : vector<2048x8xf32> to vector<1920x8xf32>
      %concatenate3A_144 = tpu.concatenate %broadcast_in_dim3A_142, %slice3A_143 in 0 : vector<128x8xf32>, vector<1920x8xf32> -> vector<2048x8xf32>
      %add3A_145 = arith.addf %add3A_140, %concatenate3A_144 : vector<2048x8xf32>
      %broadcast_in_dim3A_146 = arith.constant 0.000000e+00 : f32
      %broadcast_in_dim3A_147 = vector.broadcast %broadcast_in_dim3A_146 : f32 to vector<256x8xf32>
      %slice3A_148 = vector.extract_strided_slice %add3A_145 {offsets = [0, 0], sizes = [1792, 8], strides = [1, 1]} : vector<2048x8xf32> to vector<1792x8xf32>
      %concatenate3A_149 = tpu.concatenate %broadcast_in_dim3A_147, %slice3A_148 in 0 : vector<256x8xf32>, vector<1792x8xf32> -> vector<2048x8xf32>
      %add3A_150 = arith.addf %add3A_145, %concatenate3A_149 : vector<2048x8xf32>
      %broadcast_in_dim3A_151 = arith.constant 0.000000e+00 : f32
      %broadcast_in_dim3A_152 = vector.broadcast %broadcast_in_dim3A_151 : f32 to vector<512x8xf32>
      %slice3A_153 = vector.extract_strided_slice %add3A_150 {offsets = [0, 0], sizes = [1536, 8], strides = [1, 1]} : vector<2048x8xf32> to vector<1536x8xf32>
      %concatenate3A_154 = tpu.concatenate %broadcast_in_dim3A_152, %slice3A_153 in 0 : vector<512x8xf32>, vector<1536x8xf32> -> vector<2048x8xf32>
      %add3A_155 = arith.addf %add3A_150, %concatenate3A_154 : vector<2048x8xf32>
      %broadcast_in_dim3A_156 = arith.constant 0.000000e+00 : f32
      %broadcast_in_dim3A_157 = vector.broadcast %broadcast_in_dim3A_156 : f32 to vector<1024x8xf32>
      %slice3A_158 = vector.extract_strided_slice %add3A_155 {offsets = [0, 0], sizes = [1024, 8], strides = [1, 1]} : vector<2048x8xf32> to vector<1024x8xf32>
      %concatenate3A_159 = tpu.concatenate %broadcast_in_dim3A_157, %slice3A_158 in 0 : vector<1024x8xf32>, vector<1024x8xf32> -> vector<2048x8xf32>
      %add3A_160 = arith.addf %add3A_155, %concatenate3A_159 : vector<2048x8xf32>
      %slice3A_161 = vector.extract_strided_slice %add3A_160 {offsets = [2047, 0], sizes = [1, 8], strides = [1, 1]} : vector<2048x8xf32> to vector<1x8xf32>
      %broadcast_in_dim3A_162 = arith.constant 0.000000e+00 : f32
      %broadcast_in_dim3A_163 = vector.broadcast %broadcast_in_dim3A_162 : f32 to vector<1x1xf32>
      %slice3A_164 = vector.extract_strided_slice %slice3A_161 {offsets = [0, 0], sizes = [1, 7], strides = [1, 1]} : vector<1x8xf32> to vector<1x7xf32>
      %concatenate3A_165 = tpu.concatenate %broadcast_in_dim3A_163, %slice3A_164 in 1 : vector<1x1xf32>, vector<1x7xf32> -> vector<1x8xf32>
      %add3A_166 = arith.addf %slice3A_161, %concatenate3A_165 : vector<1x8xf32>
      %broadcast_in_dim3A_167 = arith.constant 0.000000e+00 : f32
      %broadcast_in_dim3A_168 = vector.broadcast %broadcast_in_dim3A_167 : f32 to vector<1x2xf32>
      %slice3A_169 = vector.extract_strided_slice %add3A_166 {offsets = [0, 0], sizes = [1, 6], strides = [1, 1]} : vector<1x8xf32> to vector<1x6xf32>
      %concatenate3A_170 = tpu.concatenate %broadcast_in_dim3A_168, %slice3A_169 in 1 : vector<1x2xf32>, vector<1x6xf32> -> vector<1x8xf32>
      %add3A_171 = arith.addf %add3A_166, %concatenate3A_170 : vector<1x8xf32>
      %broadcast_in_dim3A_172 = arith.constant 0.000000e+00 : f32
      %broadcast_in_dim3A_173 = vector.broadcast %broadcast_in_dim3A_172 : f32 to vector<1x4xf32>
      %slice3A_174 = vector.extract_strided_slice %add3A_171 {offsets = [0, 0], sizes = [1, 4], strides = [1, 1]} : vector<1x8xf32> to vector<1x4xf32>
      %concatenate3A_175 = tpu.concatenate %broadcast_in_dim3A_173, %slice3A_174 in 1 : vector<1x4xf32>, vector<1x4xf32> -> vector<1x8xf32>
      %add3A_176 = arith.addf %add3A_171, %concatenate3A_175 : vector<1x8xf32>
      %sub3A_177 = arith.subf %add3A_176, %slice3A_161 : vector<1x8xf32>
      %add3A_178 = arith.addf %sub3A_177, %slice3A_161 : vector<1x8xf32>
      %add3A_179 = vector.broadcast %sub3A_177 : vector<1x8xf32> to vector<2048x8xf32>
      %add3A_180 = arith.addf %add3A_179, %add3A_160 : vector<2048x8xf32>
      %sub3A_181 = arith.constant 1.000000e+00 : f32
      %sub3A_182 = vector.broadcast %sub3A_181 : f32 to vector<2048x8xf32>
      %sub3A_183 = arith.subf %add3A_180, %sub3A_182 : vector<2048x8xf32>
      %mul3A_184 = arith.mulf %convert_element_type3A_107, %sub3A_183 : vector<2048x8xf32>
      %reduce_sum3A_185 = arith.constant dense<0.000000e+00> : vector<2048xf32>
      %reduce_sum3A_186 = vector.multi_reduction <add>, %mul3A_184, %reduce_sum3A_185 [1] : vector<2048x8xf32> to vector<2048xf32>
      %broadcast_in_dim3A_187 = vector.shape_cast %reduce_sum3A_186 : vector<2048xf32> to vector<2048x1xf32>
      %convert_element_type3A_188 = arith.fptosi %broadcast_in_dim3A_187 : vector<2048x1xf32> to vector<2048x1xi32>
      %reshape3A = vector.shape_cast %convert_element_type3A_188 : vector<2048x1xi32> to vector<16x128xi32>
      %swap3A = arith.constant 0 : index
      %swap3A_189 = arith.constant 0 : index
      %swap3A_190 = vector.load %arg16[%swap3A, %swap3A_189] : memref<16x128xi32, #tpu.memory_space<vmem>>, vector<16x128xi32>
      tpu.vector_store %arg16[%swap3A, %swap3A_189], %reshape3A {strides = array<i32>} : memref<16x128xi32, #tpu.memory_space<vmem>>, vector<16x128xi32>,
      %iota3A_191 = tpu.iota {dimensions = array<i32: 0>} : vector<2048x8xi32>
      %convert_element_type3A_192 = arith.sitofp %iota3A_191 : vector<2048x8xi32> to vector<2048x8xf32>
      %ge3A = vector.broadcast %add3A_178 : vector<1x8xf32> to vector<2048x8xf32>
      %ge3A_193 = arith.cmpf oge, %convert_element_type3A_192, %ge3A : vector<2048x8xf32>
      %convert_element_type3A_194 = arith.extui %ge3A_193 : vector<2048x8xi1> to vector<2048x8xi32>
      %convert_element_type3A_195 = arith.sitofp %convert_element_type3A_194 : vector<2048x8xi32> to vector<2048x8xf32>
      %reduce_sum3A_196 = arith.constant dense<0.000000e+00> : vector<2048xf32>
      %reduce_sum3A_197 = vector.multi_reduction <add>, %convert_element_type3A_195, %reduce_sum3A_196 [1] : vector<2048x8xf32> to vector<2048xf32>
      %broadcast_in_dim3A_198 = vector.shape_cast %reduce_sum3A_197 : vector<2048xf32> to vector<2048x1xf32>
      %convert_element_type3A_199 = arith.fptosi %broadcast_in_dim3A_198 : vector<2048x1xf32> to vector<2048x1xi32>
      %swap3A_200 = arith.constant 0 : index
      %swap3A_201 = arith.constant 0 : index
      %swap3A_202 = vector.load %arg17[%swap3A_200, %swap3A_201] : memref<2048x1xi32, #tpu.memory_space<vmem>>, vector<2048x1xi32>
      tpu.vector_store %arg17[%swap3A_200, %swap3A_201], %convert_element_type3A_199 {strides = array<i32>} : memref<2048x1xi32, #tpu.memory_space<vmem>>, vector<2048x1xi32>,
      %iota3A_203 = tpu.iota {dimensions = array<i32: 0>} : vector<8x8xi32>
      %convert_element_type3A_204 = arith.sitofp %iota3A_203 : vector<8x8xi32> to vector<8x8xf32>
      %mul3A_205 = arith.constant 2.560000e+02 : f32
      %mul3A_206 = vector.broadcast %mul3A_205 : f32 to vector<8x8xf32>
      %mul3A_207 = arith.mulf %convert_element_type3A_204, %mul3A_206 : vector<8x8xf32>
      %add3A_208 = arith.constant 2.560000e+02 : f32
      %add3A_209 = vector.broadcast %add3A_208 : f32 to vector<8x8xf32>
      %add3A_210 = arith.addf %mul3A_207, %add3A_209 : vector<8x8xf32>
      %lt3A = vector.broadcast %sub3A_177 : vector<1x8xf32> to vector<8x8xf32>
      %lt3A_211 = arith.cmpf olt, %lt3A, %add3A_210 : vector<8x8xf32>
      %gt3A_212 = vector.broadcast %add3A_178 : vector<1x8xf32> to vector<8x8xf32>
      %gt3A_213 = arith.cmpf ogt, %gt3A_212, %mul3A_207 : vector<8x8xf32>
      %and3A = arith.andi %lt3A_211, %gt3A_213 : vector<8x8xi1>
      %gt3A_214 = arith.constant 0.000000e+00 : f32
      %gt3A_215 = vector.broadcast %gt3A_214 : f32 to vector<1x8xf32>
      %gt3A_216 = arith.cmpf ogt, %slice3A_161, %gt3A_215 : vector<1x8xf32>
      %and3A_217 = vector.broadcast %gt3A_216 : vector<1x8xi1> to vector<8x8xi1>
      %and3A_218 = arith.andi %and3A, %and3A_217 : vector<8x8xi1>
      %convert_element_type3A_219 = arith.extui %and3A_218 : vector<8x8xi1> to vector<8x8xi32>
      %convert_element_type3A_220 = arith.sitofp %convert_element_type3A_219 : vector<8x8xi32> to vector<8x8xf32>
      %broadcast_in_dim3A_221 = arith.constant 0.000000e+00 : f32
      %broadcast_in_dim3A_222 = vector.broadcast %broadcast_in_dim3A_221 : f32 to vector<8x1xf32>
      %slice3A_223 = vector.extract_strided_slice %convert_element_type3A_220 {offsets = [0, 0], sizes = [8, 7], strides = [1, 1]} : vector<8x8xf32> to vector<8x7xf32>
      %concatenate3A_224 = tpu.concatenate %broadcast_in_dim3A_222, %slice3A_223 in 1 : vector<8x1xf32>, vector<8x7xf32> -> vector<8x8xf32>
      %add3A_225 = arith.addf %convert_element_type3A_220, %concatenate3A_224 : vector<8x8xf32>
      %broadcast_in_dim3A_226 = arith.constant 0.000000e+00 : f32
      %broadcast_in_dim3A_227 = vector.broadcast %broadcast_in_dim3A_226 : f32 to vector<8x2xf32>
      %slice3A_228 = vector.extract_strided_slice %add3A_225 {offsets = [0, 0], sizes = [8, 6], strides = [1, 1]} : vector<8x8xf32> to vector<8x6xf32>
      %concatenate3A_229 = tpu.concatenate %broadcast_in_dim3A_227, %slice3A_228 in 1 : vector<8x2xf32>, vector<8x6xf32> -> vector<8x8xf32>
      %add3A_230 = arith.addf %add3A_225, %concatenate3A_229 : vector<8x8xf32>
      %broadcast_in_dim3A_231 = arith.constant 0.000000e+00 : f32
      %broadcast_in_dim3A_232 = vector.broadcast %broadcast_in_dim3A_231 : f32 to vector<8x4xf32>
      %slice3A_233 = vector.extract_strided_slice %add3A_230 {offsets = [0, 0], sizes = [8, 4], strides = [1, 1]} : vector<8x8xf32> to vector<8x4xf32>
      %concatenate3A_234 = tpu.concatenate %broadcast_in_dim3A_232, %slice3A_233 in 1 : vector<8x4xf32>, vector<8x4xf32> -> vector<8x8xf32>
      %add3A_235 = arith.addf %add3A_230, %concatenate3A_234 : vector<8x8xf32>
      %slice3A_236 = vector.extract_strided_slice %add3A_235 {offsets = [0, 7], sizes = [8, 1], strides = [1, 1]} : vector<8x8xf32> to vector<8x1xf32>
      %broadcast_in_dim3A_237 = arith.constant 0.000000e+00 : f32
      %broadcast_in_dim3A_238 = vector.broadcast %broadcast_in_dim3A_237 : f32 to vector<1x1xf32>
      %slice3A_239 = vector.extract_strided_slice %slice3A_236 {offsets = [0, 0], sizes = [7, 1], strides = [1, 1]} : vector<8x1xf32> to vector<7x1xf32>
      %concatenate3A_240 = tpu.concatenate %broadcast_in_dim3A_238, %slice3A_239 in 0 : vector<1x1xf32>, vector<7x1xf32> -> vector<8x1xf32>
      %add3A_241 = arith.addf %slice3A_236, %concatenate3A_240 : vector<8x1xf32>
      %broadcast_in_dim3A_242 = arith.constant 0.000000e+00 : f32
      %broadcast_in_dim3A_243 = vector.broadcast %broadcast_in_dim3A_242 : f32 to vector<2x1xf32>
      %slice3A_244 = vector.extract_strided_slice %add3A_241 {offsets = [0, 0], sizes = [6, 1], strides = [1, 1]} : vector<8x1xf32> to vector<6x1xf32>
      %concatenate3A_245 = tpu.concatenate %broadcast_in_dim3A_243, %slice3A_244 in 0 : vector<2x1xf32>, vector<6x1xf32> -> vector<8x1xf32>
      %add3A_246 = arith.addf %add3A_241, %concatenate3A_245 : vector<8x1xf32>
      %broadcast_in_dim3A_247 = arith.constant 0.000000e+00 : f32
      %broadcast_in_dim3A_248 = vector.broadcast %broadcast_in_dim3A_247 : f32 to vector<4x1xf32>
      %slice3A_249 = vector.extract_strided_slice %add3A_246 {offsets = [0, 0], sizes = [4, 1], strides = [1, 1]} : vector<8x1xf32> to vector<4x1xf32>
      %concatenate3A_250 = tpu.concatenate %broadcast_in_dim3A_248, %slice3A_249 in 0 : vector<4x1xf32>, vector<4x1xf32> -> vector<8x1xf32>
      %add3A_251 = arith.addf %add3A_246, %concatenate3A_250 : vector<8x1xf32>
      %sub3A_252 = arith.subf %add3A_235, %convert_element_type3A_220 : vector<8x8xf32>
      %sub3A_253 = arith.subf %add3A_251, %slice3A_236 : vector<8x1xf32>
      %add3A_254 = vector.broadcast %sub3A_253 : vector<8x1xf32> to vector<8x8xf32>
      %add3A_255 = arith.addf %sub3A_252, %add3A_254 : vector<8x8xf32>
      %iota3A_256 = tpu.iota {dimensions = array<i32: 0>} : vector<16x8x8xi32>
      %convert_element_type3A_257 = arith.sitofp %iota3A_256 : vector<16x8x8xi32> to vector<16x8x8xf32>
      %broadcast_in_dim3A_258 = vector.shape_cast %add3A_255 : vector<8x8xf32> to vector<1x8x8xf32>
      %eq3A_259 = vector.broadcast %broadcast_in_dim3A_258 : vector<1x8x8xf32> to vector<16x8x8xf32>
      %eq3A_260 = arith.cmpf oeq, %eq3A_259, %convert_element_type3A_257 : vector<16x8x8xf32>
      %broadcast_in_dim3A_261 = vector.shape_cast %convert_element_type3A_220 : vector<8x8xf32> to vector<1x8x8xf32>
      %convert_element_type3A_262 = arith.extui %eq3A_260 : vector<16x8x8xi1> to vector<16x8x8xi32>
      %convert_element_type3A_263 = arith.sitofp %convert_element_type3A_262 : vector<16x8x8xi32> to vector<16x8x8xf32>
      %mul3A_264 = vector.broadcast %broadcast_in_dim3A_261 : vector<1x8x8xf32> to vector<16x8x8xf32>
      %mul3A_265 = arith.mulf %convert_element_type3A_263, %mul3A_264 : vector<16x8x8xf32>
      %iota3A_266 = tpu.iota {dimensions = array<i32: 1>} : vector<16x8x8xi32>
      %convert_element_type3A_267 = arith.sitofp %iota3A_266 : vector<16x8x8xi32> to vector<16x8x8xf32>
      %iota3A_268 = tpu.iota {dimensions = array<i32: 2>} : vector<16x8x8xi32>
      %convert_element_type3A_269 = arith.sitofp %iota3A_268 : vector<16x8x8xi32> to vector<16x8x8xf32>
      %reduce_sum3A_270 = arith.constant dense<0.000000e+00> : vector<16x8xf32>
      %reduce_sum3A_271 = vector.multi_reduction <add>, %mul3A_265, %reduce_sum3A_270 [2] : vector<16x8x8xf32> to vector<16x8xf32>
      %broadcast_in_dim3A_272 = vector.shape_cast %reduce_sum3A_271 : vector<16x8xf32> to vector<16x8x1xf32>
      %reduce_sum3A_273 = arith.constant dense<0.000000e+00> : vector<16x1xf32>
      %reduce_sum3A_274 = vector.multi_reduction <add>, %broadcast_in_dim3A_272, %reduce_sum3A_273 [1] : vector<16x8x1xf32> to vector<16x1xf32>
      %mul3A_275 = arith.mulf %mul3A_265, %convert_element_type3A_267 : vector<16x8x8xf32>
      %reduce_sum3A_276 = arith.constant dense<0.000000e+00> : vector<16x8xf32>
      %reduce_sum3A_277 = vector.multi_reduction <add>, %mul3A_275, %reduce_sum3A_276 [2] : vector<16x8x8xf32> to vector<16x8xf32>
      %broadcast_in_dim3A_278 = vector.shape_cast %reduce_sum3A_277 : vector<16x8xf32> to vector<16x8x1xf32>
      %reduce_sum3A_279 = arith.constant dense<0.000000e+00> : vector<16x1xf32>
      %reduce_sum3A_280 = vector.multi_reduction <add>, %broadcast_in_dim3A_278, %reduce_sum3A_279 [1] : vector<16x8x1xf32> to vector<16x1xf32>
      %mul3A_281 = arith.mulf %mul3A_265, %convert_element_type3A_269 : vector<16x8x8xf32>
      %reduce_sum3A_282 = arith.constant dense<0.000000e+00> : vector<16x8xf32>
      %reduce_sum3A_283 = vector.multi_reduction <add>, %mul3A_281, %reduce_sum3A_282 [2] : vector<16x8x8xf32> to vector<16x8xf32>
      %broadcast_in_dim3A_284 = vector.shape_cast %reduce_sum3A_283 : vector<16x8xf32> to vector<16x8x1xf32>
      %reduce_sum3A_285 = arith.constant dense<0.000000e+00> : vector<16x1xf32>
      %reduce_sum3A_286 = vector.multi_reduction <add>, %broadcast_in_dim3A_284, %reduce_sum3A_285 [1] : vector<16x8x1xf32> to vector<16x1xf32>
      %sub3A_287 = arith.constant 1.000000e+00 : f32
      %sub3A_288 = vector.broadcast %sub3A_287 : f32 to vector<16x1xf32>
      %sub3A_289 = arith.subf %sub3A_288, %reduce_sum3A_274 : vector<16x1xf32>
      %mul3A_290 = arith.constant 7.000000e+00 : f32
      %mul3A_291 = vector.broadcast %mul3A_290 : f32 to vector<16x1xf32>
      %mul3A_292 = arith.mulf %sub3A_289, %mul3A_291 : vector<16x1xf32>
      %add3A_293 = arith.addf %reduce_sum3A_280, %mul3A_292 : vector<16x1xf32>
      %sub3A_294 = arith.constant 1.000000e+00 : f32
      %sub3A_295 = vector.broadcast %sub3A_294 : f32 to vector<16x1xf32>
      %sub3A_296 = arith.subf %sub3A_295, %reduce_sum3A_274 : vector<16x1xf32>
      %mul3A_297 = arith.constant 7.000000e+00 : f32
      %mul3A_298 = vector.broadcast %mul3A_297 : f32 to vector<16x1xf32>
      %mul3A_299 = arith.mulf %sub3A_296, %mul3A_298 : vector<16x1xf32>
      %add3A_300 = arith.addf %reduce_sum3A_286, %mul3A_299 : vector<16x1xf32>
      %convert_element_type3A_301 = arith.fptosi %add3A_293 : vector<16x1xf32> to vector<16x1xi32>
      %broadcast_in_dim3A_302 = arith.constant -1 : i32
      %broadcast_in_dim3A_303 = vector.broadcast %broadcast_in_dim3A_302 : i32 to vector<1x1xi32>
      %slice3A_304 = vector.extract_strided_slice %convert_element_type3A_301 {offsets = [0, 0], sizes = [15, 1], strides = [1, 1]} : vector<16x1xi32> to vector<15x1xi32>
      %concatenate3A_305 = tpu.concatenate %broadcast_in_dim3A_303, %slice3A_304 in 0 : vector<1x1xi32>, vector<15x1xi32> -> vector<16x1xi32>
      %swap3A_306 = arith.constant 0 : index
      %swap3A_307 = arith.constant 0 : index
      %swap3A_308 = vector.load %arg18[%swap3A_306, %swap3A_307] : memref<16x1xi32, #tpu.memory_space<vmem>>, vector<16x1xi32>
      tpu.vector_store %arg18[%swap3A_306, %swap3A_307], %convert_element_type3A_301 {strides = array<i32>} : memref<16x1xi32, #tpu.memory_space<vmem>>, vector<16x1xi32>,
      %convert_element_type3A_309 = arith.fptosi %add3A_300 : vector<16x1xf32> to vector<16x1xi32>
      %swap3A_310 = arith.constant 0 : index
      %swap3A_311 = arith.constant 0 : index
      %swap3A_312 = vector.load %arg19[%swap3A_310, %swap3A_311] : memref<16x1xi32, #tpu.memory_space<vmem>>, vector<16x1xi32>
      tpu.vector_store %arg19[%swap3A_310, %swap3A_311], %convert_element_type3A_309 {strides = array<i32>} : memref<16x1xi32, #tpu.memory_space<vmem>>, vector<16x1xi32>,
      %convert_element_type3A_313 = arith.fptosi %reduce_sum3A_274 : vector<16x1xf32> to vector<16x1xi32>
      %swap3A_314 = arith.constant 0 : index
      %swap3A_315 = arith.constant 0 : index
      %swap3A_316 = vector.load %arg20[%swap3A_314, %swap3A_315] : memref<16x1xi32, #tpu.memory_space<vmem>>, vector<16x1xi32>
      tpu.vector_store %arg20[%swap3A_314, %swap3A_315], %convert_element_type3A_313 {strides = array<i32>} : memref<16x1xi32, #tpu.memory_space<vmem>>, vector<16x1xi32>,
      %ne3A = arith.cmpi ne, %convert_element_type3A_301, %concatenate3A_305 : vector<16x1xi32>
      %convert_element_type3A_317 = arith.extui %ne3A : vector<16x1xi1> to vector<16x1xi32>
      %swap3A_318 = arith.constant 0 : index
      %swap3A_319 = arith.constant 0 : index
      %swap3A_320 = vector.load %arg21[%swap3A_318, %swap3A_319] : memref<16x1xi32, #tpu.memory_space<vmem>>, vector<16x1xi32>
      tpu.vector_store %arg21[%swap3A_318, %swap3A_319], %convert_element_type3A_317 {strides = array<i32>} : memref<16x1xi32, #tpu.memory_space<vmem>>, vector<16x1xi32>,
    } else {
    }
    return
  }
  func.func @transform_0(%arg0: i32, %arg1: memref<16x1xi32, #tpu.memory_space<smem>>, %arg2: memref<16x1xi32, #tpu.memory_space<smem>>, %arg3: memref<16x1xi32, #tpu.memory_space<smem>>, %arg4: memref<16x1xi32, #tpu.memory_space<smem>>) -> (i32, i32) {
    %get3A = arith.index_cast %arg0 : i32 to index
    %get3A_0 = arith.constant 0 : index
    %get3A_1 = memref.load %arg1[%get3A, %get3A_0] : memref<16x1xi32, #tpu.memory_space<smem>>
    %c0_i32 = arith.constant 0 : i32
    %c0_i32_2 = arith.constant 0 : i32
    return %get3A_1, %c0_i32 : i32, i32
  }
  func.func @transform_1(%arg0: i32, %arg1: memref<16x1xi32, #tpu.memory_space<smem>>, %arg2: memref<16x1xi32, #tpu.memory_space<smem>>, %arg3: memref<16x1xi32, #tpu.memory_space<smem>>, %arg4: memref<16x1xi32, #tpu.memory_space<smem>>) -> (i32, i32, i32, i32) {
    %get3A = arith.index_cast %arg0 : i32 to index
    %get3A_0 = arith.constant 0 : index
    %get3A_1 = memref.load %arg2[%get3A, %get3A_0] : memref<16x1xi32, #tpu.memory_space<smem>>
    %c0_i32 = arith.constant 0 : i32
    %c0_i32_2 = arith.constant 0 : i32
    %c0_i32_3 = arith.constant 0 : i32
    %c0_i32_4 = arith.constant 0 : i32
    return %c0_i32, %get3A_1, %c0_i32_2, %c0_i32_3 : i32, i32, i32, i32
  }
  func.func @transform_2(%arg0: i32, %arg1: memref<16x1xi32, #tpu.memory_space<smem>>, %arg2: memref<16x1xi32, #tpu.memory_space<smem>>, %arg3: memref<16x1xi32, #tpu.memory_space<smem>>, %arg4: memref<16x1xi32, #tpu.memory_space<smem>>) -> (i32, i32, i32, i32) {
    %get3A = arith.index_cast %arg0 : i32 to index
    %get3A_0 = arith.constant 0 : index
    %get3A_1 = memref.load %arg2[%get3A, %get3A_0] : memref<16x1xi32, #tpu.memory_space<smem>>
    %c0_i32 = arith.constant 0 : i32
    %c0_i32_2 = arith.constant 0 : i32
    %c0_i32_3 = arith.constant 0 : i32
    %c0_i32_4 = arith.constant 0 : i32
    return %c0_i32, %get3A_1, %c0_i32_2, %c0_i32_3 : i32, i32, i32, i32
  }
  func.func @transform_3(%arg0: i32, %arg1: memref<16x1xi32, #tpu.memory_space<smem>>, %arg2: memref<16x1xi32, #tpu.memory_space<smem>>, %arg3: memref<16x1xi32, #tpu.memory_space<smem>>, %arg4: memref<16x1xi32, #tpu.memory_space<smem>>) -> (i32, i32) {
    %get3A = arith.index_cast %arg0 : i32 to index
    %get3A_0 = arith.constant 0 : index
    %get3A_1 = memref.load %arg1[%get3A, %get3A_0] : memref<16x1xi32, #tpu.memory_space<smem>>
    %c0_i32 = arith.constant 0 : i32
    %c0_i32_2 = arith.constant 0 : i32
    return %get3A_1, %c0_i32 : i32, i32
  }
  func.func @transform_4(%arg0: i32, %arg1: memref<16x1xi32, #tpu.memory_space<smem>>, %arg2: memref<16x1xi32, #tpu.memory_space<smem>>, %arg3: memref<16x1xi32, #tpu.memory_space<smem>>, %arg4: memref<16x1xi32, #tpu.memory_space<smem>>) -> (i32, i32) {
    %c0_i32 = arith.constant 0 : i32
    %c0_i32_0 = arith.constant 0 : i32
    %c0_i32_1 = arith.constant 0 : i32
    return %c0_i32, %c0_i32_0 : i32, i32
  }
  func.func @transform_5(%arg0: i32, %arg1: memref<16x1xi32, #tpu.memory_space<smem>>, %arg2: memref<16x1xi32, #tpu.memory_space<smem>>, %arg3: memref<16x1xi32, #tpu.memory_space<smem>>, %arg4: memref<16x1xi32, #tpu.memory_space<smem>>) -> i32 {
    %c0_i32 = arith.constant 0 : i32
    %c0_i32_0 = arith.constant 0 : i32
    return %c0_i32 : i32
  }
  func.func @transform_6(%arg0: i32, %arg1: memref<16x1xi32, #tpu.memory_space<smem>>, %arg2: memref<16x1xi32, #tpu.memory_space<smem>>, %arg3: memref<16x1xi32, #tpu.memory_space<smem>>, %arg4: memref<16x1xi32, #tpu.memory_space<smem>>) -> (i32, i32) {
    %c0_i32 = arith.constant 0 : i32
    %c0_i32_0 = arith.constant 0 : i32
    %c0_i32_1 = arith.constant 0 : i32
    return %c0_i32, %c0_i32_0 : i32, i32
  }
  func.func @transform_7(%arg0: i32, %arg1: memref<16x1xi32, #tpu.memory_space<smem>>, %arg2: memref<16x1xi32, #tpu.memory_space<smem>>, %arg3: memref<16x1xi32, #tpu.memory_space<smem>>, %arg4: memref<16x1xi32, #tpu.memory_space<smem>>) -> (i32, i32) {
    %c0_i32 = arith.constant 0 : i32
    %c0_i32_0 = arith.constant 0 : i32
    %c0_i32_1 = arith.constant 0 : i32
    return %c0_i32, %c0_i32_0 : i32, i32
  }
  func.func @transform_8(%arg0: i32, %arg1: memref<16x1xi32, #tpu.memory_space<smem>>, %arg2: memref<16x1xi32, #tpu.memory_space<smem>>, %arg3: memref<16x1xi32, #tpu.memory_space<smem>>, %arg4: memref<16x1xi32, #tpu.memory_space<smem>>) -> (i32, i32) {
    %c0_i32 = arith.constant 0 : i32
    %c0_i32_0 = arith.constant 0 : i32
    %c0_i32_1 = arith.constant 0 : i32
    return %c0_i32, %c0_i32_0 : i32, i32
  }
  func.func @transform_9(%arg0: i32, %arg1: memref<16x1xi32, #tpu.memory_space<smem>>, %arg2: memref<16x1xi32, #tpu.memory_space<smem>>, %arg3: memref<16x1xi32, #tpu.memory_space<smem>>, %arg4: memref<16x1xi32, #tpu.memory_space<smem>>) -> (i32, i32) {
    %c0_i32 = arith.constant 0 : i32
    %c0_i32_0 = arith.constant 0 : i32
    %c0_i32_1 = arith.constant 0 : i32
    return %c0_i32, %c0_i32_0 : i32, i32
  }
  func.func @transform_10(%arg0: i32, %arg1: memref<16x1xi32, #tpu.memory_space<smem>>, %arg2: memref<16x1xi32, #tpu.memory_space<smem>>, %arg3: memref<16x1xi32, #tpu.memory_space<smem>>, %arg4: memref<16x1xi32, #tpu.memory_space<smem>>) -> (i32, i32) {
    %c0_i32 = arith.constant 0 : i32
    %c0_i32_0 = arith.constant 0 : i32
    %c0_i32_1 = arith.constant 0 : i32
    return %c0_i32, %c0_i32_0 : i32, i32
  }
  func.func @transform_11(%arg0: i32, %arg1: memref<16x1xi32, #tpu.memory_space<smem>>, %arg2: memref<16x1xi32, #tpu.memory_space<smem>>, %arg3: memref<16x1xi32, #tpu.memory_space<smem>>, %arg4: memref<16x1xi32, #tpu.memory_space<smem>>) -> (i32, i32) {
    %c0_i32 = arith.constant 0 : i32
    %c0_i32_0 = arith.constant 0 : i32
    %c0_i32_1 = arith.constant 0 : i32
    return %c0_i32, %c0_i32_0 : i32, i32
  }
  func.func @transform_12(%arg0: i32, %arg1: memref<16x1xi32, #tpu.memory_space<smem>>, %arg2: memref<16x1xi32, #tpu.memory_space<smem>>, %arg3: memref<16x1xi32, #tpu.memory_space<smem>>, %arg4: memref<16x1xi32, #tpu.memory_space<smem>>) -> (i32, i32) {
    %c0_i32 = arith.constant 0 : i32
    %c0_i32_0 = arith.constant 0 : i32
    %c0_i32_1 = arith.constant 0 : i32
    return %c0_i32, %c0_i32_0 : i32, i32
  }
  func.func @transform_13(%arg0: i32, %arg1: memref<16x1xi32, #tpu.memory_space<smem>>, %arg2: memref<16x1xi32, #tpu.memory_space<smem>>, %arg3: memref<16x1xi32, #tpu.memory_space<smem>>, %arg4: memref<16x1xi32, #tpu.memory_space<smem>>) -> (i32, i32) {
    %c0_i32 = arith.constant 0 : i32
    %c0_i32_0 = arith.constant 0 : i32
    %c0_i32_1 = arith.constant 0 : i32
    return %c0_i32, %c0_i32_0 : i32, i32
  }
  func.func @transform_14(%arg0: i32, %arg1: memref<16x1xi32, #tpu.memory_space<smem>>, %arg2: memref<16x1xi32, #tpu.memory_space<smem>>, %arg3: memref<16x1xi32, #tpu.memory_space<smem>>, %arg4: memref<16x1xi32, #tpu.memory_space<smem>>) -> (i32, i32) {
    %c0_i32 = arith.constant 0 : i32
    %c0_i32_0 = arith.constant 0 : i32
    %c0_i32_1 = arith.constant 0 : i32
    return %c0_i32, %c0_i32_0 : i32, i32
  }
  func.func @transform_15(%arg0: i32, %arg1: memref<16x1xi32, #tpu.memory_space<smem>>, %arg2: memref<16x1xi32, #tpu.memory_space<smem>>, %arg3: memref<16x1xi32, #tpu.memory_space<smem>>, %arg4: memref<16x1xi32, #tpu.memory_space<smem>>) -> (i32, i32) {
    %c0_i32 = arith.constant 0 : i32
    %c0_i32_0 = arith.constant 0 : i32
    %c0_i32_1 = arith.constant 0 : i32
    return %c0_i32, %c0_i32_0 : i32, i32
  }
  func.func @transform_16(%arg0: i32, %arg1: memref<16x1xi32, #tpu.memory_space<smem>>, %arg2: memref<16x1xi32, #tpu.memory_space<smem>>, %arg3: memref<16x1xi32, #tpu.memory_space<smem>>, %arg4: memref<16x1xi32, #tpu.memory_space<smem>>) -> (i32, i32) {
    %c0_i32 = arith.constant 0 : i32
    %c0_i32_0 = arith.constant 0 : i32
    %c0_i32_1 = arith.constant 0 : i32
    return %c0_i32, %c0_i32_0 : i32, i32
  }
}

module attributes {stable_mosaic.version = 14 : i64} {
  func.func @_gmm_body(%arg0: i32, %arg1: memref<16x1xi32, #tpu.memory_space<smem>>, %arg2: memref<16x1xi32, #tpu.memory_space<smem>>, %arg3: memref<16x1xi32, #tpu.memory_space<smem>>, %arg4: memref<16x1xi32, #tpu.memory_space<smem>>, %arg5: memref<256x768xf32, #tpu.memory_space<vmem>>, %arg6: memref<1x1x768x768xf32, #tpu.memory_space<vmem>>, %arg7: memref<1x1x1x768xf32, #tpu.memory_space<vmem>>, %arg8: memref<256x1xi32, #tpu.memory_space<vmem>>, %arg9: memref<3x8xf32, #tpu.memory_space<smem>>, %arg10: memref<3xf32, #tpu.memory_space<smem>>, %arg11: memref<768x384xf32, #tpu.memory_space<vmem>>, %arg12: memref<1x384xf32, #tpu.memory_space<vmem>>, %arg13: memref<384x8xf32, #tpu.memory_space<vmem>>, %arg14: memref<1x8xf32, #tpu.memory_space<vmem>>, %arg15: memref<2048x768xf32, #tpu.memory_space<vmem>>, %arg16: memref<2048x768xf32, #tpu.memory_space<vmem>>, %arg17: memref<16x128xi32, #tpu.memory_space<vmem>>, %arg18: memref<2048x1xi32, #tpu.memory_space<vmem>>, %arg19: memref<16x1xi32, #tpu.memory_space<vmem>>, %arg20: memref<16x1xi32, #tpu.memory_space<vmem>>, %arg21: memref<16x1xi32, #tpu.memory_space<vmem>>, %arg22: memref<16x1xi32, #tpu.memory_space<vmem>>) attributes {dimension_semantics = [#tpu.dimension_semantics<arbitrary>], iteration_bounds = array<i64: 16>, scalar_prefetch = 4 : i64, scratch_operands = 0 : i64, tpu.core_type = #tpu.core_type<tc>, window_params = [{transform_indices = @transform_0, window_bounds = array<i64: 256, 768>}, {transform_indices = @transform_1, window_bounds = array<i64: 1, 1, 768, 768>}, {transform_indices = @transform_2, window_bounds = array<i64: 1, 1, 1, 768>}, {transform_indices = @transform_3, window_bounds = array<i64: 256, 1>}, {transform_indices = @transform_4, window_bounds = array<i64: 3, 8>}, {transform_indices = @transform_5, window_bounds = array<i64: 3>}, {pipeline_mode = #tpu.pipeline_mode<synchronous>, transform_indices = @transform_6, window_bounds = array<i64: 768, 384>}, {pipeline_mode = #tpu.pipeline_mode<synchronous>, transform_indices = @transform_7, window_bounds = array<i64: 1, 384>}, {pipeline_mode = #tpu.pipeline_mode<synchronous>, transform_indices = @transform_8, window_bounds = array<i64: 384, 8>}, {pipeline_mode = #tpu.pipeline_mode<synchronous>, transform_indices = @transform_9, window_bounds = array<i64: 1, 8>}, {pipeline_mode = #tpu.pipeline_mode<synchronous>, transform_indices = @transform_10, window_bounds = array<i64: 2048, 768>}, {pipeline_mode = #tpu.pipeline_mode<synchronous>, transform_indices = @transform_11, window_bounds = array<i64: 2048, 768>}, {pipeline_mode = #tpu.pipeline_mode<synchronous>, transform_indices = @transform_12, window_bounds = array<i64: 16, 128>}, {pipeline_mode = #tpu.pipeline_mode<synchronous>, transform_indices = @transform_13, window_bounds = array<i64: 2048, 1>}, {pipeline_mode = #tpu.pipeline_mode<synchronous>, transform_indices = @transform_14, window_bounds = array<i64: 16, 1>}, {pipeline_mode = #tpu.pipeline_mode<synchronous>, transform_indices = @transform_15, window_bounds = array<i64: 16, 1>}, {pipeline_mode = #tpu.pipeline_mode<synchronous>, transform_indices = @transform_16, window_bounds = array<i64: 16, 1>}, {pipeline_mode = #tpu.pipeline_mode<synchronous>, transform_indices = @transform_17, window_bounds = array<i64: 16, 1>}]} {
    %get3A = arith.index_cast %arg0 : i32 to index
    %get3A_0 = arith.constant 0 : index
    %get3A_1 = memref.load %arg2[%get3A, %get3A_0] : memref<16x1xi32, #tpu.memory_space<smem>>
    %get3A_2 = arith.constant 1 : index
    %get3A_3 = arith.index_cast %get3A_1 : i32 to index
    %get3A_4 = memref.load %arg9[%get3A_2, %get3A_3] : memref<3x8xf32, #tpu.memory_space<smem>>
    %get3A_5 = arith.index_cast %arg0 : i32 to index
    %get3A_6 = arith.constant 0 : index
    %get3A_7 = memref.load %arg3[%get3A_5, %get3A_6] : memref<16x1xi32, #tpu.memory_space<smem>>
    %get3A_8 = arith.index_cast %arg0 : i32 to index
    %get3A_9 = arith.constant 0 : index
    %get3A_10 = memref.load %arg4[%get3A_8, %get3A_9] : memref<16x1xi32, #tpu.memory_space<smem>>
    %get3A_11 = arith.index_cast %arg0 : i32 to index
    %get3A_12 = arith.constant 0 : index
    %get3A_13 = memref.load %arg1[%get3A_11, %get3A_12] : memref<16x1xi32, #tpu.memory_space<smem>>
    %mul3A = arith.constant 256 : i32
    %mul3A_14 = arith.muli %get3A_13, %mul3A : i32
    %gt3A = arith.constant 0 : i32
    %gt3A_15 = arith.cmpi sgt, %get3A_7, %gt3A : i32
    %get3A_16 = arith.constant 0 : index
    %get3A_17 = arith.constant 0 : index
    %get3A_18 = vector.load %arg8[%get3A_16, %get3A_17] : memref<256x1xi32, #tpu.memory_space<vmem>>, vector<256x1xi32>
    %eq3A = vector.broadcast %get3A_1 : i32 to vector<256x1xi32>
    %eq3A_19 = arith.cmpi eq, %get3A_18, %eq3A : vector<256x1xi32>
    %convert_element_type3A = arith.extui %eq3A_19 : vector<256x1xi1> to vector<256x1xi32>
    %convert_element_type3A_20 = arith.sitofp %convert_element_type3A : vector<256x1xi32> to vector<256x1xf32>
    %broadcast_in_dim3A = arith.constant 0.000000e+00 : f32
    %broadcast_in_dim3A_21 = vector.broadcast %broadcast_in_dim3A : f32 to vector<256x1xf32>
    %select_n3A = arith.select %gt3A_15, %convert_element_type3A_20, %broadcast_in_dim3A_21 : vector<256x1xf32>
    %get3A_22 = arith.constant 0 : index
    %get3A_23 = arith.constant 0 : index
    %get3A_24 = arith.constant 0 : index
    %get3A_25 = arith.constant 0 : index
    %get3A_26 = vector.load %arg6[%get3A_22, %get3A_23, %get3A_24, %get3A_25] : memref<1x1x768x768xf32, #tpu.memory_space<vmem>>, vector<1x1x768x768xf32>
    %get3A_27 = vector.shape_cast %get3A_26 : vector<1x1x768x768xf32> to vector<768x768xf32>
    %mul3A_28 = vector.broadcast %get3A_4 : f32 to vector<768x768xf32>
    %mul3A_29 = arith.mulf %mul3A_28, %get3A_27 : vector<768x768xf32>
    %get3A_30 = arith.constant 0 : index
    %get3A_31 = arith.constant 0 : index
    %get3A_32 = vector.load %arg5[%get3A_30, %get3A_31] : memref<256x768xf32, #tpu.memory_space<vmem>>, vector<256x768xf32>
    %mul3A_33 = vector.broadcast %select_n3A : vector<256x1xf32> to vector<256x768xf32>
    %mul3A_34 = arith.mulf %get3A_32, %mul3A_33 : vector<256x768xf32>
    %dot_general3A = arith.constant dense<0.000000e+00> : vector<256x768xf32>
    %dot_general3A_35 = tpu.matmul %mul3A_34, %mul3A_29, %dot_general3A {dimension_numbers = #tpu.dot_dimension_numbers<[1], [0], [0], [1], [0, 0, 1, 1], [], []>, transpose_lhs_hint = false} : vector<256x768xf32>, vector<768x768xf32>, vector<256x768xf32> -> vector<256x768xf32>
    %get3A_36 = arith.constant 0 : index
    %get3A_37 = arith.constant 0 : index
    %get3A_38 = arith.constant 0 : index
    %get3A_39 = arith.constant 0 : index
    %get3A_40 = vector.load %arg7[%get3A_36, %get3A_37, %get3A_38, %get3A_39] : memref<1x1x1x768xf32, #tpu.memory_space<vmem>>, vector<1x1x1x768xf32>
    %get3A_41 = vector.shape_cast %get3A_40 : vector<1x1x1x768xf32> to vector<1x768xf32>
    %mul3A_42 = vector.broadcast %get3A_4 : f32 to vector<1x768xf32>
    %mul3A_43 = arith.mulf %mul3A_42, %get3A_41 : vector<1x768xf32>
    %mul3A_44 = vector.broadcast %select_n3A : vector<256x1xf32> to vector<256x768xf32>
    %mul3A_45 = vector.broadcast %mul3A_43 : vector<1x768xf32> to vector<256x768xf32>
    %mul3A_46 = arith.mulf %mul3A_44, %mul3A_45 : vector<256x768xf32>
    %add3A = arith.addf %dot_general3A_35, %mul3A_46 : vector<256x768xf32>
    %get3A_47 = arith.constant 0 : index
    %get3A_48 = memref.load %arg10[%get3A_47] : memref<3xf32, #tpu.memory_space<smem>>
    %get3A_49 = arith.constant 1 : index
    %get3A_50 = memref.load %arg10[%get3A_49] : memref<3xf32, #tpu.memory_space<smem>>
    %get3A_51 = arith.constant 2 : index
    %get3A_52 = memref.load %arg10[%get3A_51] : memref<3xf32, #tpu.memory_space<smem>>
    %max3A = arith.maximumf %get3A_48, %get3A_50 : f32
    %max3A_53 = arith.maximumf %max3A, %get3A_52 : f32
    %sub3A = arith.subf %get3A_48, %max3A_53 : f32
    %exp3A = math.exp %sub3A : f32
    %sub3A_54 = arith.subf %get3A_50, %max3A_53 : f32
    %exp3A_55 = math.exp %sub3A_54 : f32
    %sub3A_56 = arith.subf %get3A_52, %max3A_53 : f32
    %exp3A_57 = math.exp %sub3A_56 : f32
    %add3A_58 = arith.addf %exp3A, %exp3A_55 : f32
    %add3A_59 = arith.addf %add3A_58, %exp3A_57 : f32
    %div3A = arith.divf %exp3A_55, %add3A_59 : f32
    %eq3A_60 = arith.constant 1 : i32
    %eq3A_61 = arith.cmpi eq, %get3A_10, %eq3A_60 : i32
    %convert_element_type3A_62 = arith.extui %eq3A_61 : i1 to i32
    %cond3A = arith.constant 0 : i32
    %cond3A_63 = arith.cmpi ne, %convert_element_type3A_62, %cond3A : i32
    scf.if %cond3A_63 {
      %swap3A = arith.index_cast %mul3A_14 : i32 to index
      %swap3A_74 = arith.constant 0 : index
      %swap3A_75 = vector.load %arg15[%swap3A, %swap3A_74] : memref<2048x768xf32, #tpu.memory_space<vmem>>, vector<256x768xf32>
      tpu.vector_store %arg15[%swap3A, %swap3A_74], %add3A {strides = array<i32>} : memref<2048x768xf32, #tpu.memory_space<vmem>>, vector<256x768xf32>,
      %get3A_76 = arith.constant 0 : index
      %get3A_77 = memref.load %arg10[%get3A_76] : memref<3xf32, #tpu.memory_space<smem>>
      %get3A_78 = arith.constant 1 : index
      %get3A_79 = memref.load %arg10[%get3A_78] : memref<3xf32, #tpu.memory_space<smem>>
      %get3A_80 = arith.constant 2 : index
      %get3A_81 = memref.load %arg10[%get3A_80] : memref<3xf32, #tpu.memory_space<smem>>
      %max3A_82 = arith.maximumf %get3A_77, %get3A_79 : f32
      %max3A_83 = arith.maximumf %max3A_82, %get3A_81 : f32
      %sub3A_84 = arith.subf %get3A_77, %max3A_83 : f32
      %exp3A_85 = math.exp %sub3A_84 : f32
      %sub3A_86 = arith.subf %get3A_79, %max3A_83 : f32
      %exp3A_87 = math.exp %sub3A_86 : f32
      %sub3A_88 = arith.subf %get3A_81, %max3A_83 : f32
      %exp3A_89 = math.exp %sub3A_88 : f32
      %add3A_90 = arith.addf %exp3A_85, %exp3A_87 : f32
      %add3A_91 = arith.addf %add3A_90, %exp3A_89 : f32
      %div3A_92 = arith.divf %exp3A_85, %add3A_91 : f32
      %get3A_93 = arith.constant 0 : index
      %get3A_94 = arith.constant 0 : index
      %get3A_95 = vector.load %arg5[%get3A_93, %get3A_94] : memref<256x768xf32, #tpu.memory_space<vmem>>, vector<256x768xf32>
      %mul3A_96 = vector.broadcast %div3A_92 : f32 to vector<256x768xf32>
      %mul3A_97 = arith.mulf %mul3A_96, %get3A_95 : vector<256x768xf32>
      %mul3A_98 = vector.broadcast %div3A : f32 to vector<256x768xf32>
      %mul3A_99 = arith.mulf %mul3A_98, %add3A : vector<256x768xf32>
      %add3A_100 = arith.addf %mul3A_97, %mul3A_99 : vector<256x768xf32>
      %swap3A_101 = arith.index_cast %mul3A_14 : i32 to index
      %swap3A_102 = arith.constant 0 : index
      %swap3A_103 = vector.load %arg16[%swap3A_101, %swap3A_102] : memref<2048x768xf32, #tpu.memory_space<vmem>>, vector<256x768xf32>
      tpu.vector_store %arg16[%swap3A_101, %swap3A_102], %add3A_100 {strides = array<i32>} : memref<2048x768xf32, #tpu.memory_space<vmem>>, vector<256x768xf32>,
    } else {
    }
    %eq3A_64 = arith.constant 0 : i32
    %eq3A_65 = arith.cmpi eq, %get3A_10, %eq3A_64 : i32
    %convert_element_type3A_66 = arith.extui %eq3A_65 : i1 to i32
    %cond3A_67 = arith.constant 0 : i32
    %cond3A_68 = arith.cmpi ne, %convert_element_type3A_66, %cond3A_67 : i32
    scf.if %cond3A_68 {
      %get3A_74 = arith.index_cast %mul3A_14 : i32 to index
      %get3A_75 = arith.constant 0 : index
      %get3A_76 = vector.load %arg15[%get3A_74, %get3A_75] : memref<2048x768xf32, #tpu.memory_space<vmem>>, vector<256x768xf32>
      %add3A_77 = arith.addf %get3A_76, %add3A : vector<256x768xf32>
      %swap3A = arith.index_cast %mul3A_14 : i32 to index
      %swap3A_78 = arith.constant 0 : index
      %swap3A_79 = vector.load %arg15[%swap3A, %swap3A_78] : memref<2048x768xf32, #tpu.memory_space<vmem>>, vector<256x768xf32>
      tpu.vector_store %arg15[%swap3A, %swap3A_78], %add3A_77 {strides = array<i32>} : memref<2048x768xf32, #tpu.memory_space<vmem>>, vector<256x768xf32>,
      %get3A_80 = arith.index_cast %mul3A_14 : i32 to index
      %get3A_81 = arith.constant 0 : index
      %get3A_82 = vector.load %arg16[%get3A_80, %get3A_81] : memref<2048x768xf32, #tpu.memory_space<vmem>>, vector<256x768xf32>
      %mul3A_83 = vector.broadcast %div3A : f32 to vector<256x768xf32>
      %mul3A_84 = arith.mulf %mul3A_83, %add3A : vector<256x768xf32>
      %add3A_85 = arith.addf %get3A_82, %mul3A_84 : vector<256x768xf32>
      %swap3A_86 = arith.index_cast %mul3A_14 : i32 to index
      %swap3A_87 = arith.constant 0 : index
      %swap3A_88 = vector.load %arg16[%swap3A_86, %swap3A_87] : memref<2048x768xf32, #tpu.memory_space<vmem>>, vector<256x768xf32>
      tpu.vector_store %arg16[%swap3A_86, %swap3A_87], %add3A_85 {strides = array<i32>} : memref<2048x768xf32, #tpu.memory_space<vmem>>, vector<256x768xf32>,
    } else {
    }
    %eq3A_69 = arith.constant 15 : i32
    %eq3A_70 = arith.cmpi eq, %arg0, %eq3A_69 : i32
    %convert_element_type3A_71 = arith.extui %eq3A_70 : i1 to i32
    %cond3A_72 = arith.constant 0 : i32
    %cond3A_73 = arith.cmpi ne, %convert_element_type3A_71, %cond3A_72 : i32
    scf.if %cond3A_73 {
      %get3A_74 = arith.constant 0 : index
      %get3A_75 = arith.constant 0 : index
      %get3A_76 = vector.load %arg15[%get3A_74, %get3A_75] : memref<2048x768xf32, #tpu.memory_space<vmem>>, vector<2048x768xf32>
      %get3A_77 = arith.constant 0 : index
      %get3A_78 = arith.constant 0 : index
      %get3A_79 = vector.load %arg11[%get3A_77, %get3A_78] : memref<768x384xf32, #tpu.memory_space<vmem>>, vector<768x384xf32>
      %get3A_80 = arith.constant 0 : index
      %get3A_81 = arith.constant 0 : index
      %get3A_82 = vector.load %arg12[%get3A_80, %get3A_81] : memref<1x384xf32, #tpu.memory_space<vmem>>, vector<1x384xf32>
      %get3A_83 = arith.constant 0 : index
      %get3A_84 = arith.constant 0 : index
      %get3A_85 = vector.load %arg13[%get3A_83, %get3A_84] : memref<384x8xf32, #tpu.memory_space<vmem>>, vector<384x8xf32>
      %get3A_86 = arith.constant 0 : index
      %get3A_87 = arith.constant 0 : index
      %get3A_88 = vector.load %arg14[%get3A_86, %get3A_87] : memref<1x8xf32, #tpu.memory_space<vmem>>, vector<1x8xf32>
      %dot_general3A_89 = arith.constant dense<0.000000e+00> : vector<2048x384xf32>
      %dot_general3A_90 = tpu.matmul %get3A_76, %get3A_79, %dot_general3A_89 {dimension_numbers = #tpu.dot_dimension_numbers<[1], [0], [0], [1], [0, 0, 1, 1], [], []>, transpose_lhs_hint = false} : vector<2048x768xf32>, vector<768x384xf32>, vector<2048x384xf32> -> vector<2048x384xf32>
      %add3A_91 = vector.broadcast %get3A_82 : vector<1x384xf32> to vector<2048x384xf32>
      %add3A_92 = arith.addf %dot_general3A_90, %add3A_91 : vector<2048x384xf32>
      %max3A_93 = arith.constant 0.000000e+00 : f32
      %max3A_94 = vector.broadcast %max3A_93 : f32 to vector<2048x384xf32>
      %max3A_95 = arith.maximumf %add3A_92, %max3A_94 : vector<2048x384xf32>
      %dot_general3A_96 = arith.constant dense<0.000000e+00> : vector<2048x8xf32>
      %dot_general3A_97 = tpu.matmul %max3A_95, %get3A_85, %dot_general3A_96 {dimension_numbers = #tpu.dot_dimension_numbers<[1], [0], [0], [1], [0, 0, 1, 1], [], []>, transpose_lhs_hint = false} : vector<2048x384xf32>, vector<384x8xf32>, vector<2048x8xf32> -> vector<2048x8xf32>
      %add3A_98 = vector.broadcast %get3A_88 : vector<1x8xf32> to vector<2048x8xf32>
      %add3A_99 = arith.addf %dot_general3A_97, %add3A_98 : vector<2048x8xf32>
      %reduce_max3A = arith.constant dense<0xFF800000> : vector<2048xf32>
      %reduce_max3A_100 = vector.multi_reduction <maximumf>, %add3A_99, %reduce_max3A [1] : vector<2048x8xf32> to vector<2048xf32>
      %max3A_101 = arith.constant 0xFF800000 : f32
      %max3A_102 = vector.broadcast %max3A_101 : f32 to vector<2048xf32>
      %max3A_103 = arith.maximumf %max3A_102, %reduce_max3A_100 : vector<2048xf32>
      %broadcast_in_dim3A_104 = vector.shape_cast %max3A_103 : vector<2048xf32> to vector<2048x1xf32>
      %sub3A_105 = vector.broadcast %broadcast_in_dim3A_104 : vector<2048x1xf32> to vector<2048x8xf32>
      %sub3A_106 = arith.subf %add3A_99, %sub3A_105 : vector<2048x8xf32>
      %exp3A_107 = math.exp %sub3A_106 : vector<2048x8xf32>
      %reduce_sum3A = arith.constant dense<0.000000e+00> : vector<2048xf32>
      %reduce_sum3A_108 = vector.multi_reduction <add>, %exp3A_107, %reduce_sum3A [1] : vector<2048x8xf32> to vector<2048xf32>
      %broadcast_in_dim3A_109 = vector.shape_cast %reduce_sum3A_108 : vector<2048xf32> to vector<2048x1xf32>
      %div3A_110 = vector.broadcast %broadcast_in_dim3A_109 : vector<2048x1xf32> to vector<2048x8xf32>
      %div3A_111 = arith.divf %exp3A_107, %div3A_110 : vector<2048x8xf32>
      %reduce_max3A_112 = arith.constant dense<0xFF800000> : vector<2048xf32>
      %reduce_max3A_113 = vector.multi_reduction <maximumf>, %div3A_111, %reduce_max3A_112 [1] : vector<2048x8xf32> to vector<2048xf32>
      %broadcast_in_dim3A_114 = vector.shape_cast %reduce_max3A_113 : vector<2048xf32> to vector<2048x1xf32>
      %iota3A = tpu.iota {dimensions = array<i32: 1>} : vector<2048x8xi32>
      %eq3A_115 = vector.broadcast %broadcast_in_dim3A_114 : vector<2048x1xf32> to vector<2048x8xf32>
      %eq3A_116 = arith.cmpf oeq, %div3A_111, %eq3A_115 : vector<2048x8xf32>
      %jit3A = arith.constant 8 : i32
      %broadcast_in_dim3A_117 = vector.broadcast %jit3A : i32 to vector<2048x8xi32>
      %select_n3A_118 = arith.select %eq3A_116, %iota3A, %broadcast_in_dim3A_117 : vector<2048x8xi1>, vector<2048x8xi32>
      %reduce_min3A = arith.constant dense<2147483647> : vector<2048xi32>
      %reduce_min3A_119 = vector.multi_reduction <minsi>, %select_n3A_118, %reduce_min3A [1] : vector<2048x8xi32> to vector<2048xi32>
      %broadcast_in_dim3A_120 = vector.shape_cast %reduce_min3A_119 : vector<2048xi32> to vector<2048x1xi32>
      %eq3A_121 = vector.broadcast %broadcast_in_dim3A_120 : vector<2048x1xi32> to vector<2048x8xi32>
      %eq3A_122 = arith.cmpi eq, %eq3A_121, %iota3A : vector<2048x8xi32>
      %convert_element_type3A_123 = arith.extui %eq3A_122 : vector<2048x8xi1> to vector<2048x8xi32>
      %convert_element_type3A_124 = arith.sitofp %convert_element_type3A_123 : vector<2048x8xi32> to vector<2048x8xf32>
      %broadcast_in_dim3A_125 = arith.constant 0.000000e+00 : f32
      %broadcast_in_dim3A_126 = vector.broadcast %broadcast_in_dim3A_125 : f32 to vector<1x8xf32>
      %slice3A = vector.extract_strided_slice %convert_element_type3A_124 {offsets = [0, 0], sizes = [2047, 8], strides = [1, 1]} : vector<2048x8xf32> to vector<2047x8xf32>
      %concatenate3A = tpu.concatenate %broadcast_in_dim3A_126, %slice3A in 0 : vector<1x8xf32>, vector<2047x8xf32> -> vector<2048x8xf32>
      %add3A_127 = arith.addf %convert_element_type3A_124, %concatenate3A : vector<2048x8xf32>
      %broadcast_in_dim3A_128 = arith.constant 0.000000e+00 : f32
      %broadcast_in_dim3A_129 = vector.broadcast %broadcast_in_dim3A_128 : f32 to vector<2x8xf32>
      %slice3A_130 = vector.extract_strided_slice %add3A_127 {offsets = [0, 0], sizes = [2046, 8], strides = [1, 1]} : vector<2048x8xf32> to vector<2046x8xf32>
      %concatenate3A_131 = tpu.concatenate %broadcast_in_dim3A_129, %slice3A_130 in 0 : vector<2x8xf32>, vector<2046x8xf32> -> vector<2048x8xf32>
      %add3A_132 = arith.addf %add3A_127, %concatenate3A_131 : vector<2048x8xf32>
      %broadcast_in_dim3A_133 = arith.constant 0.000000e+00 : f32
      %broadcast_in_dim3A_134 = vector.broadcast %broadcast_in_dim3A_133 : f32 to vector<4x8xf32>
      %slice3A_135 = vector.extract_strided_slice %add3A_132 {offsets = [0, 0], sizes = [2044, 8], strides = [1, 1]} : vector<2048x8xf32> to vector<2044x8xf32>
      %concatenate3A_136 = tpu.concatenate %broadcast_in_dim3A_134, %slice3A_135 in 0 : vector<4x8xf32>, vector<2044x8xf32> -> vector<2048x8xf32>
      %add3A_137 = arith.addf %add3A_132, %concatenate3A_136 : vector<2048x8xf32>
      %broadcast_in_dim3A_138 = arith.constant 0.000000e+00 : f32
      %broadcast_in_dim3A_139 = vector.broadcast %broadcast_in_dim3A_138 : f32 to vector<8x8xf32>
      %slice3A_140 = vector.extract_strided_slice %add3A_137 {offsets = [0, 0], sizes = [2040, 8], strides = [1, 1]} : vector<2048x8xf32> to vector<2040x8xf32>
      %concatenate3A_141 = tpu.concatenate %broadcast_in_dim3A_139, %slice3A_140 in 0 : vector<8x8xf32>, vector<2040x8xf32> -> vector<2048x8xf32>
      %add3A_142 = arith.addf %add3A_137, %concatenate3A_141 : vector<2048x8xf32>
      %broadcast_in_dim3A_143 = arith.constant 0.000000e+00 : f32
      %broadcast_in_dim3A_144 = vector.broadcast %broadcast_in_dim3A_143 : f32 to vector<16x8xf32>
      %slice3A_145 = vector.extract_strided_slice %add3A_142 {offsets = [0, 0], sizes = [2032, 8], strides = [1, 1]} : vector<2048x8xf32> to vector<2032x8xf32>
      %concatenate3A_146 = tpu.concatenate %broadcast_in_dim3A_144, %slice3A_145 in 0 : vector<16x8xf32>, vector<2032x8xf32> -> vector<2048x8xf32>
      %add3A_147 = arith.addf %add3A_142, %concatenate3A_146 : vector<2048x8xf32>
      %broadcast_in_dim3A_148 = arith.constant 0.000000e+00 : f32
      %broadcast_in_dim3A_149 = vector.broadcast %broadcast_in_dim3A_148 : f32 to vector<32x8xf32>
      %slice3A_150 = vector.extract_strided_slice %add3A_147 {offsets = [0, 0], sizes = [2016, 8], strides = [1, 1]} : vector<2048x8xf32> to vector<2016x8xf32>
      %concatenate3A_151 = tpu.concatenate %broadcast_in_dim3A_149, %slice3A_150 in 0 : vector<32x8xf32>, vector<2016x8xf32> -> vector<2048x8xf32>
      %add3A_152 = arith.addf %add3A_147, %concatenate3A_151 : vector<2048x8xf32>
      %broadcast_in_dim3A_153 = arith.constant 0.000000e+00 : f32
      %broadcast_in_dim3A_154 = vector.broadcast %broadcast_in_dim3A_153 : f32 to vector<64x8xf32>
      %slice3A_155 = vector.extract_strided_slice %add3A_152 {offsets = [0, 0], sizes = [1984, 8], strides = [1, 1]} : vector<2048x8xf32> to vector<1984x8xf32>
      %concatenate3A_156 = tpu.concatenate %broadcast_in_dim3A_154, %slice3A_155 in 0 : vector<64x8xf32>, vector<1984x8xf32> -> vector<2048x8xf32>
      %add3A_157 = arith.addf %add3A_152, %concatenate3A_156 : vector<2048x8xf32>
      %broadcast_in_dim3A_158 = arith.constant 0.000000e+00 : f32
      %broadcast_in_dim3A_159 = vector.broadcast %broadcast_in_dim3A_158 : f32 to vector<128x8xf32>
      %slice3A_160 = vector.extract_strided_slice %add3A_157 {offsets = [0, 0], sizes = [1920, 8], strides = [1, 1]} : vector<2048x8xf32> to vector<1920x8xf32>
      %concatenate3A_161 = tpu.concatenate %broadcast_in_dim3A_159, %slice3A_160 in 0 : vector<128x8xf32>, vector<1920x8xf32> -> vector<2048x8xf32>
      %add3A_162 = arith.addf %add3A_157, %concatenate3A_161 : vector<2048x8xf32>
      %broadcast_in_dim3A_163 = arith.constant 0.000000e+00 : f32
      %broadcast_in_dim3A_164 = vector.broadcast %broadcast_in_dim3A_163 : f32 to vector<256x8xf32>
      %slice3A_165 = vector.extract_strided_slice %add3A_162 {offsets = [0, 0], sizes = [1792, 8], strides = [1, 1]} : vector<2048x8xf32> to vector<1792x8xf32>
      %concatenate3A_166 = tpu.concatenate %broadcast_in_dim3A_164, %slice3A_165 in 0 : vector<256x8xf32>, vector<1792x8xf32> -> vector<2048x8xf32>
      %add3A_167 = arith.addf %add3A_162, %concatenate3A_166 : vector<2048x8xf32>
      %broadcast_in_dim3A_168 = arith.constant 0.000000e+00 : f32
      %broadcast_in_dim3A_169 = vector.broadcast %broadcast_in_dim3A_168 : f32 to vector<512x8xf32>
      %slice3A_170 = vector.extract_strided_slice %add3A_167 {offsets = [0, 0], sizes = [1536, 8], strides = [1, 1]} : vector<2048x8xf32> to vector<1536x8xf32>
      %concatenate3A_171 = tpu.concatenate %broadcast_in_dim3A_169, %slice3A_170 in 0 : vector<512x8xf32>, vector<1536x8xf32> -> vector<2048x8xf32>
      %add3A_172 = arith.addf %add3A_167, %concatenate3A_171 : vector<2048x8xf32>
      %broadcast_in_dim3A_173 = arith.constant 0.000000e+00 : f32
      %broadcast_in_dim3A_174 = vector.broadcast %broadcast_in_dim3A_173 : f32 to vector<1024x8xf32>
      %slice3A_175 = vector.extract_strided_slice %add3A_172 {offsets = [0, 0], sizes = [1024, 8], strides = [1, 1]} : vector<2048x8xf32> to vector<1024x8xf32>
      %concatenate3A_176 = tpu.concatenate %broadcast_in_dim3A_174, %slice3A_175 in 0 : vector<1024x8xf32>, vector<1024x8xf32> -> vector<2048x8xf32>
      %add3A_177 = arith.addf %add3A_172, %concatenate3A_176 : vector<2048x8xf32>
      %slice3A_178 = vector.extract_strided_slice %add3A_177 {offsets = [2047, 0], sizes = [1, 8], strides = [1, 1]} : vector<2048x8xf32> to vector<1x8xf32>
      %broadcast_in_dim3A_179 = arith.constant 0.000000e+00 : f32
      %broadcast_in_dim3A_180 = vector.broadcast %broadcast_in_dim3A_179 : f32 to vector<1x1xf32>
      %slice3A_181 = vector.extract_strided_slice %slice3A_178 {offsets = [0, 0], sizes = [1, 7], strides = [1, 1]} : vector<1x8xf32> to vector<1x7xf32>
      %concatenate3A_182 = tpu.concatenate %broadcast_in_dim3A_180, %slice3A_181 in 1 : vector<1x1xf32>, vector<1x7xf32> -> vector<1x8xf32>
      %add3A_183 = arith.addf %slice3A_178, %concatenate3A_182 : vector<1x8xf32>
      %broadcast_in_dim3A_184 = arith.constant 0.000000e+00 : f32
      %broadcast_in_dim3A_185 = vector.broadcast %broadcast_in_dim3A_184 : f32 to vector<1x2xf32>
      %slice3A_186 = vector.extract_strided_slice %add3A_183 {offsets = [0, 0], sizes = [1, 6], strides = [1, 1]} : vector<1x8xf32> to vector<1x6xf32>
      %concatenate3A_187 = tpu.concatenate %broadcast_in_dim3A_185, %slice3A_186 in 1 : vector<1x2xf32>, vector<1x6xf32> -> vector<1x8xf32>
      %add3A_188 = arith.addf %add3A_183, %concatenate3A_187 : vector<1x8xf32>
      %broadcast_in_dim3A_189 = arith.constant 0.000000e+00 : f32
      %broadcast_in_dim3A_190 = vector.broadcast %broadcast_in_dim3A_189 : f32 to vector<1x4xf32>
      %slice3A_191 = vector.extract_strided_slice %add3A_188 {offsets = [0, 0], sizes = [1, 4], strides = [1, 1]} : vector<1x8xf32> to vector<1x4xf32>
      %concatenate3A_192 = tpu.concatenate %broadcast_in_dim3A_190, %slice3A_191 in 1 : vector<1x4xf32>, vector<1x4xf32> -> vector<1x8xf32>
      %add3A_193 = arith.addf %add3A_188, %concatenate3A_192 : vector<1x8xf32>
      %sub3A_194 = arith.subf %add3A_193, %slice3A_178 : vector<1x8xf32>
      %add3A_195 = arith.addf %sub3A_194, %slice3A_178 : vector<1x8xf32>
      %add3A_196 = vector.broadcast %sub3A_194 : vector<1x8xf32> to vector<2048x8xf32>
      %add3A_197 = arith.addf %add3A_196, %add3A_177 : vector<2048x8xf32>
      %sub3A_198 = arith.constant 1.000000e+00 : f32
      %sub3A_199 = vector.broadcast %sub3A_198 : f32 to vector<2048x8xf32>
      %sub3A_200 = arith.subf %add3A_197, %sub3A_199 : vector<2048x8xf32>
      %mul3A_201 = arith.mulf %convert_element_type3A_124, %sub3A_200 : vector<2048x8xf32>
      %reduce_sum3A_202 = arith.constant dense<0.000000e+00> : vector<2048xf32>
      %reduce_sum3A_203 = vector.multi_reduction <add>, %mul3A_201, %reduce_sum3A_202 [1] : vector<2048x8xf32> to vector<2048xf32>
      %broadcast_in_dim3A_204 = vector.shape_cast %reduce_sum3A_203 : vector<2048xf32> to vector<2048x1xf32>
      %convert_element_type3A_205 = arith.fptosi %broadcast_in_dim3A_204 : vector<2048x1xf32> to vector<2048x1xi32>
      %reshape3A = vector.shape_cast %convert_element_type3A_205 : vector<2048x1xi32> to vector<16x128xi32>
      %swap3A = arith.constant 0 : index
      %swap3A_206 = arith.constant 0 : index
      %swap3A_207 = vector.load %arg17[%swap3A, %swap3A_206] : memref<16x128xi32, #tpu.memory_space<vmem>>, vector<16x128xi32>
      tpu.vector_store %arg17[%swap3A, %swap3A_206], %reshape3A {strides = array<i32>} : memref<16x128xi32, #tpu.memory_space<vmem>>, vector<16x128xi32>,
      %iota3A_208 = tpu.iota {dimensions = array<i32: 0>} : vector<2048x8xi32>
      %convert_element_type3A_209 = arith.sitofp %iota3A_208 : vector<2048x8xi32> to vector<2048x8xf32>
      %ge3A = vector.broadcast %add3A_195 : vector<1x8xf32> to vector<2048x8xf32>
      %ge3A_210 = arith.cmpf oge, %convert_element_type3A_209, %ge3A : vector<2048x8xf32>
      %convert_element_type3A_211 = arith.extui %ge3A_210 : vector<2048x8xi1> to vector<2048x8xi32>
      %convert_element_type3A_212 = arith.sitofp %convert_element_type3A_211 : vector<2048x8xi32> to vector<2048x8xf32>
      %reduce_sum3A_213 = arith.constant dense<0.000000e+00> : vector<2048xf32>
      %reduce_sum3A_214 = vector.multi_reduction <add>, %convert_element_type3A_212, %reduce_sum3A_213 [1] : vector<2048x8xf32> to vector<2048xf32>
      %broadcast_in_dim3A_215 = vector.shape_cast %reduce_sum3A_214 : vector<2048xf32> to vector<2048x1xf32>
      %convert_element_type3A_216 = arith.fptosi %broadcast_in_dim3A_215 : vector<2048x1xf32> to vector<2048x1xi32>
      %swap3A_217 = arith.constant 0 : index
      %swap3A_218 = arith.constant 0 : index
      %swap3A_219 = vector.load %arg18[%swap3A_217, %swap3A_218] : memref<2048x1xi32, #tpu.memory_space<vmem>>, vector<2048x1xi32>
      tpu.vector_store %arg18[%swap3A_217, %swap3A_218], %convert_element_type3A_216 {strides = array<i32>} : memref<2048x1xi32, #tpu.memory_space<vmem>>, vector<2048x1xi32>,
      %iota3A_220 = tpu.iota {dimensions = array<i32: 0>} : vector<8x8xi32>
      %convert_element_type3A_221 = arith.sitofp %iota3A_220 : vector<8x8xi32> to vector<8x8xf32>
      %mul3A_222 = arith.constant 2.560000e+02 : f32
      %mul3A_223 = vector.broadcast %mul3A_222 : f32 to vector<8x8xf32>
      %mul3A_224 = arith.mulf %convert_element_type3A_221, %mul3A_223 : vector<8x8xf32>
      %add3A_225 = arith.constant 2.560000e+02 : f32
      %add3A_226 = vector.broadcast %add3A_225 : f32 to vector<8x8xf32>
      %add3A_227 = arith.addf %mul3A_224, %add3A_226 : vector<8x8xf32>
      %lt3A = vector.broadcast %sub3A_194 : vector<1x8xf32> to vector<8x8xf32>
      %lt3A_228 = arith.cmpf olt, %lt3A, %add3A_227 : vector<8x8xf32>
      %gt3A_229 = vector.broadcast %add3A_195 : vector<1x8xf32> to vector<8x8xf32>
      %gt3A_230 = arith.cmpf ogt, %gt3A_229, %mul3A_224 : vector<8x8xf32>
      %and3A = arith.andi %lt3A_228, %gt3A_230 : vector<8x8xi1>
      %gt3A_231 = arith.constant 0.000000e+00 : f32
      %gt3A_232 = vector.broadcast %gt3A_231 : f32 to vector<1x8xf32>
      %gt3A_233 = arith.cmpf ogt, %slice3A_178, %gt3A_232 : vector<1x8xf32>
      %and3A_234 = vector.broadcast %gt3A_233 : vector<1x8xi1> to vector<8x8xi1>
      %and3A_235 = arith.andi %and3A, %and3A_234 : vector<8x8xi1>
      %convert_element_type3A_236 = arith.extui %and3A_235 : vector<8x8xi1> to vector<8x8xi32>
      %convert_element_type3A_237 = arith.sitofp %convert_element_type3A_236 : vector<8x8xi32> to vector<8x8xf32>
      %broadcast_in_dim3A_238 = arith.constant 0.000000e+00 : f32
      %broadcast_in_dim3A_239 = vector.broadcast %broadcast_in_dim3A_238 : f32 to vector<8x1xf32>
      %slice3A_240 = vector.extract_strided_slice %convert_element_type3A_237 {offsets = [0, 0], sizes = [8, 7], strides = [1, 1]} : vector<8x8xf32> to vector<8x7xf32>
      %concatenate3A_241 = tpu.concatenate %broadcast_in_dim3A_239, %slice3A_240 in 1 : vector<8x1xf32>, vector<8x7xf32> -> vector<8x8xf32>
      %add3A_242 = arith.addf %convert_element_type3A_237, %concatenate3A_241 : vector<8x8xf32>
      %broadcast_in_dim3A_243 = arith.constant 0.000000e+00 : f32
      %broadcast_in_dim3A_244 = vector.broadcast %broadcast_in_dim3A_243 : f32 to vector<8x2xf32>
      %slice3A_245 = vector.extract_strided_slice %add3A_242 {offsets = [0, 0], sizes = [8, 6], strides = [1, 1]} : vector<8x8xf32> to vector<8x6xf32>
      %concatenate3A_246 = tpu.concatenate %broadcast_in_dim3A_244, %slice3A_245 in 1 : vector<8x2xf32>, vector<8x6xf32> -> vector<8x8xf32>
      %add3A_247 = arith.addf %add3A_242, %concatenate3A_246 : vector<8x8xf32>
      %broadcast_in_dim3A_248 = arith.constant 0.000000e+00 : f32
      %broadcast_in_dim3A_249 = vector.broadcast %broadcast_in_dim3A_248 : f32 to vector<8x4xf32>
      %slice3A_250 = vector.extract_strided_slice %add3A_247 {offsets = [0, 0], sizes = [8, 4], strides = [1, 1]} : vector<8x8xf32> to vector<8x4xf32>
      %concatenate3A_251 = tpu.concatenate %broadcast_in_dim3A_249, %slice3A_250 in 1 : vector<8x4xf32>, vector<8x4xf32> -> vector<8x8xf32>
      %add3A_252 = arith.addf %add3A_247, %concatenate3A_251 : vector<8x8xf32>
      %slice3A_253 = vector.extract_strided_slice %add3A_252 {offsets = [0, 7], sizes = [8, 1], strides = [1, 1]} : vector<8x8xf32> to vector<8x1xf32>
      %broadcast_in_dim3A_254 = arith.constant 0.000000e+00 : f32
      %broadcast_in_dim3A_255 = vector.broadcast %broadcast_in_dim3A_254 : f32 to vector<1x1xf32>
      %slice3A_256 = vector.extract_strided_slice %slice3A_253 {offsets = [0, 0], sizes = [7, 1], strides = [1, 1]} : vector<8x1xf32> to vector<7x1xf32>
      %concatenate3A_257 = tpu.concatenate %broadcast_in_dim3A_255, %slice3A_256 in 0 : vector<1x1xf32>, vector<7x1xf32> -> vector<8x1xf32>
      %add3A_258 = arith.addf %slice3A_253, %concatenate3A_257 : vector<8x1xf32>
      %broadcast_in_dim3A_259 = arith.constant 0.000000e+00 : f32
      %broadcast_in_dim3A_260 = vector.broadcast %broadcast_in_dim3A_259 : f32 to vector<2x1xf32>
      %slice3A_261 = vector.extract_strided_slice %add3A_258 {offsets = [0, 0], sizes = [6, 1], strides = [1, 1]} : vector<8x1xf32> to vector<6x1xf32>
      %concatenate3A_262 = tpu.concatenate %broadcast_in_dim3A_260, %slice3A_261 in 0 : vector<2x1xf32>, vector<6x1xf32> -> vector<8x1xf32>
      %add3A_263 = arith.addf %add3A_258, %concatenate3A_262 : vector<8x1xf32>
      %broadcast_in_dim3A_264 = arith.constant 0.000000e+00 : f32
      %broadcast_in_dim3A_265 = vector.broadcast %broadcast_in_dim3A_264 : f32 to vector<4x1xf32>
      %slice3A_266 = vector.extract_strided_slice %add3A_263 {offsets = [0, 0], sizes = [4, 1], strides = [1, 1]} : vector<8x1xf32> to vector<4x1xf32>
      %concatenate3A_267 = tpu.concatenate %broadcast_in_dim3A_265, %slice3A_266 in 0 : vector<4x1xf32>, vector<4x1xf32> -> vector<8x1xf32>
      %add3A_268 = arith.addf %add3A_263, %concatenate3A_267 : vector<8x1xf32>
      %sub3A_269 = arith.subf %add3A_252, %convert_element_type3A_237 : vector<8x8xf32>
      %sub3A_270 = arith.subf %add3A_268, %slice3A_253 : vector<8x1xf32>
      %add3A_271 = vector.broadcast %sub3A_270 : vector<8x1xf32> to vector<8x8xf32>
      %add3A_272 = arith.addf %sub3A_269, %add3A_271 : vector<8x8xf32>
      %iota3A_273 = tpu.iota {dimensions = array<i32: 0>} : vector<16x8x8xi32>
      %convert_element_type3A_274 = arith.sitofp %iota3A_273 : vector<16x8x8xi32> to vector<16x8x8xf32>
      %broadcast_in_dim3A_275 = vector.shape_cast %add3A_272 : vector<8x8xf32> to vector<1x8x8xf32>
      %eq3A_276 = vector.broadcast %broadcast_in_dim3A_275 : vector<1x8x8xf32> to vector<16x8x8xf32>
      %eq3A_277 = arith.cmpf oeq, %eq3A_276, %convert_element_type3A_274 : vector<16x8x8xf32>
      %broadcast_in_dim3A_278 = vector.shape_cast %convert_element_type3A_237 : vector<8x8xf32> to vector<1x8x8xf32>
      %convert_element_type3A_279 = arith.extui %eq3A_277 : vector<16x8x8xi1> to vector<16x8x8xi32>
      %convert_element_type3A_280 = arith.sitofp %convert_element_type3A_279 : vector<16x8x8xi32> to vector<16x8x8xf32>
      %mul3A_281 = vector.broadcast %broadcast_in_dim3A_278 : vector<1x8x8xf32> to vector<16x8x8xf32>
      %mul3A_282 = arith.mulf %convert_element_type3A_280, %mul3A_281 : vector<16x8x8xf32>
      %iota3A_283 = tpu.iota {dimensions = array<i32: 1>} : vector<16x8x8xi32>
      %convert_element_type3A_284 = arith.sitofp %iota3A_283 : vector<16x8x8xi32> to vector<16x8x8xf32>
      %iota3A_285 = tpu.iota {dimensions = array<i32: 2>} : vector<16x8x8xi32>
      %convert_element_type3A_286 = arith.sitofp %iota3A_285 : vector<16x8x8xi32> to vector<16x8x8xf32>
      %reduce_sum3A_287 = arith.constant dense<0.000000e+00> : vector<16x8xf32>
      %reduce_sum3A_288 = vector.multi_reduction <add>, %mul3A_282, %reduce_sum3A_287 [2] : vector<16x8x8xf32> to vector<16x8xf32>
      %broadcast_in_dim3A_289 = vector.shape_cast %reduce_sum3A_288 : vector<16x8xf32> to vector<16x8x1xf32>
      %reduce_sum3A_290 = arith.constant dense<0.000000e+00> : vector<16x1xf32>
      %reduce_sum3A_291 = vector.multi_reduction <add>, %broadcast_in_dim3A_289, %reduce_sum3A_290 [1] : vector<16x8x1xf32> to vector<16x1xf32>
      %mul3A_292 = arith.mulf %mul3A_282, %convert_element_type3A_284 : vector<16x8x8xf32>
      %reduce_sum3A_293 = arith.constant dense<0.000000e+00> : vector<16x8xf32>
      %reduce_sum3A_294 = vector.multi_reduction <add>, %mul3A_292, %reduce_sum3A_293 [2] : vector<16x8x8xf32> to vector<16x8xf32>
      %broadcast_in_dim3A_295 = vector.shape_cast %reduce_sum3A_294 : vector<16x8xf32> to vector<16x8x1xf32>
      %reduce_sum3A_296 = arith.constant dense<0.000000e+00> : vector<16x1xf32>
      %reduce_sum3A_297 = vector.multi_reduction <add>, %broadcast_in_dim3A_295, %reduce_sum3A_296 [1] : vector<16x8x1xf32> to vector<16x1xf32>
      %mul3A_298 = arith.mulf %mul3A_282, %convert_element_type3A_286 : vector<16x8x8xf32>
      %reduce_sum3A_299 = arith.constant dense<0.000000e+00> : vector<16x8xf32>
      %reduce_sum3A_300 = vector.multi_reduction <add>, %mul3A_298, %reduce_sum3A_299 [2] : vector<16x8x8xf32> to vector<16x8xf32>
      %broadcast_in_dim3A_301 = vector.shape_cast %reduce_sum3A_300 : vector<16x8xf32> to vector<16x8x1xf32>
      %reduce_sum3A_302 = arith.constant dense<0.000000e+00> : vector<16x1xf32>
      %reduce_sum3A_303 = vector.multi_reduction <add>, %broadcast_in_dim3A_301, %reduce_sum3A_302 [1] : vector<16x8x1xf32> to vector<16x1xf32>
      %sub3A_304 = arith.constant 1.000000e+00 : f32
      %sub3A_305 = vector.broadcast %sub3A_304 : f32 to vector<16x1xf32>
      %sub3A_306 = arith.subf %sub3A_305, %reduce_sum3A_291 : vector<16x1xf32>
      %mul3A_307 = arith.constant 7.000000e+00 : f32
      %mul3A_308 = vector.broadcast %mul3A_307 : f32 to vector<16x1xf32>
      %mul3A_309 = arith.mulf %sub3A_306, %mul3A_308 : vector<16x1xf32>
      %add3A_310 = arith.addf %reduce_sum3A_297, %mul3A_309 : vector<16x1xf32>
      %sub3A_311 = arith.constant 1.000000e+00 : f32
      %sub3A_312 = vector.broadcast %sub3A_311 : f32 to vector<16x1xf32>
      %sub3A_313 = arith.subf %sub3A_312, %reduce_sum3A_291 : vector<16x1xf32>
      %mul3A_314 = arith.constant 7.000000e+00 : f32
      %mul3A_315 = vector.broadcast %mul3A_314 : f32 to vector<16x1xf32>
      %mul3A_316 = arith.mulf %sub3A_313, %mul3A_315 : vector<16x1xf32>
      %add3A_317 = arith.addf %reduce_sum3A_303, %mul3A_316 : vector<16x1xf32>
      %convert_element_type3A_318 = arith.fptosi %add3A_310 : vector<16x1xf32> to vector<16x1xi32>
      %broadcast_in_dim3A_319 = arith.constant -1 : i32
      %broadcast_in_dim3A_320 = vector.broadcast %broadcast_in_dim3A_319 : i32 to vector<1x1xi32>
      %slice3A_321 = vector.extract_strided_slice %convert_element_type3A_318 {offsets = [0, 0], sizes = [15, 1], strides = [1, 1]} : vector<16x1xi32> to vector<15x1xi32>
      %concatenate3A_322 = tpu.concatenate %broadcast_in_dim3A_320, %slice3A_321 in 0 : vector<1x1xi32>, vector<15x1xi32> -> vector<16x1xi32>
      %swap3A_323 = arith.constant 0 : index
      %swap3A_324 = arith.constant 0 : index
      %swap3A_325 = vector.load %arg19[%swap3A_323, %swap3A_324] : memref<16x1xi32, #tpu.memory_space<vmem>>, vector<16x1xi32>
      tpu.vector_store %arg19[%swap3A_323, %swap3A_324], %convert_element_type3A_318 {strides = array<i32>} : memref<16x1xi32, #tpu.memory_space<vmem>>, vector<16x1xi32>,
      %convert_element_type3A_326 = arith.fptosi %add3A_317 : vector<16x1xf32> to vector<16x1xi32>
      %swap3A_327 = arith.constant 0 : index
      %swap3A_328 = arith.constant 0 : index
      %swap3A_329 = vector.load %arg20[%swap3A_327, %swap3A_328] : memref<16x1xi32, #tpu.memory_space<vmem>>, vector<16x1xi32>
      tpu.vector_store %arg20[%swap3A_327, %swap3A_328], %convert_element_type3A_326 {strides = array<i32>} : memref<16x1xi32, #tpu.memory_space<vmem>>, vector<16x1xi32>,
      %convert_element_type3A_330 = arith.fptosi %reduce_sum3A_291 : vector<16x1xf32> to vector<16x1xi32>
      %swap3A_331 = arith.constant 0 : index
      %swap3A_332 = arith.constant 0 : index
      %swap3A_333 = vector.load %arg21[%swap3A_331, %swap3A_332] : memref<16x1xi32, #tpu.memory_space<vmem>>, vector<16x1xi32>
      tpu.vector_store %arg21[%swap3A_331, %swap3A_332], %convert_element_type3A_330 {strides = array<i32>} : memref<16x1xi32, #tpu.memory_space<vmem>>, vector<16x1xi32>,
      %ne3A = arith.cmpi ne, %convert_element_type3A_318, %concatenate3A_322 : vector<16x1xi32>
      %convert_element_type3A_334 = arith.extui %ne3A : vector<16x1xi1> to vector<16x1xi32>
      %swap3A_335 = arith.constant 0 : index
      %swap3A_336 = arith.constant 0 : index
      %swap3A_337 = vector.load %arg22[%swap3A_335, %swap3A_336] : memref<16x1xi32, #tpu.memory_space<vmem>>, vector<16x1xi32>
      tpu.vector_store %arg22[%swap3A_335, %swap3A_336], %convert_element_type3A_334 {strides = array<i32>} : memref<16x1xi32, #tpu.memory_space<vmem>>, vector<16x1xi32>,
    } else {
    }
    return
  }
  func.func @transform_0(%arg0: i32, %arg1: memref<16x1xi32, #tpu.memory_space<smem>>, %arg2: memref<16x1xi32, #tpu.memory_space<smem>>, %arg3: memref<16x1xi32, #tpu.memory_space<smem>>, %arg4: memref<16x1xi32, #tpu.memory_space<smem>>) -> (i32, i32) {
    %get3A = arith.index_cast %arg0 : i32 to index
    %get3A_0 = arith.constant 0 : index
    %get3A_1 = memref.load %arg1[%get3A, %get3A_0] : memref<16x1xi32, #tpu.memory_space<smem>>
    %c0_i32 = arith.constant 0 : i32
    %c0_i32_2 = arith.constant 0 : i32
    return %get3A_1, %c0_i32 : i32, i32
  }
  func.func @transform_1(%arg0: i32, %arg1: memref<16x1xi32, #tpu.memory_space<smem>>, %arg2: memref<16x1xi32, #tpu.memory_space<smem>>, %arg3: memref<16x1xi32, #tpu.memory_space<smem>>, %arg4: memref<16x1xi32, #tpu.memory_space<smem>>) -> (i32, i32, i32, i32) {
    %get3A = arith.index_cast %arg0 : i32 to index
    %get3A_0 = arith.constant 0 : index
    %get3A_1 = memref.load %arg2[%get3A, %get3A_0] : memref<16x1xi32, #tpu.memory_space<smem>>
    %c1_i32 = arith.constant 1 : i32
    %c0_i32 = arith.constant 0 : i32
    %c0_i32_2 = arith.constant 0 : i32
    %c0_i32_3 = arith.constant 0 : i32
    return %c1_i32, %get3A_1, %c0_i32, %c0_i32_2 : i32, i32, i32, i32
  }
  func.func @transform_2(%arg0: i32, %arg1: memref<16x1xi32, #tpu.memory_space<smem>>, %arg2: memref<16x1xi32, #tpu.memory_space<smem>>, %arg3: memref<16x1xi32, #tpu.memory_space<smem>>, %arg4: memref<16x1xi32, #tpu.memory_space<smem>>) -> (i32, i32, i32, i32) {
    %get3A = arith.index_cast %arg0 : i32 to index
    %get3A_0 = arith.constant 0 : index
    %get3A_1 = memref.load %arg2[%get3A, %get3A_0] : memref<16x1xi32, #tpu.memory_space<smem>>
    %c1_i32 = arith.constant 1 : i32
    %c0_i32 = arith.constant 0 : i32
    %c0_i32_2 = arith.constant 0 : i32
    %c0_i32_3 = arith.constant 0 : i32
    return %c1_i32, %get3A_1, %c0_i32, %c0_i32_2 : i32, i32, i32, i32
  }
  func.func @transform_3(%arg0: i32, %arg1: memref<16x1xi32, #tpu.memory_space<smem>>, %arg2: memref<16x1xi32, #tpu.memory_space<smem>>, %arg3: memref<16x1xi32, #tpu.memory_space<smem>>, %arg4: memref<16x1xi32, #tpu.memory_space<smem>>) -> (i32, i32) {
    %get3A = arith.index_cast %arg0 : i32 to index
    %get3A_0 = arith.constant 0 : index
    %get3A_1 = memref.load %arg1[%get3A, %get3A_0] : memref<16x1xi32, #tpu.memory_space<smem>>
    %c0_i32 = arith.constant 0 : i32
    %c0_i32_2 = arith.constant 0 : i32
    return %get3A_1, %c0_i32 : i32, i32
  }
  func.func @transform_4(%arg0: i32, %arg1: memref<16x1xi32, #tpu.memory_space<smem>>, %arg2: memref<16x1xi32, #tpu.memory_space<smem>>, %arg3: memref<16x1xi32, #tpu.memory_space<smem>>, %arg4: memref<16x1xi32, #tpu.memory_space<smem>>) -> (i32, i32) {
    %c0_i32 = arith.constant 0 : i32
    %c0_i32_0 = arith.constant 0 : i32
    %c0_i32_1 = arith.constant 0 : i32
    return %c0_i32, %c0_i32_0 : i32, i32
  }
  func.func @transform_5(%arg0: i32, %arg1: memref<16x1xi32, #tpu.memory_space<smem>>, %arg2: memref<16x1xi32, #tpu.memory_space<smem>>, %arg3: memref<16x1xi32, #tpu.memory_space<smem>>, %arg4: memref<16x1xi32, #tpu.memory_space<smem>>) -> i32 {
    %c0_i32 = arith.constant 0 : i32
    %c0_i32_0 = arith.constant 0 : i32
    return %c0_i32 : i32
  }
  func.func @transform_6(%arg0: i32, %arg1: memref<16x1xi32, #tpu.memory_space<smem>>, %arg2: memref<16x1xi32, #tpu.memory_space<smem>>, %arg3: memref<16x1xi32, #tpu.memory_space<smem>>, %arg4: memref<16x1xi32, #tpu.memory_space<smem>>) -> (i32, i32) {
    %c0_i32 = arith.constant 0 : i32
    %c0_i32_0 = arith.constant 0 : i32
    %c0_i32_1 = arith.constant 0 : i32
    return %c0_i32, %c0_i32_0 : i32, i32
  }
  func.func @transform_7(%arg0: i32, %arg1: memref<16x1xi32, #tpu.memory_space<smem>>, %arg2: memref<16x1xi32, #tpu.memory_space<smem>>, %arg3: memref<16x1xi32, #tpu.memory_space<smem>>, %arg4: memref<16x1xi32, #tpu.memory_space<smem>>) -> (i32, i32) {
    %c0_i32 = arith.constant 0 : i32
    %c0_i32_0 = arith.constant 0 : i32
    %c0_i32_1 = arith.constant 0 : i32
    return %c0_i32, %c0_i32_0 : i32, i32
  }
  func.func @transform_8(%arg0: i32, %arg1: memref<16x1xi32, #tpu.memory_space<smem>>, %arg2: memref<16x1xi32, #tpu.memory_space<smem>>, %arg3: memref<16x1xi32, #tpu.memory_space<smem>>, %arg4: memref<16x1xi32, #tpu.memory_space<smem>>) -> (i32, i32) {
    %c0_i32 = arith.constant 0 : i32
    %c0_i32_0 = arith.constant 0 : i32
    %c0_i32_1 = arith.constant 0 : i32
    return %c0_i32, %c0_i32_0 : i32, i32
  }
  func.func @transform_9(%arg0: i32, %arg1: memref<16x1xi32, #tpu.memory_space<smem>>, %arg2: memref<16x1xi32, #tpu.memory_space<smem>>, %arg3: memref<16x1xi32, #tpu.memory_space<smem>>, %arg4: memref<16x1xi32, #tpu.memory_space<smem>>) -> (i32, i32) {
    %c0_i32 = arith.constant 0 : i32
    %c0_i32_0 = arith.constant 0 : i32
    %c0_i32_1 = arith.constant 0 : i32
    return %c0_i32, %c0_i32_0 : i32, i32
  }
  func.func @transform_10(%arg0: i32, %arg1: memref<16x1xi32, #tpu.memory_space<smem>>, %arg2: memref<16x1xi32, #tpu.memory_space<smem>>, %arg3: memref<16x1xi32, #tpu.memory_space<smem>>, %arg4: memref<16x1xi32, #tpu.memory_space<smem>>) -> (i32, i32) {
    %c0_i32 = arith.constant 0 : i32
    %c0_i32_0 = arith.constant 0 : i32
    %c0_i32_1 = arith.constant 0 : i32
    return %c0_i32, %c0_i32_0 : i32, i32
  }
  func.func @transform_11(%arg0: i32, %arg1: memref<16x1xi32, #tpu.memory_space<smem>>, %arg2: memref<16x1xi32, #tpu.memory_space<smem>>, %arg3: memref<16x1xi32, #tpu.memory_space<smem>>, %arg4: memref<16x1xi32, #tpu.memory_space<smem>>) -> (i32, i32) {
    %c0_i32 = arith.constant 0 : i32
    %c0_i32_0 = arith.constant 0 : i32
    %c0_i32_1 = arith.constant 0 : i32
    return %c0_i32, %c0_i32_0 : i32, i32
  }
  func.func @transform_12(%arg0: i32, %arg1: memref<16x1xi32, #tpu.memory_space<smem>>, %arg2: memref<16x1xi32, #tpu.memory_space<smem>>, %arg3: memref<16x1xi32, #tpu.memory_space<smem>>, %arg4: memref<16x1xi32, #tpu.memory_space<smem>>) -> (i32, i32) {
    %c0_i32 = arith.constant 0 : i32
    %c0_i32_0 = arith.constant 0 : i32
    %c0_i32_1 = arith.constant 0 : i32
    return %c0_i32, %c0_i32_0 : i32, i32
  }
  func.func @transform_13(%arg0: i32, %arg1: memref<16x1xi32, #tpu.memory_space<smem>>, %arg2: memref<16x1xi32, #tpu.memory_space<smem>>, %arg3: memref<16x1xi32, #tpu.memory_space<smem>>, %arg4: memref<16x1xi32, #tpu.memory_space<smem>>) -> (i32, i32) {
    %c0_i32 = arith.constant 0 : i32
    %c0_i32_0 = arith.constant 0 : i32
    %c0_i32_1 = arith.constant 0 : i32
    return %c0_i32, %c0_i32_0 : i32, i32
  }
  func.func @transform_14(%arg0: i32, %arg1: memref<16x1xi32, #tpu.memory_space<smem>>, %arg2: memref<16x1xi32, #tpu.memory_space<smem>>, %arg3: memref<16x1xi32, #tpu.memory_space<smem>>, %arg4: memref<16x1xi32, #tpu.memory_space<smem>>) -> (i32, i32) {
    %c0_i32 = arith.constant 0 : i32
    %c0_i32_0 = arith.constant 0 : i32
    %c0_i32_1 = arith.constant 0 : i32
    return %c0_i32, %c0_i32_0 : i32, i32
  }
  func.func @transform_15(%arg0: i32, %arg1: memref<16x1xi32, #tpu.memory_space<smem>>, %arg2: memref<16x1xi32, #tpu.memory_space<smem>>, %arg3: memref<16x1xi32, #tpu.memory_space<smem>>, %arg4: memref<16x1xi32, #tpu.memory_space<smem>>) -> (i32, i32) {
    %c0_i32 = arith.constant 0 : i32
    %c0_i32_0 = arith.constant 0 : i32
    %c0_i32_1 = arith.constant 0 : i32
    return %c0_i32, %c0_i32_0 : i32, i32
  }
  func.func @transform_16(%arg0: i32, %arg1: memref<16x1xi32, #tpu.memory_space<smem>>, %arg2: memref<16x1xi32, #tpu.memory_space<smem>>, %arg3: memref<16x1xi32, #tpu.memory_space<smem>>, %arg4: memref<16x1xi32, #tpu.memory_space<smem>>) -> (i32, i32) {
    %c0_i32 = arith.constant 0 : i32
    %c0_i32_0 = arith.constant 0 : i32
    %c0_i32_1 = arith.constant 0 : i32
    return %c0_i32, %c0_i32_0 : i32, i32
  }
  func.func @transform_17(%arg0: i32, %arg1: memref<16x1xi32, #tpu.memory_space<smem>>, %arg2: memref<16x1xi32, #tpu.memory_space<smem>>, %arg3: memref<16x1xi32, #tpu.memory_space<smem>>, %arg4: memref<16x1xi32, #tpu.memory_space<smem>>) -> (i32, i32) {
    %c0_i32 = arith.constant 0 : i32
    %c0_i32_0 = arith.constant 0 : i32
    %c0_i32_1 = arith.constant 0 : i32
    return %c0_i32, %c0_i32_0 : i32, i32
  }
}

module attributes {stable_mosaic.version = 14 : i64} {
  func.func @_gmm_body(%arg0: i32, %arg1: memref<16x1xi32, #tpu.memory_space<smem>>, %arg2: memref<16x1xi32, #tpu.memory_space<smem>>, %arg3: memref<16x1xi32, #tpu.memory_space<smem>>, %arg4: memref<16x1xi32, #tpu.memory_space<smem>>, %arg5: memref<256x768xf32, #tpu.memory_space<vmem>>, %arg6: memref<256x768xf32, #tpu.memory_space<vmem>>, %arg7: memref<1x1x768x768xf32, #tpu.memory_space<vmem>>, %arg8: memref<1x1x1x768xf32, #tpu.memory_space<vmem>>, %arg9: memref<2048x128xi32, #tpu.memory_space<vmem>>, %arg10: memref<256x1xi32, #tpu.memory_space<vmem>>, %arg11: memref<3x8xf32, #tpu.memory_space<smem>>, %arg12: memref<3xf32, #tpu.memory_space<smem>>, %arg13: memref<2048x768xf32, #tpu.memory_space<vmem>>, %arg14: memref<32x64xi32, #tpu.memory_space<vmem>>) attributes {dimension_semantics = [#tpu.dimension_semantics<arbitrary>], iteration_bounds = array<i64: 16>, scalar_prefetch = 4 : i64, scratch_operands = 0 : i64, tpu.core_type = #tpu.core_type<tc>, window_params = [{transform_indices = @transform_0, window_bounds = array<i64: 256, 768>}, {transform_indices = @transform_1, window_bounds = array<i64: 256, 768>}, {transform_indices = @transform_2, window_bounds = array<i64: 1, 1, 768, 768>}, {transform_indices = @transform_3, window_bounds = array<i64: 1, 1, 1, 768>}, {pipeline_mode = #tpu.pipeline_mode<synchronous>, transform_indices = @transform_4, window_bounds = array<i64: 2048, 128>}, {transform_indices = @transform_5, window_bounds = array<i64: 256, 1>}, {transform_indices = @transform_6, window_bounds = array<i64: 3, 8>}, {transform_indices = @transform_7, window_bounds = array<i64: 3>}, {pipeline_mode = #tpu.pipeline_mode<synchronous>, transform_indices = @transform_8, window_bounds = array<i64: 2048, 768>}, {pipeline_mode = #tpu.pipeline_mode<synchronous>, transform_indices = @transform_9, window_bounds = array<i64: 32, 64>}]} {
    %get3A = arith.index_cast %arg0 : i32 to index
    %get3A_0 = arith.constant 0 : index
    %get3A_1 = memref.load %arg2[%get3A, %get3A_0] : memref<16x1xi32, #tpu.memory_space<smem>>
    %get3A_2 = arith.constant 2 : index
    %get3A_3 = arith.index_cast %get3A_1 : i32 to index
    %get3A_4 = memref.load %arg11[%get3A_2, %get3A_3] : memref<3x8xf32, #tpu.memory_space<smem>>
    %get3A_5 = arith.index_cast %arg0 : i32 to index
    %get3A_6 = arith.constant 0 : index
    %get3A_7 = memref.load %arg3[%get3A_5, %get3A_6] : memref<16x1xi32, #tpu.memory_space<smem>>
    %get3A_8 = arith.index_cast %arg0 : i32 to index
    %get3A_9 = arith.constant 0 : index
    %get3A_10 = memref.load %arg4[%get3A_8, %get3A_9] : memref<16x1xi32, #tpu.memory_space<smem>>
    %get3A_11 = arith.index_cast %arg0 : i32 to index
    %get3A_12 = arith.constant 0 : index
    %get3A_13 = memref.load %arg1[%get3A_11, %get3A_12] : memref<16x1xi32, #tpu.memory_space<smem>>
    %mul3A = arith.constant 256 : i32
    %mul3A_14 = arith.muli %get3A_13, %mul3A : i32
    %gt3A = arith.constant 0 : i32
    %gt3A_15 = arith.cmpi sgt, %get3A_7, %gt3A : i32
    %get3A_16 = arith.constant 0 : index
    %get3A_17 = arith.constant 0 : index
    %get3A_18 = vector.load %arg10[%get3A_16, %get3A_17] : memref<256x1xi32, #tpu.memory_space<vmem>>, vector<256x1xi32>
    %eq3A = vector.broadcast %get3A_1 : i32 to vector<256x1xi32>
    %eq3A_19 = arith.cmpi eq, %get3A_18, %eq3A : vector<256x1xi32>
    %convert_element_type3A = arith.extui %eq3A_19 : vector<256x1xi1> to vector<256x1xi32>
    %convert_element_type3A_20 = arith.sitofp %convert_element_type3A : vector<256x1xi32> to vector<256x1xf32>
    %broadcast_in_dim3A = arith.constant 0.000000e+00 : f32
    %broadcast_in_dim3A_21 = vector.broadcast %broadcast_in_dim3A : f32 to vector<256x1xf32>
    %select_n3A = arith.select %gt3A_15, %convert_element_type3A_20, %broadcast_in_dim3A_21 : vector<256x1xf32>
    %get3A_22 = arith.constant 0 : index
    %get3A_23 = arith.constant 0 : index
    %get3A_24 = arith.constant 0 : index
    %get3A_25 = arith.constant 0 : index
    %get3A_26 = vector.load %arg7[%get3A_22, %get3A_23, %get3A_24, %get3A_25] : memref<1x1x768x768xf32, #tpu.memory_space<vmem>>, vector<1x1x768x768xf32>
    %get3A_27 = vector.shape_cast %get3A_26 : vector<1x1x768x768xf32> to vector<768x768xf32>
    %mul3A_28 = vector.broadcast %get3A_4 : f32 to vector<768x768xf32>
    %mul3A_29 = arith.mulf %mul3A_28, %get3A_27 : vector<768x768xf32>
    %get3A_30 = arith.constant 0 : index
    %get3A_31 = arith.constant 0 : index
    %get3A_32 = vector.load %arg5[%get3A_30, %get3A_31] : memref<256x768xf32, #tpu.memory_space<vmem>>, vector<256x768xf32>
    %mul3A_33 = vector.broadcast %select_n3A : vector<256x1xf32> to vector<256x768xf32>
    %mul3A_34 = arith.mulf %get3A_32, %mul3A_33 : vector<256x768xf32>
    %dot_general3A = arith.constant dense<0.000000e+00> : vector<256x768xf32>
    %dot_general3A_35 = tpu.matmul %mul3A_34, %mul3A_29, %dot_general3A {dimension_numbers = #tpu.dot_dimension_numbers<[1], [0], [0], [1], [0, 0, 1, 1], [], []>, transpose_lhs_hint = false} : vector<256x768xf32>, vector<768x768xf32>, vector<256x768xf32> -> vector<256x768xf32>
    %get3A_36 = arith.constant 0 : index
    %get3A_37 = arith.constant 0 : index
    %get3A_38 = arith.constant 0 : index
    %get3A_39 = arith.constant 0 : index
    %get3A_40 = vector.load %arg8[%get3A_36, %get3A_37, %get3A_38, %get3A_39] : memref<1x1x1x768xf32, #tpu.memory_space<vmem>>, vector<1x1x1x768xf32>
    %get3A_41 = vector.shape_cast %get3A_40 : vector<1x1x1x768xf32> to vector<1x768xf32>
    %mul3A_42 = vector.broadcast %get3A_4 : f32 to vector<1x768xf32>
    %mul3A_43 = arith.mulf %mul3A_42, %get3A_41 : vector<1x768xf32>
    %mul3A_44 = vector.broadcast %select_n3A : vector<256x1xf32> to vector<256x768xf32>
    %mul3A_45 = vector.broadcast %mul3A_43 : vector<1x768xf32> to vector<256x768xf32>
    %mul3A_46 = arith.mulf %mul3A_44, %mul3A_45 : vector<256x768xf32>
    %add3A = arith.addf %dot_general3A_35, %mul3A_46 : vector<256x768xf32>
    %get3A_47 = arith.constant 0 : index
    %get3A_48 = memref.load %arg12[%get3A_47] : memref<3xf32, #tpu.memory_space<smem>>
    %get3A_49 = arith.constant 1 : index
    %get3A_50 = memref.load %arg12[%get3A_49] : memref<3xf32, #tpu.memory_space<smem>>
    %get3A_51 = arith.constant 2 : index
    %get3A_52 = memref.load %arg12[%get3A_51] : memref<3xf32, #tpu.memory_space<smem>>
    %max3A = arith.maximumf %get3A_48, %get3A_50 : f32
    %max3A_53 = arith.maximumf %max3A, %get3A_52 : f32
    %sub3A = arith.subf %get3A_48, %max3A_53 : f32
    %exp3A = math.exp %sub3A : f32
    %sub3A_54 = arith.subf %get3A_50, %max3A_53 : f32
    %exp3A_55 = math.exp %sub3A_54 : f32
    %sub3A_56 = arith.subf %get3A_52, %max3A_53 : f32
    %exp3A_57 = math.exp %sub3A_56 : f32
    %add3A_58 = arith.addf %exp3A, %exp3A_55 : f32
    %add3A_59 = arith.addf %add3A_58, %exp3A_57 : f32
    %div3A = arith.divf %exp3A_57, %add3A_59 : f32
    %eq3A_60 = arith.constant 1 : i32
    %eq3A_61 = arith.cmpi eq, %get3A_10, %eq3A_60 : i32
    %convert_element_type3A_62 = arith.extui %eq3A_61 : i1 to i32
    %cond3A = arith.constant 0 : i32
    %cond3A_63 = arith.cmpi ne, %convert_element_type3A_62, %cond3A : i32
    scf.if %cond3A_63 {
      %get3A_74 = arith.constant 0 : index
      %get3A_75 = arith.constant 0 : index
      %get3A_76 = vector.load %arg6[%get3A_74, %get3A_75] : memref<256x768xf32, #tpu.memory_space<vmem>>, vector<256x768xf32>
      %mul3A_77 = vector.broadcast %div3A : f32 to vector<256x768xf32>
      %mul3A_78 = arith.mulf %mul3A_77, %add3A : vector<256x768xf32>
      %add3A_79 = arith.addf %get3A_76, %mul3A_78 : vector<256x768xf32>
      %swap3A = arith.index_cast %mul3A_14 : i32 to index
      %swap3A_80 = arith.constant 0 : index
      %swap3A_81 = vector.load %arg13[%swap3A, %swap3A_80] : memref<2048x768xf32, #tpu.memory_space<vmem>>, vector<256x768xf32>
      tpu.vector_store %arg13[%swap3A, %swap3A_80], %add3A_79 {strides = array<i32>} : memref<2048x768xf32, #tpu.memory_space<vmem>>, vector<256x768xf32>,
    } else {
    }
    %eq3A_64 = arith.constant 0 : i32
    %eq3A_65 = arith.cmpi eq, %get3A_10, %eq3A_64 : i32
    %convert_element_type3A_66 = arith.extui %eq3A_65 : i1 to i32
    %cond3A_67 = arith.constant 0 : i32
    %cond3A_68 = arith.cmpi ne, %convert_element_type3A_66, %cond3A_67 : i32
    scf.if %cond3A_68 {
      %get3A_74 = arith.index_cast %mul3A_14 : i32 to index
      %get3A_75 = arith.constant 0 : index
      %get3A_76 = vector.load %arg13[%get3A_74, %get3A_75] : memref<2048x768xf32, #tpu.memory_space<vmem>>, vector<256x768xf32>
      %mul3A_77 = vector.broadcast %div3A : f32 to vector<256x768xf32>
      %mul3A_78 = arith.mulf %mul3A_77, %add3A : vector<256x768xf32>
      %add3A_79 = arith.addf %get3A_76, %mul3A_78 : vector<256x768xf32>
      %swap3A = arith.index_cast %mul3A_14 : i32 to index
      %swap3A_80 = arith.constant 0 : index
      %swap3A_81 = vector.load %arg13[%swap3A, %swap3A_80] : memref<2048x768xf32, #tpu.memory_space<vmem>>, vector<256x768xf32>
      tpu.vector_store %arg13[%swap3A, %swap3A_80], %add3A_79 {strides = array<i32>} : memref<2048x768xf32, #tpu.memory_space<vmem>>, vector<256x768xf32>,
    } else {
    }
    %eq3A_69 = arith.constant 15 : i32
    %eq3A_70 = arith.cmpi eq, %arg0, %eq3A_69 : i32
    %convert_element_type3A_71 = arith.extui %eq3A_70 : i1 to i32
    %cond3A_72 = arith.constant 0 : i32
    %cond3A_73 = arith.cmpi ne, %convert_element_type3A_71, %cond3A_72 : i32
    scf.if %cond3A_73 {
      %get3A_74 = arith.constant 0 : index
      %get3A_75 = arith.constant 0 : index
      %get3A_76 = vector.load %arg9[%get3A_74, %get3A_75] : memref<2048x128xi32, #tpu.memory_space<vmem>>, vector<2048x1xi32>
      %reshape3A = vector.shape_cast %get3A_76 : vector<2048x1xi32> to vector<32x64xi32>
      %swap3A = arith.constant 0 : index
      %swap3A_77 = arith.constant 0 : index
      %swap3A_78 = vector.load %arg14[%swap3A, %swap3A_77] : memref<32x64xi32, #tpu.memory_space<vmem>>, vector<32x64xi32>
      tpu.vector_store %arg14[%swap3A, %swap3A_77], %reshape3A {strides = array<i32>} : memref<32x64xi32, #tpu.memory_space<vmem>>, vector<32x64xi32>,
    } else {
    }
    return
  }
  func.func @transform_0(%arg0: i32, %arg1: memref<16x1xi32, #tpu.memory_space<smem>>, %arg2: memref<16x1xi32, #tpu.memory_space<smem>>, %arg3: memref<16x1xi32, #tpu.memory_space<smem>>, %arg4: memref<16x1xi32, #tpu.memory_space<smem>>) -> (i32, i32) {
    %get3A = arith.index_cast %arg0 : i32 to index
    %get3A_0 = arith.constant 0 : index
    %get3A_1 = memref.load %arg1[%get3A, %get3A_0] : memref<16x1xi32, #tpu.memory_space<smem>>
    %c0_i32 = arith.constant 0 : i32
    %c0_i32_2 = arith.constant 0 : i32
    return %get3A_1, %c0_i32 : i32, i32
  }
  func.func @transform_1(%arg0: i32, %arg1: memref<16x1xi32, #tpu.memory_space<smem>>, %arg2: memref<16x1xi32, #tpu.memory_space<smem>>, %arg3: memref<16x1xi32, #tpu.memory_space<smem>>, %arg4: memref<16x1xi32, #tpu.memory_space<smem>>) -> (i32, i32) {
    %get3A = arith.index_cast %arg0 : i32 to index
    %get3A_0 = arith.constant 0 : index
    %get3A_1 = memref.load %arg1[%get3A, %get3A_0] : memref<16x1xi32, #tpu.memory_space<smem>>
    %c0_i32 = arith.constant 0 : i32
    %c0_i32_2 = arith.constant 0 : i32
    return %get3A_1, %c0_i32 : i32, i32
  }
  func.func @transform_2(%arg0: i32, %arg1: memref<16x1xi32, #tpu.memory_space<smem>>, %arg2: memref<16x1xi32, #tpu.memory_space<smem>>, %arg3: memref<16x1xi32, #tpu.memory_space<smem>>, %arg4: memref<16x1xi32, #tpu.memory_space<smem>>) -> (i32, i32, i32, i32) {
    %get3A = arith.index_cast %arg0 : i32 to index
    %get3A_0 = arith.constant 0 : index
    %get3A_1 = memref.load %arg2[%get3A, %get3A_0] : memref<16x1xi32, #tpu.memory_space<smem>>
    %c2_i32 = arith.constant 2 : i32
    %c0_i32 = arith.constant 0 : i32
    %c0_i32_2 = arith.constant 0 : i32
    %c0_i32_3 = arith.constant 0 : i32
    return %c2_i32, %get3A_1, %c0_i32, %c0_i32_2 : i32, i32, i32, i32
  }
  func.func @transform_3(%arg0: i32, %arg1: memref<16x1xi32, #tpu.memory_space<smem>>, %arg2: memref<16x1xi32, #tpu.memory_space<smem>>, %arg3: memref<16x1xi32, #tpu.memory_space<smem>>, %arg4: memref<16x1xi32, #tpu.memory_space<smem>>) -> (i32, i32, i32, i32) {
    %get3A = arith.index_cast %arg0 : i32 to index
    %get3A_0 = arith.constant 0 : index
    %get3A_1 = memref.load %arg2[%get3A, %get3A_0] : memref<16x1xi32, #tpu.memory_space<smem>>
    %c2_i32 = arith.constant 2 : i32
    %c0_i32 = arith.constant 0 : i32
    %c0_i32_2 = arith.constant 0 : i32
    %c0_i32_3 = arith.constant 0 : i32
    return %c2_i32, %get3A_1, %c0_i32, %c0_i32_2 : i32, i32, i32, i32
  }
  func.func @transform_4(%arg0: i32, %arg1: memref<16x1xi32, #tpu.memory_space<smem>>, %arg2: memref<16x1xi32, #tpu.memory_space<smem>>, %arg3: memref<16x1xi32, #tpu.memory_space<smem>>, %arg4: memref<16x1xi32, #tpu.memory_space<smem>>) -> (i32, i32) {
    %c0_i32 = arith.constant 0 : i32
    %c0_i32_0 = arith.constant 0 : i32
    %c0_i32_1 = arith.constant 0 : i32
    return %c0_i32, %c0_i32_0 : i32, i32
  }
  func.func @transform_5(%arg0: i32, %arg1: memref<16x1xi32, #tpu.memory_space<smem>>, %arg2: memref<16x1xi32, #tpu.memory_space<smem>>, %arg3: memref<16x1xi32, #tpu.memory_space<smem>>, %arg4: memref<16x1xi32, #tpu.memory_space<smem>>) -> (i32, i32) {
    %get3A = arith.index_cast %arg0 : i32 to index
    %get3A_0 = arith.constant 0 : index
    %get3A_1 = memref.load %arg1[%get3A, %get3A_0] : memref<16x1xi32, #tpu.memory_space<smem>>
    %c0_i32 = arith.constant 0 : i32
    %c0_i32_2 = arith.constant 0 : i32
    return %get3A_1, %c0_i32 : i32, i32
  }
  func.func @transform_6(%arg0: i32, %arg1: memref<16x1xi32, #tpu.memory_space<smem>>, %arg2: memref<16x1xi32, #tpu.memory_space<smem>>, %arg3: memref<16x1xi32, #tpu.memory_space<smem>>, %arg4: memref<16x1xi32, #tpu.memory_space<smem>>) -> (i32, i32) {
    %c0_i32 = arith.constant 0 : i32
    %c0_i32_0 = arith.constant 0 : i32
    %c0_i32_1 = arith.constant 0 : i32
    return %c0_i32, %c0_i32_0 : i32, i32
  }
  func.func @transform_7(%arg0: i32, %arg1: memref<16x1xi32, #tpu.memory_space<smem>>, %arg2: memref<16x1xi32, #tpu.memory_space<smem>>, %arg3: memref<16x1xi32, #tpu.memory_space<smem>>, %arg4: memref<16x1xi32, #tpu.memory_space<smem>>) -> i32 {
    %c0_i32 = arith.constant 0 : i32
    %c0_i32_0 = arith.constant 0 : i32
    return %c0_i32 : i32
  }
  func.func @transform_8(%arg0: i32, %arg1: memref<16x1xi32, #tpu.memory_space<smem>>, %arg2: memref<16x1xi32, #tpu.memory_space<smem>>, %arg3: memref<16x1xi32, #tpu.memory_space<smem>>, %arg4: memref<16x1xi32, #tpu.memory_space<smem>>) -> (i32, i32) {
    %c0_i32 = arith.constant 0 : i32
    %c0_i32_0 = arith.constant 0 : i32
    %c0_i32_1 = arith.constant 0 : i32
    return %c0_i32, %c0_i32_0 : i32, i32
  }
  func.func @transform_9(%arg0: i32, %arg1: memref<16x1xi32, #tpu.memory_space<smem>>, %arg2: memref<16x1xi32, #tpu.memory_space<smem>>, %arg3: memref<16x1xi32, #tpu.memory_space<smem>>, %arg4: memref<16x1xi32, #tpu.memory_space<smem>>) -> (i32, i32) {
    %c0_i32 = arith.constant 0 : i32
    %c0_i32_0 = arith.constant 0 : i32
    %c0_i32_1 = arith.constant 0 : i32
    return %c0_i32, %c0_i32_0 : i32, i32
  }
}

</mosaic_0001>

<sc_bundles>
// kernel: kernel.10.cloned.1.call-start
scs
__scs_entry_jumppad:
0x0: {  	(pc) =	sbr.rel $0x88, $3  }
0x1: {  	(tag) =	ssettag $0x0;
	lr =	simm.s32 $0x1  }
0x2: {  	[smem:$0x3F98] =	sst lr;
	_ =	strace $0xD0000000  }
0x3: {  	_ = 	snop  }
0x4: {  	_ = 	snop  }
0x5: {  	_ = 	snop  }
0x6: {  	_ = 	snop  }
0x7: {  	_ = 	snop  }
__scs_overlays_trampoline_lowered:
0x8: {  	[smem:$0x3FA7] =	sst s0  }
0x9: {  	[smem:$0x3FA8] =	sst s1  }
0xa: {  	[smem:$0x3FA9] =	sst s2  }
0xb: {  	[smem:$0x3FAA] =	sst s3  }
0xc: {  	[smem:$0x3FAB] =	sst s4  }
0xd: {  	[smem:$0x3FAC] =	sst s5  }
0xe: {  	[smem:$0x3FAD] =	sst s6  }
0xf: {  	[smem:$0x3FAE] =	sst s7  }
0x10: {  	[smem:$0x3FAF] =	sst s8  }
0x11: {  	[smem:$0x3FB0] =	sst s9;
	s0 =	simm.s32 @!p0 $0x0  }
0x12: {  	s1 =	sld [smem:$0x3F96];
	s0 =	simm.s32 @p0 $0x1  }
0x13: {  	[smem:$0x3FB1] =	sst s0;
	s0 =	simm.s32 @!p1 $0x0  }
0x14: {  	s2 =	sld [smem:$0x3F95];
	s0 =	simm.s32 @p1 $0x1  }
0x15: {  	[smem:$0x3FB2] =	sst s0;
	s0 =	simm.s32 @!p2 $0x0  }
0x16: {  	s3 =	sld [smem:$0x3FDB];
	s0 =	simm.s32 @p2 $0x1  }
0x17: {  	s4 =	simm.s32 $0x1BF5;
	[smem:$0x3FB4] =	sst s0  }
0x18: {  	s0 =	sld [smem:$0x3F97];
	_ =	swait.ge [sflag:s4], $0x0  }
0x19: {  	s7 =	sld [smem:$0x3F98]  }
0x1a: {  	s8 =	sadd.s32 $0xFFFFE003, lr  }
0x1b: {  	s9 =	sadd.s32 $0xFFFFFEF7, lr;
	s5 =	simm.s32 $0xFFFFFFFF;
	p2 =	slt.u32 s8, $0xFFFFF086  }
0x1c: {  	p1 =	slt.u32 s9, $0xF7A;
	s5 =	simm.s32 @!p2 $0x0  }
0x1d: {  	s5 =	simm.s32 @p1 $0x1;
	p0 =	seq.s32 s7, s2  }
0x1e: {  	s7 =	smul.u32 @!p0 $0xF7A, s2;
	p2 =	seq.s32 @!p0 s5, $0x0  }
0x1f: {  	s9 =	smul.u32 $0xF7A, s1;
	s8 =	simm.s32 @!p0 $0x1BF5;
	p2 =	por !p2, p0  }
0x20: {  	[sflag:s8] =	ssyncset.s32 @!p0 $0xFFFFF086;
	s6 =	sadd.s32 @!p0 s3, s7;
	s7 =	simm.s32 @!p0 $0x108  }
0x21: {  	s3 =	sadd.s32 s3, s9;
	s6 =	sadd.s32 @!p0 $0x88, s6;
	s7 =	simm.s32 @p2 $0x1082  }
0x22: {  	[simem:s7], [sflag:s8] =	dma.local @!p0 [hbm:s6], $0xF7A  }
0x23: {  	s9 =	sor.u32 $0xD0000000, s2;
	s6 =	simm.s32 $0x108;
	_ =	swait.ge @!p0 [sflag:s8], $0x0  }
0x24: {  	s3 =	sadd.s32 $0x88, s3;
	s6 =	simm.s32 @!p1 $0x1082;
	[sflag:s4] =	ssyncset.s32 $0xFFFFF086  }
0x25: {  	[simem:s6], [sflag:s4] =	dma.local [hbm:s3], $0xF7A  }
0x26: {  	[smem:$0x3F98] =	sst s1;
	(tag) =	ssettag s2;
	_ =	strace s9  }
0x27: {  	s1 =	sld [smem:$0x3FA8]  }
0x28: {  	s2 =	sld [smem:$0x3FA9]  }
0x29: {  	s4 =	sld [smem:$0x3FAB]  }
0x2a: {  	p0 =	seq.s32 s5, $0x0;
	s5 =	sld [smem:$0x3FAC]  }
0x2b: {  	s6 =	sld [smem:$0x3FAD]  }
0x2c: {  	s7 =	sld [smem:$0x3FAE]  }
0x2d: {  	s3 =	simm.s32 $0x108;
	s8 =	sld [smem:$0x3FAF]  }
0x2e: {  	s3 =	simm.s32 @!p0 $0x1082;
	s9 =	sld [smem:$0x3FB0]  }
0x2f: {  	lr =	sadd.s32 s0, s3;
	s0 =	sld [smem:$0x3FA7]  }
0x30: {  	s3 =	sld [smem:$0x3FAA]  }
0x31: {  	[smem:$0x3FB3] =	sst s10  }
0x32: {  	s10 =	sld [smem:$0x3FB1];
	_ =	sdelay $0x3  }
0x33: {  	p0 =	seq.s32 s10, $0x1;
	s10 =	sld [smem:$0x3FB3];
	_ =	sdelay $0x3  }
0x34: {  	[smem:$0x3FB3] =	sst s10  }
0x35: {  	s10 =	sld [smem:$0x3FB2];
	_ =	sdelay $0x3  }
0x36: {  	p1 =	seq.s32 s10, $0x1;
	s10 =	sld [smem:$0x3FB3];
	_ =	sdelay $0x3  }
0x37: {  	[smem:$0x3FB3] =	sst s10  }
0x38: {  	s10 =	sld [smem:$0x3FB4]  }
0x39: {  	_ = 	snop;
	(pc) =	sbr.ind lr, $3  }
0x3a: {  	_ = 	snop  }
0x3b: {  	_ = 	snop  }
0x3c: {  	p2 =	seq.s32 s10, $0x1;
	s10 =	sld [smem:$0x3FB3]  }
0x3d: {  	_ =	shalt  }
0x3e: {  	_ =	shalt  }
0x3f: {  	_ =	shalt  }
0x40: {  	_ =	shalt  }
0x41: {  	_ =	shalt  }
0x42: {  	_ =	shalt  }
0x43: {  	_ =	shalt  }
0x44: {  	_ =	shalt  }
0x45: {  	_ =	shalt  }
0x46: {  	_ =	shalt  }
0x47: {  	_ =	shalt  }
0x48: {  	_ =	shalt  }
0x49: {  	_ =	shalt  }
0x4a: {  	_ =	shalt  }
0x4b: {  	_ =	shalt  }
0x4c: {  	_ =	shalt  }
0x4d: {  	_ =	shalt  }
0x4e: {  	_ =	shalt  }
0x4f: {  	_ =	shalt  }
0x50: {  	_ =	shalt  }
0x51: {  	_ =	shalt  }
0x52: {  	_ =	shalt  }
0x53: {  	_ =	shalt  }
0x54: {  	_ =	shalt  }
0x55: {  	_ =	shalt  }
0x56: {  	_ =	shalt  }
0x57: {  	_ =	shalt  }
0x58: {  	_ =	shalt  }
0x59: {  	_ =	shalt  }
0x5a: {  	_ =	shalt  }
0x5b: {  	_ =	shalt  }
0x5c: {  	_ =	shalt  }
0x5d: {  	_ =	shalt  }
0x5e: {  	_ =	shalt  }
0x5f: {  	_ =	shalt  }
0x60: {  	_ =	shalt  }
0x61: {  	_ =	shalt  }
0x62: {  	_ =	shalt  }
0x63: {  	_ =	shalt  }
0x64: {  	_ =	shalt  }
0x65: {  	_ =	shalt  }
0x66: {  	_ =	shalt  }
0x67: {  	_ =	shalt  }
0x68: {  	_ =	shalt  }
0x69: {  	_ =	shalt  }
0x6a: {  	_ =	shalt  }
0x6b: {  	_ =	shalt  }
0x6c: {  	_ =	shalt  }
0x6d: {  	_ =	shalt  }
0x6e: {  	_ =	shalt  }
0x6f: {  	_ =	shalt  }
0x70: {  	_ =	shalt  }
0x71: {  	_ =	shalt  }
0x72: {  	_ =	shalt  }
0x73: {  	_ =	shalt  }
0x74: {  	_ =	shalt  }
0x75: {  	_ =	shalt  }
0x76: {  	_ =	shalt  }
0x77: {  	_ =	shalt  }
0x78: {  	_ =	shalt  }
0x79: {  	_ =	shalt  }
0x7a: {  	_ =	shalt  }
0x7b: {  	_ =	shalt  }
0x7c: {  	_ =	shalt  }
0x7d: {  	_ =	shalt  }
0x7e: {  	_ =	shalt  }
0x7f: {  	_ =	shalt  }
0x80: {  	_ =	shalt  }
0x81: {  	_ =	shalt  }
0x82: {  	_ =	shalt  }
0x83: {  	_ =	shalt  }
0x84: {  	_ =	shalt  }
0x85: {  	_ =	shalt  }
0x86: {  	_ =	shalt  }
0x87: {  	_ =	shalt  }
.Lfunc_end0:
.L_simem_size_0:
called_computation_lowered:
.L_overlay_start_0:
0x88: {  	s2 =	sld [smem:$0x3FD9]  }
0x89: {  	s3 =	sld [smem:$0x3FFE];
	_ =	sdelay $0x1  }
0x8a: {  	s1 =	srdreg.scid  }
0x8b: {  	s0 =	sand.u32 $0x1, s1  }
0x8c: {  	s17 =	sshll.u32 s0, $0xA;
	s2 =	sadd.s32 s3, s2  }
0x8d: {  	s2 =	sadd.s32 s2, s17  }
0x8e: {  	[smem:$0x3FBF] =	sst s2  }
0x8f: {  	_ = 	snop  }
0x90: {  	s2 =	sld [smem:$0x3FC9]  }
0x91: {  	s18 =	sld [smem:$0x3FD0];
	(tm) =	ssettm $0x1  }
0x92: {  	s4 =	sld [smem:$0x3FFB];
	_ =	sdelay $0x3  }
0x93: {  	_ =	strace s4  }
0x94: {  	s4 =	sld [smem:$0x3FFC];
	_ =	sdelay $0x3  }
0x95: {  	_ =	strace s4  }
0x96: {  	s4 =	sld [smem:$0x3FFD];
	_ =	sdelay $0x3  }
0x97: {  	_ =	strace s4  }
0x98: {  	_ =	strace $0x8FFFFFFF  }
0x99: {  	s19 =	sld [smem:$0x3FDB];
	_ =	sdelay $0x1  }
0x9a: {  	s5 =	simm.s32 $_scs_section_size  }
0x9b: {  	s6 =	simm.s32 $_size__tile_overlayer_lowered;
	s7 =	simm.s32 $_tile_overlayer_lowered  }
0x9c: {  	s22 =	simm.s32 $0x1BFF;
	s21 =	sshll.u32 s7, $0x1;
	s4 =	sadd.s32 s5, s19  }
0x9d: {  	s8 =	simm.s32 $0x0;
	s20 =	sshll.u32 s6, $0x1;
	s6 =	sadd.s32 s21, s4  }
0x9e: {  	[timem:s8], [sflag:s22] =	dma.local [hbm:s6], s20  }
0x9f: {  	_ =	swait.ge [sflag:s22], s20  }
0xa0: {  	s5 =	ssub.s32 $0x0, s20;
	[sflag:s22] =	ssyncset.done $0x0  }
0xa1: {  	[sflag:s22] =	ssyncadd.s32 s5;
	_ =	sdelay $0x1  }
0xa2: {  	s23 =	simm.s32 $0x1B8B  }
0xa3: {  	_ =	swait.ge [sflag:s23], $0x1  }
0xa4: {  	[sflag:s23] =	ssyncset.done $0x0  }
0xa5: {  	s25 =	simm.s32 $0x1B8E;
	s24 =	sld [smem:$0x3FFE];
	[sflag:s23] =	ssyncadd.s32 $0xFFFFFFFF  }
0xa6: {  	s26 =	simm.s32 $execute0_lowered;
	[smem:$0x3FD2] =	sst s25  }
0xa7: {  	s6 =	sshll.u32 s26, $0x1;
	_ =	strace $0x80000046;
	[dreg:$0x1] =	wrdreg $0xFFFFFFFF  }
0xa8: {  	s28 =	simm.s32 $_size_execute0_lowered;
	s4 =	sadd.s32 s4, s6;
	[dreg:$0x0] =	wrdreg $0x0  }
0xa9: {  	s6 =	sshll.u32 s28, $0x1;
	[dreg:$0x2] =	wrdreg s4  }
0xaa: {  	[dreg:$0x3] =	wrdreg s6  }
0xab: {  	[dreg:$0x4] =	wrdreg $0xC0  }
0xac: {  	_ =	task [dreg:s8], $0x5FFFF  }
0xad: {  	[dreg:$0x1] =	wrdreg $0xFFFFFFFF  }
0xae: {  	[dreg:$0x0] =	wrdreg $0x60  }
0xaf: {  	[dreg:$0x2] =	wrdreg s24  }
0xb0: {  	[dreg:$0x3] =	wrdreg s2  }
0xb1: {  	[dreg:$0x4] =	wrdreg s18  }
0xb2: {  	[dreg:$0x5] =	wrdreg $0x9  }
0xb3: {  	_ =	task.clear_ibuf [dreg:s8], $0x6FFFF;
	_ =	strace $0x90000046  }
0xb4: {  	s29 =	simm.s32 $0x9;
	_ =	strace $0x80000048  }
0xb5: {  	_ =	swait.ge [sflag:s29], $0x1  }
0xb6: {  	[sflag:s29] =	ssyncadd.s32 $0xFFFFFFFF  }
0xb7: {  	_ =	strace $0x90000048  }
0xb8: {  	_ =	sfence  }
0xb9: {  	s30 =	sld [smem:$0x0];
	_ =	sdelay $0x2  }
0xba: {  	s31 =	sshll.u32 s1, $0xD;
	s1 =	sshrl.u32 s1, $0x2  }
0xbb: {  	s3 =	sand.u32 $0x4000, s31;
	s1 =	sadd.s32 s1, s30  }
0xbc: {  	s0 =	sor.u32 s3, s0;
	s1 =	sshll.u32 s1, $0x11  }
0xbd: {  	s0 =	sor.u32 s1, s0  }
0xbe: {  	s0 =	sadd.s32 $0x8F2B, s0  }
0xbf: {  	[sflag:s0] =	ssyncadd.remote.s32 $0x1  }
0xc0: {  	_ =	sfence.sel $0xFFFF  }
0xc1: {  	[dreg:$0x0] =	wrdreg $0xFFFFFFFF;
	(pc) =	sbr.abs _section_cstart, $3  }
0xc2: {  	[dreg:$0x1] =	wrdreg $0xFFFFFFFF  }
0xc3: {  	_ =	task.clear_ibuf [dreg:s8], $0x2FFFF;
	_ =	strace $0x9FFFFFFF  }
0xc4: {  	(tm) =	ssettm $0x7FFFFFFF  }
0xc5: {  	_ =	shalt  }
tec
execute0_lowered:
.L_overlay_start_1:
0x0: {  	(tag) =	ssettag $0x1  }
0x1: {  	s1 =	rddreg [dreg:$0x0]  }
0x2: {  	s4 =	rddreg [dreg:$0x1];
	s3 =	srdreg.scid  }
0x3: {  	s0 =	stileid.u32;
	s2 =	rddreg [dreg:$0x2];
	s24 =	simm.s32 $0x2880  }
0x4: {  	s25 =	simm.s32 $0x3080;
	s26 =	simm.s32 $0x3880;
	s11 =	simm.s32 $0x4880  }
0x5: {  	s12 =	simm.s32 $0x5080;
	s13 =	simm.s32 $0x5880;
	s14 =	simm.s32 $0x6080  }
0x6: {  	s15 =	simm.s32 $0x6880;
	s16 =	simm.s32 $0x7080;
	s17 =	simm.s32 $0x7880  }
0x7: {  	s18 =	simm.s32 $0x8080;
	s19 =	simm.s32 $0x8880;
	s20 =	simm.s32 $0x9080  }
0x8: {  	s21 =	simm.s32 $0x9880;
	s22 =	simm.s32 $0xA080;
	s28 =	simm.s32 $0xC880  }
0x9: {  	s29 =	simm.s32 $0xD080;
	s30 =	simm.s32 $0xD880;
	s31 =	simm.s32 $0x40  }
0xa: {  	s5 =	sand.u32 $0x1, s3;
	s6 =	sshll.u32 s0, $0x1;
	s3 =	simm.s32 $0x0  }
0xb: {  	s9 =	sadd.s32 $0xCC00, s1;
	s6 =	sor.u32 s5, s6;
	[smem:$0x7FF] =	sst s3  }
0xc: {  	s5 =	ssub.s32 $0x2, s5;
	_ =	strace $0x80000047;
	[dreg:$0x4] =	wrdreg s9  }
0xd: {  	s7 =	sshll.u32 s6, $0x4;
	s8 =	sshll.u32 s6, $0xA;
	[dreg:$0x8] =	wrdreg s24  }
0xe: {  	s6 =	smul.u32 $0x1800, s6;
	s23 =	sshrl.u32 s5, $0x1;
	[dreg:$0x9] =	wrdreg s25  }
0xf: {  	s9 =	simm.s32 $0x80;
	[dreg:$0xa] =	wrdreg s26;
	s24 =	simm.s32 $0xB080  }
0x10: {  	s25 =	simm.s32 $0xB880;
	s26 =	simm.s32 $0xC080;
	s7 =	sadd.s32 s7, s1  }
0x11: {  	s1 =	sadd.s32 s8, s1;
	s8 =	simm.s32 $0x2080;
	s7 =	sadd.s32 $0xCA00, s7  }
0x12: {  	s4 =	sadd.s32 s4, s6;
	s1 =	sadd.s32 $0x4A00, s1;
	[dreg:$0x5] =	wrdreg s7  }
0x13: {  	v2 =	vlaneseq.u32;
	s6 =	ssub.s32 s5, s23;
	s5 =	sadd.s32 $0x200, s2;
	[dreg:$0x6] =	wrdreg s4  }
0x14: {  	vm0 =	vmmov $0xffff;
	v1 =	vshrl.u32 v2, $0x3;
	s23 =	simm.s32 $0xA880;
	[dreg:$0x7] =	wrdreg s1;
	s4 =	sadd.s32 $0x100, s2  }
0x15: {  	v0 =	vand.u32 $0x7, v2;
	v2 =	vor.u32 $0x8, v2;
	v1 =	vmul.u32 $0x8, v1;
	s6 =	smax.u32 s6, $0x1;
	s7 =	simm.s32 $0x2;
	s1 =	simm.s32 $0x1  }
.LBB2_1:
0x16: {  	s0 =	rddreg [dreg:$0x5]  }
0x17: {  	[tilespmem:s3], [sflag:$0x2] =	stream.linear.gather [hbm4b:s0+s3], $0x80, $0x38;
	[tilespmem:$0xE080] =	vst v63  }
0x18: {  	_ =	swait.ge [sflag:s7], $0x80  }
0x19: {  	[sflag:s7] =	ssyncset.done $0x0  }
0x1a: {  	s10 =	rddreg [dreg:$0x6];
	[sflag:s7] =	ssyncadd.s32 $0xFFFFFF80  }
0x1b: {  	[tilespmem:s8], [sflag:$0x2] =	stream.linear.gather [hbm4b:s10+s3], $0xC000, $0x38;
	[tilespmem:$0xE080] =	vst v63  }
0x1c: {  	_ =	swait.ge [sflag:s7], $0xC000  }
0x1d: {  	[sflag:s7] =	ssyncset.done $0x0  }
0x1e: {  	s10 =	rddreg [dreg:$0x7];
	[sflag:s7] =	ssyncadd.s32 $0xFFFF4000  }
0x1f: {  	[tilespmem:s9], [sflag:$0x2] =	stream.linear.gather [hbm4b:s10+s3], $0x2000, $0x38;
	[tilespmem:$0xE080] =	vst v63  }
0x20: {  	_ =	swait.ge [sflag:s7], $0x2000  }
0x21: {  	[sflag:s7] =	ssyncset.done $0x0  }
0x22: {  	[sflag:s7] =	ssyncadd.s32 $0xFFFFE000  }
0x23: {  	v3 =	vld [tilespmem:$0x0];
	_ =	sdelay $0x4  }
0x24: {  	v4 =	vshrl.u32 v3, $0x3  }
0x25: {  	v4 =	vmul.u32 $0x30, v4  }
0x26: {  	v3 =	vand.u32 $0x7, v3  }
0x27: {  	v3 =	vor.u32 v3, v4  }
0x28: {  	v4 =	vperm.xlane v3, v0;
	_ =	sdelay $0x1  }
0x29: {  	v4 =	vadd.s32 v1, v4;
	_ =	sdelay $0x3  }
0x2a: {  	v3 =	vperm.xlane v3, v2  }
0x2b: {  	[hbm4b:s2+s3] =	stream.indirect_vreg.scatter [tilespmem:s8], [sflag:$0x1], $0x80, v4, vm0, $0xb8;
	[tilespmem:$0xE080] =	vst v63  }
0x2c: {  	s0 =	rddreg [dreg:$0x8];
	v3 =	vadd.s32 v1, v3  }
0x2d: {  	[hbm4b:s4+s3] =	stream.indirect_vreg.scatter [tilespmem:s0], [sflag:$0x1], $0x80, v4, vm0, $0xb8;
	[tilespmem:$0xE080] =	vst v63  }
0x2e: {  	s10 =	rddreg [dreg:$0x9]  }
0x2f: {  	[hbm4b:s5+s3] =	stream.indirect_vreg.scatter [tilespmem:s10], [sflag:$0x1], $0x80, v4, vm0, $0xb8;
	[tilespmem:$0xE080] =	vst v63  }
0x30: {  	s0 =	rddreg [dreg:$0xa]  }
0x31: {  	[hbm4b:s2+s3] =	stream.indirect_vreg.scatter [tilespmem:s0], [sflag:$0x1], $0x80, v3, vm0, $0xb8;
	[tilespmem:$0xE080] =	vst v63  }
0x32: {  	s10 =	simm.s32 $0x4080  }
0x33: {  	[hbm4b:s4+s3] =	stream.indirect_vreg.scatter [tilespmem:s10], [sflag:$0x1], $0x80, v3, vm0, $0xb8;
	[tilespmem:$0xE080] =	vst v63  }
0x34: {  	_ = 	snop  }
0x35: {  	[hbm4b:s5+s3] =	stream.indirect_vreg.scatter [tilespmem:s11], [sflag:$0x1], $0x80, v3, vm0, $0xb8;
	[tilespmem:$0xE080] =	vst v63  }
0x36: {  	v3 =	vld [tilespmem:$0x10];
	_ =	sdelay $0x4  }
0x37: {  	v61 =	vshrl.u32 v3, $0x3  }
0x38: {  	v4 =	vmul.u32 $0x30, v61  }
0x39: {  	v3 =	vand.u32 $0x7, v3  }
0x3a: {  	v3 =	vor.u32 v3, v4  }
0x3b: {  	v4 =	vperm.xlane v3, v0;
	_ =	sdelay $0x1  }
0x3c: {  	v4 =	vadd.s32 v1, v4;
	_ =	sdelay $0x3  }
0x3d: {  	v3 =	vperm.xlane v3, v2  }
0x3e: {  	[hbm4b:s2+s3] =	stream.indirect_vreg.scatter [tilespmem:s12], [sflag:$0x1], $0x80, v4, vm0, $0xb8;
	[tilespmem:$0xE080] =	vst v63  }
0x3f: {  	v3 =	vadd.s32 v1, v3  }
0x40: {  	[hbm4b:s4+s3] =	stream.indirect_vreg.scatter [tilespmem:s13], [sflag:$0x1], $0x80, v4, vm0, $0xb8;
	[tilespmem:$0xE080] =	vst v63  }
0x41: {  	_ = 	snop  }
0x42: {  	[hbm4b:s5+s3] =	stream.indirect_vreg.scatter [tilespmem:s14], [sflag:$0x1], $0x80, v4, vm0, $0xb8;
	[tilespmem:$0xE080] =	vst v63  }
0x43: {  	_ = 	snop  }
0x44: {  	[hbm4b:s2+s3] =	stream.indirect_vreg.scatter [tilespmem:s15], [sflag:$0x1], $0x80, v3, vm0, $0xb8;
	[tilespmem:$0xE080] =	vst v63  }
0x45: {  	_ = 	snop  }
0x46: {  	[hbm4b:s4+s3] =	stream.indirect_vreg.scatter [tilespmem:s16], [sflag:$0x1], $0x80, v3, vm0, $0xb8;
	[tilespmem:$0xE080] =	vst v63  }
0x47: {  	_ = 	snop  }
0x48: {  	[hbm4b:s5+s3] =	stream.indirect_vreg.scatter [tilespmem:s17], [sflag:$0x1], $0x80, v3, vm0, $0xb8;
	[tilespmem:$0xE080] =	vst v63  }
0x49: {  	v3 =	vld [tilespmem:$0x20];
	_ =	sdelay $0x4  }
0x4a: {  	v62 =	vshrl.u32 v3, $0x3  }
0x4b: {  	v4 =	vmul.u32 $0x30, v62  }
0x4c: {  	v3 =	vand.u32 $0x7, v3  }
0x4d: {  	v3 =	vor.u32 v3, v4  }
0x4e: {  	v4 =	vperm.xlane v3, v0;
	_ =	sdelay $0x1  }
0x4f: {  	v4 =	vadd.s32 v1, v4;
	_ =	sdelay $0x3  }
0x50: {  	v3 =	vperm.xlane v3, v2  }
0x51: {  	[hbm4b:s2+s3] =	stream.indirect_vreg.scatter [tilespmem:s18], [sflag:$0x1], $0x80, v4, vm0, $0xb8;
	[tilespmem:$0xE080] =	vst v63  }
0x52: {  	v3 =	vadd.s32 v1, v3  }
0x53: {  	[hbm4b:s4+s3] =	stream.indirect_vreg.scatter [tilespmem:s19], [sflag:$0x1], $0x80, v4, vm0, $0xb8;
	[tilespmem:$0xE080] =	vst v63  }
0x54: {  	_ = 	snop  }
0x55: {  	[hbm4b:s5+s3] =	stream.indirect_vreg.scatter [tilespmem:s20], [sflag:$0x1], $0x80, v4, vm0, $0xb8;
	[tilespmem:$0xE080] =	vst v63  }
0x56: {  	_ = 	snop  }
0x57: {  	[hbm4b:s2+s3] =	stream.indirect_vreg.scatter [tilespmem:s21], [sflag:$0x1], $0x80, v3, vm0, $0xb8;
	[tilespmem:$0xE080] =	vst v63  }
0x58: {  	_ = 	snop  }
0x59: {  	[hbm4b:s4+s3] =	stream.indirect_vreg.scatter [tilespmem:s22], [sflag:$0x1], $0x80, v3, vm0, $0xb8;
	[tilespmem:$0xE080] =	vst v63  }
0x5a: {  	_ = 	snop  }
0x5b: {  	[hbm4b:s5+s3] =	stream.indirect_vreg.scatter [tilespmem:s23], [sflag:$0x1], $0x80, v3, vm0, $0xb8;
	[tilespmem:$0xE080] =	vst v63  }
0x5c: {  	v3 =	vld [tilespmem:$0x30];
	_ =	sdelay $0x4  }
0x5d: {  	v63 =	vshrl.u32 v3, $0x3  }
0x5e: {  	v4 =	vmul.u32 $0x30, v63  }
0x5f: {  	v3 =	vand.u32 $0x7, v3  }
0x60: {  	v3 =	vor.u32 v3, v4  }
0x61: {  	v4 =	vperm.xlane v3, v0;
	_ =	sdelay $0x1  }
0x62: {  	v4 =	vadd.s32 v1, v4;
	_ =	sdelay $0x3  }
0x63: {  	v3 =	vperm.xlane v3, v2  }
0x64: {  	[hbm4b:s2+s3] =	stream.indirect_vreg.scatter [tilespmem:s24], [sflag:$0x1], $0x80, v4, vm0, $0xb8;
	[tilespmem:$0xE080] =	vst v63  }
0x65: {  	v3 =	vadd.s32 v1, v3  }
0x66: {  	[hbm4b:s4+s3] =	stream.indirect_vreg.scatter [tilespmem:s25], [sflag:$0x1], $0x80, v4, vm0, $0xb8;
	[tilespmem:$0xE080] =	vst v63  }
0x67: {  	_ = 	snop  }
0x68: {  	[hbm4b:s5+s3] =	stream.indirect_vreg.scatter [tilespmem:s26], [sflag:$0x1], $0x80, v4, vm0, $0xb8;
	[tilespmem:$0xE080] =	vst v63  }
0x69: {  	_ = 	snop  }
0x6a: {  	[hbm4b:s2+s3] =	stream.indirect_vreg.scatter [tilespmem:s28], [sflag:$0x1], $0x80, v3, vm0, $0xb8;
	[tilespmem:$0xE080] =	vst v63  }
0x6b: {  	_ = 	snop  }
0x6c: {  	[hbm4b:s4+s3] =	stream.indirect_vreg.scatter [tilespmem:s29], [sflag:$0x1], $0x80, v3, vm0, $0xb8;
	[tilespmem:$0xE080] =	vst v63  }
0x6d: {  	_ = 	snop  }
0x6e: {  	[hbm4b:s5+s3] =	stream.indirect_vreg.scatter [tilespmem:s30], [sflag:$0x1], $0x80, v3, vm0, $0xb8;
	[tilespmem:$0xE080] =	vst v63  }
0x6f: {  	s10 =	rddreg [dreg:$0x4]  }
0x70: {  	[hbm4b:s10+s31] =	stream.indirect.scatter [tilespmem:s9], [sflag:$0x1], $0x80, s3, s31, $0xb8;
	[tilespmem:$0xE080] =	vst v63  }
0x71: {  	p0 =	sne.s32 s6, $0x1;
	_ =	swait.ge [sflag:s1], $0xC000  }
.Ltmp0:
0x72: {  	[sflag:s1] =	ssyncset.done $0x0;
	(pc) =	sbr.rel @p0 .LBB2_1-.Ltmp0, $4  }
0x73: {  	[sflag:s1] =	ssyncadd.s32 $0xFFFF4000  }
0x74: {  	_ =	swait.ge [sflag:s1], $0x2000  }
0x75: {  	[sflag:s1] =	ssyncset.done $0x0  }
0x76: {  	s6 =	sadd.s32 $0xFFFFFFFF, s6;
	[sflag:s1] =	ssyncadd.s32 $0xFFFFE000  }
0x77: {  	_ =	sfence.sel $0x180000  }
0x78: {  	[bflag:$0x0] =	sbarrier.arrive $0xFFFF  }
0x79: {  	_ =	strace $0x90000047  }
0x7a: {  	s0 =	stileid.u32;
	[bflag:$0x2] =	sbarrier.arrive $0xFFFF  }
0x7b: {  	p0 =	sne.s32 s0, $0x0;
	s0 =	rddreg [dreg:$0x3]  }
0x7c: {  	s0 =	sadd.s32 @!p0 $0x100000, s0  }
0x7d: {  	[sflag:s0] =	ssyncadd.tile.s32 @!p0 $0x1;
	_ =	shalt  }
.Lfunc_end2:
_tile_overlayer_lowered:
.L_overlay_start_2:
0x7e: {  	(tag) =	ssettag $0x2  }
0x7f: {  	s0 =	rddreg [dreg:$0x0];
	s2 =	stileid.u32  }
0x80: {  	s1 =	rddreg [dreg:$0x1];
	p0 =	sne.s32 s2, $0x0  }
0x81: {  	s3 =	rddreg [dreg:$0x2];
	[bflag:$0x3] =	sbarrier.arrive $0xFFFF;
	s2 =	simm.s32 @!p0 $0x1C02  }
0x82: {  	[timem:s3], [sflag:s2] =	dma.local @!p0 [hbm:s0], s1  }
0x83: {  	s0 =	simm.s32 @!p0 $0x2  }
0x84: {  	_ =	swait.ge @!p0 [sflag:s0], s1  }
0x85: {  	s1 =	ssub.s32 @!p0 $0x0, s1;
	[sflag:s0] =	ssyncset.done @!p0 $0x0  }
0x86: {  	[sflag:s0] =	ssyncadd.s32 @!p0 s1  }
0x87: {  	[bflag:$0x3] =	sbarrier.arrive $0xFFFF  }
0x88: {  	_ =	shalt  }

// kernel: kernel.13.cloned.1.call-start
scs
__scs_entry_jumppad:
0x0: {  	(pc) =	sbr.rel $0x88, $3  }
0x1: {  	(tag) =	ssettag $0x0;
	lr =	simm.s32 $0x1  }
0x2: {  	[smem:$0x3F98] =	sst lr;
	_ =	strace $0xD0000000  }
0x3: {  	_ = 	snop  }
0x4: {  	_ = 	snop  }
0x5: {  	_ = 	snop  }
0x6: {  	_ = 	snop  }
0x7: {  	_ = 	snop  }
__scs_overlays_trampoline_lowered:
0x8: {  	[smem:$0x3FA7] =	sst s0  }
0x9: {  	[smem:$0x3FA8] =	sst s1  }
0xa: {  	[smem:$0x3FA9] =	sst s2  }
0xb: {  	[smem:$0x3FAA] =	sst s3  }
0xc: {  	[smem:$0x3FAB] =	sst s4  }
0xd: {  	[smem:$0x3FAC] =	sst s5  }
0xe: {  	[smem:$0x3FAD] =	sst s6  }
0xf: {  	[smem:$0x3FAE] =	sst s7  }
0x10: {  	[smem:$0x3FAF] =	sst s8  }
0x11: {  	[smem:$0x3FB0] =	sst s9;
	s0 =	simm.s32 @!p0 $0x0  }
0x12: {  	s1 =	sld [smem:$0x3F96];
	s0 =	simm.s32 @p0 $0x1  }
0x13: {  	[smem:$0x3FB1] =	sst s0;
	s0 =	simm.s32 @!p1 $0x0  }
0x14: {  	s2 =	sld [smem:$0x3F95];
	s0 =	simm.s32 @p1 $0x1  }
0x15: {  	[smem:$0x3FB2] =	sst s0;
	s0 =	simm.s32 @!p2 $0x0  }
0x16: {  	s3 =	sld [smem:$0x3FDB];
	s0 =	simm.s32 @p2 $0x1  }
0x17: {  	s4 =	simm.s32 $0x1BF5;
	[smem:$0x3FB4] =	sst s0  }
0x18: {  	s0 =	sld [smem:$0x3F97];
	_ =	swait.ge [sflag:s4], $0x0  }
0x19: {  	s7 =	sld [smem:$0x3F98]  }
0x1a: {  	s8 =	sadd.s32 $0xFFFFE003, lr  }
0x1b: {  	s9 =	sadd.s32 $0xFFFFFEF7, lr;
	s5 =	simm.s32 $0xFFFFFFFF;
	p2 =	slt.u32 s8, $0xFFFFF086  }
0x1c: {  	p1 =	slt.u32 s9, $0xF7A;
	s5 =	simm.s32 @!p2 $0x0  }
0x1d: {  	s5 =	simm.s32 @p1 $0x1;
	p0 =	seq.s32 s7, s2  }
0x1e: {  	s7 =	smul.u32 @!p0 $0xF7A, s2;
	p2 =	seq.s32 @!p0 s5, $0x0  }
0x1f: {  	s9 =	smul.u32 $0xF7A, s1;
	s8 =	simm.s32 @!p0 $0x1BF5;
	p2 =	por !p2, p0  }
0x20: {  	[sflag:s8] =	ssyncset.s32 @!p0 $0xFFFFF086;
	s6 =	sadd.s32 @!p0 s3, s7;
	s7 =	simm.s32 @!p0 $0x108  }
0x21: {  	s3 =	sadd.s32 s3, s9;
	s6 =	sadd.s32 @!p0 $0x88, s6;
	s7 =	simm.s32 @p2 $0x1082  }
0x22: {  	[simem:s7], [sflag:s8] =	dma.local @!p0 [hbm:s6], $0xF7A  }
0x23: {  	s9 =	sor.u32 $0xD0000000, s2;
	s6 =	simm.s32 $0x108;
	_ =	swait.ge @!p0 [sflag:s8], $0x0  }
0x24: {  	s3 =	sadd.s32 $0x88, s3;
	s6 =	simm.s32 @!p1 $0x1082;
	[sflag:s4] =	ssyncset.s32 $0xFFFFF086  }
0x25: {  	[simem:s6], [sflag:s4] =	dma.local [hbm:s3], $0xF7A  }
0x26: {  	[smem:$0x3F98] =	sst s1;
	(tag) =	ssettag s2;
	_ =	strace s9  }
0x27: {  	s1 =	sld [smem:$0x3FA8]  }
0x28: {  	s2 =	sld [smem:$0x3FA9]  }
0x29: {  	s4 =	sld [smem:$0x3FAB]  }
0x2a: {  	p0 =	seq.s32 s5, $0x0;
	s5 =	sld [smem:$0x3FAC]  }
0x2b: {  	s6 =	sld [smem:$0x3FAD]  }
0x2c: {  	s7 =	sld [smem:$0x3FAE]  }
0x2d: {  	s3 =	simm.s32 $0x108;
	s8 =	sld [smem:$0x3FAF]  }
0x2e: {  	s3 =	simm.s32 @!p0 $0x1082;
	s9 =	sld [smem:$0x3FB0]  }
0x2f: {  	lr =	sadd.s32 s0, s3;
	s0 =	sld [smem:$0x3FA7]  }
0x30: {  	s3 =	sld [smem:$0x3FAA]  }
0x31: {  	[smem:$0x3FB3] =	sst s10  }
0x32: {  	s10 =	sld [smem:$0x3FB1];
	_ =	sdelay $0x3  }
0x33: {  	p0 =	seq.s32 s10, $0x1;
	s10 =	sld [smem:$0x3FB3];
	_ =	sdelay $0x3  }
0x34: {  	[smem:$0x3FB3] =	sst s10  }
0x35: {  	s10 =	sld [smem:$0x3FB2];
	_ =	sdelay $0x3  }
0x36: {  	p1 =	seq.s32 s10, $0x1;
	s10 =	sld [smem:$0x3FB3];
	_ =	sdelay $0x3  }
0x37: {  	[smem:$0x3FB3] =	sst s10  }
0x38: {  	s10 =	sld [smem:$0x3FB4]  }
0x39: {  	_ = 	snop;
	(pc) =	sbr.ind lr, $3  }
0x3a: {  	_ = 	snop  }
0x3b: {  	_ = 	snop  }
0x3c: {  	p2 =	seq.s32 s10, $0x1;
	s10 =	sld [smem:$0x3FB3]  }
0x3d: {  	_ =	shalt  }
0x3e: {  	_ =	shalt  }
0x3f: {  	_ =	shalt  }
0x40: {  	_ =	shalt  }
0x41: {  	_ =	shalt  }
0x42: {  	_ =	shalt  }
0x43: {  	_ =	shalt  }
0x44: {  	_ =	shalt  }
0x45: {  	_ =	shalt  }
0x46: {  	_ =	shalt  }
0x47: {  	_ =	shalt  }
0x48: {  	_ =	shalt  }
0x49: {  	_ =	shalt  }
0x4a: {  	_ =	shalt  }
0x4b: {  	_ =	shalt  }
0x4c: {  	_ =	shalt  }
0x4d: {  	_ =	shalt  }
0x4e: {  	_ =	shalt  }
0x4f: {  	_ =	shalt  }
0x50: {  	_ =	shalt  }
0x51: {  	_ =	shalt  }
0x52: {  	_ =	shalt  }
0x53: {  	_ =	shalt  }
0x54: {  	_ =	shalt  }
0x55: {  	_ =	shalt  }
0x56: {  	_ =	shalt  }
0x57: {  	_ =	shalt  }
0x58: {  	_ =	shalt  }
0x59: {  	_ =	shalt  }
0x5a: {  	_ =	shalt  }
0x5b: {  	_ =	shalt  }
0x5c: {  	_ =	shalt  }
0x5d: {  	_ =	shalt  }
0x5e: {  	_ =	shalt  }
0x5f: {  	_ =	shalt  }
0x60: {  	_ =	shalt  }
0x61: {  	_ =	shalt  }
0x62: {  	_ =	shalt  }
0x63: {  	_ =	shalt  }
0x64: {  	_ =	shalt  }
0x65: {  	_ =	shalt  }
0x66: {  	_ =	shalt  }
0x67: {  	_ =	shalt  }
0x68: {  	_ =	shalt  }
0x69: {  	_ =	shalt  }
0x6a: {  	_ =	shalt  }
0x6b: {  	_ =	shalt  }
0x6c: {  	_ =	shalt  }
0x6d: {  	_ =	shalt  }
0x6e: {  	_ =	shalt  }
0x6f: {  	_ =	shalt  }
0x70: {  	_ =	shalt  }
0x71: {  	_ =	shalt  }
0x72: {  	_ =	shalt  }
0x73: {  	_ =	shalt  }
0x74: {  	_ =	shalt  }
0x75: {  	_ =	shalt  }
0x76: {  	_ =	shalt  }
0x77: {  	_ =	shalt  }
0x78: {  	_ =	shalt  }
0x79: {  	_ =	shalt  }
0x7a: {  	_ =	shalt  }
0x7b: {  	_ =	shalt  }
0x7c: {  	_ =	shalt  }
0x7d: {  	_ =	shalt  }
0x7e: {  	_ =	shalt  }
0x7f: {  	_ =	shalt  }
0x80: {  	_ =	shalt  }
0x81: {  	_ =	shalt  }
0x82: {  	_ =	shalt  }
0x83: {  	_ =	shalt  }
0x84: {  	_ =	shalt  }
0x85: {  	_ =	shalt  }
0x86: {  	_ =	shalt  }
0x87: {  	_ =	shalt  }
.Lfunc_end0:
.L_simem_size_0:
called_computation.1_lowered:
.L_overlay_start_0:
0x88: {  	s2 =	sld [smem:$0x3FD9]  }
0x89: {  	s3 =	sld [smem:$0x3FFE];
	_ =	sdelay $0x1  }
0x8a: {  	s1 =	srdreg.scid  }
0x8b: {  	s0 =	sand.u32 $0x1, s1  }
0x8c: {  	s17 =	sshll.u32 s0, $0xA;
	s2 =	sadd.s32 s3, s2  }
0x8d: {  	s2 =	sadd.s32 s2, s17  }
0x8e: {  	[smem:$0x3FBF] =	sst s2  }
0x8f: {  	_ = 	snop  }
0x90: {  	s2 =	sld [smem:$0x3FD0];
	(tm) =	ssettm $0x1  }
0x91: {  	s18 =	sld [smem:$0x3FFB];
	_ =	sdelay $0x3  }
0x92: {  	_ =	strace s18  }
0x93: {  	s3 =	sld [smem:$0x3FFC];
	_ =	sdelay $0x3  }
0x94: {  	_ =	strace s3  }
0x95: {  	s3 =	sld [smem:$0x3FFD];
	_ =	sdelay $0x3  }
0x96: {  	_ =	strace s3  }
0x97: {  	_ =	strace $0x8FFFFFFF  }
0x98: {  	s19 =	sld [smem:$0x3FDB];
	_ =	sdelay $0x1  }
0x99: {  	s4 =	simm.s32 $_scs_section_size  }
0x9a: {  	s5 =	simm.s32 $_size__tile_overlayer_lowered;
	s6 =	simm.s32 $_tile_overlayer_lowered  }
0x9b: {  	s22 =	simm.s32 $0x1BFF;
	s21 =	sshll.u32 s6, $0x1;
	s3 =	sadd.s32 s4, s19  }
0x9c: {  	s7 =	simm.s32 $0x0;
	s20 =	sshll.u32 s5, $0x1;
	s5 =	sadd.s32 s21, s3  }
0x9d: {  	[timem:s7], [sflag:s22] =	dma.local [hbm:s5], s20  }
0x9e: {  	_ =	swait.ge [sflag:s22], s20  }
0x9f: {  	s4 =	ssub.s32 $0x0, s20;
	[sflag:s22] =	ssyncset.done $0x0  }
0xa0: {  	[sflag:s22] =	ssyncadd.s32 s4;
	_ =	sdelay $0x1  }
0xa1: {  	s23 =	simm.s32 $0x1B8B  }
0xa2: {  	_ =	swait.ge [sflag:s23], $0x1  }
0xa3: {  	[sflag:s23] =	ssyncset.done $0x0  }
0xa4: {  	s25 =	simm.s32 $0x1B8E;
	s24 =	sld [smem:$0x3FFE];
	[sflag:s23] =	ssyncadd.s32 $0xFFFFFFFF  }
0xa5: {  	s26 =	simm.s32 $execute0_lowered;
	[smem:$0x3FD2] =	sst s25  }
0xa6: {  	s5 =	sshll.u32 s26, $0x1;
	_ =	strace $0x80000049;
	[dreg:$0x1] =	wrdreg $0xFFFFFFFF  }
0xa7: {  	s28 =	simm.s32 $_size_execute0_lowered;
	s3 =	sadd.s32 s3, s5;
	[dreg:$0x0] =	wrdreg $0x0  }
0xa8: {  	s5 =	sshll.u32 s28, $0x1;
	[dreg:$0x2] =	wrdreg s3  }
0xa9: {  	[dreg:$0x3] =	wrdreg s5  }
0xaa: {  	[dreg:$0x4] =	wrdreg $0xC0  }
0xab: {  	_ =	task [dreg:s7], $0x5FFFF  }
0xac: {  	[dreg:$0x1] =	wrdreg $0xFFFFFFFF  }
0xad: {  	[dreg:$0x0] =	wrdreg $0x60  }
0xae: {  	[dreg:$0x2] =	wrdreg s24  }
0xaf: {  	[dreg:$0x3] =	wrdreg s2  }
0xb0: {  	[dreg:$0x4] =	wrdreg $0x9  }
0xb1: {  	_ =	task.clear_ibuf [dreg:s7], $0x5FFFF;
	_ =	strace $0x90000049  }
0xb2: {  	s29 =	simm.s32 $0x9;
	_ =	strace $0x8000004B  }
0xb3: {  	_ =	swait.ge [sflag:s29], $0x1  }
0xb4: {  	[sflag:s29] =	ssyncadd.s32 $0xFFFFFFFF  }
0xb5: {  	_ =	strace $0x9000004B  }
0xb6: {  	_ =	sfence  }
0xb7: {  	s30 =	sld [smem:$0x0];
	_ =	sdelay $0x2  }
0xb8: {  	s31 =	sshll.u32 s1, $0xD;
	s1 =	sshrl.u32 s1, $0x2  }
0xb9: {  	s3 =	sand.u32 $0x4000, s31;
	s1 =	sadd.s32 s1, s30  }
0xba: {  	s0 =	sor.u32 s3, s0;
	s1 =	sshll.u32 s1, $0x11  }
0xbb: {  	s0 =	sor.u32 s1, s0  }
0xbc: {  	s0 =	sadd.s32 $0x8F2B, s0  }
0xbd: {  	[sflag:s0] =	ssyncadd.remote.s32 $0x1  }
0xbe: {  	_ =	sfence.sel $0xFFFF  }
0xbf: {  	[dreg:$0x0] =	wrdreg $0xFFFFFFFF;
	(pc) =	sbr.abs _section_cstart, $3  }
0xc0: {  	[dreg:$0x1] =	wrdreg $0xFFFFFFFF  }
0xc1: {  	_ =	task.clear_ibuf [dreg:s7], $0x2FFFF;
	_ =	strace $0x9FFFFFFF  }
0xc2: {  	(tm) =	ssettm $0x7FFFFFFF  }
0xc3: {  	_ =	shalt  }
tec
execute0_lowered:
.L_overlay_start_1:
0x0: {  	(tag) =	ssettag $0x1  }
0x1: {  	s1 =	rddreg [dreg:$0x0]  }
0x2: {  	s2 =	srdreg.scid;
	s0 =	stileid.u32  }
0x3: {  	s4 =	rddreg [dreg:$0x1];
	s24 =	simm.s32 $0x2880;
	s25 =	simm.s32 $0x3080  }
0x4: {  	s26 =	simm.s32 $0x3880;
	s11 =	simm.s32 $0x4880;
	s12 =	simm.s32 $0x5080  }
0x5: {  	s13 =	simm.s32 $0x5880;
	s14 =	simm.s32 $0x6080;
	s15 =	simm.s32 $0x6880  }
0x6: {  	s16 =	simm.s32 $0x7080;
	s17 =	simm.s32 $0x7880;
	s18 =	simm.s32 $0x8080  }
0x7: {  	s19 =	simm.s32 $0x8880;
	s20 =	simm.s32 $0x9080;
	s21 =	simm.s32 $0x9880  }
0x8: {  	s28 =	simm.s32 $0xC880;
	s29 =	simm.s32 $0xD080;
	s30 =	simm.s32 $0xD880  }
0x9: {  	s31 =	simm.s32 $0x40;
	s5 =	sand.u32 $0x1, s2;
	s3 =	sshll.u32 s0, $0x1  }
0xa: {  	s2 =	simm.s32 $0x0;
	s8 =	sadd.s32 $0x4C00, s1;
	s3 =	sor.u32 s5, s3  }
0xb: {  	[smem:$0x7FF] =	sst s2;
	s5 =	ssub.s32 $0x2, s5;
	s6 =	sshll.u32 s3, $0x4  }
0xc: {  	_ =	strace $0x8000004A;
	s7 =	sshll.u32 s3, $0xA;
	[dreg:$0x3] =	wrdreg s8  }
0xd: {  	s9 =	smul.u32 $0x1800, s3;
	s3 =	sadd.s32 $0x14C00, s1;
	[dreg:$0x7] =	wrdreg s24  }
0xe: {  	s22 =	sshrl.u32 s5, $0x1;
	s8 =	simm.s32 $0x2080;
	[dreg:$0x8] =	wrdreg s25  }
0xf: {  	[dreg:$0x9] =	wrdreg s26;
	s24 =	simm.s32 $0xB080;
	s6 =	sadd.s32 s6, s1  }
0x10: {  	s25 =	simm.s32 $0xB880;
	s26 =	simm.s32 $0xC080;
	s6 =	sadd.s32 $0x4A00, s6  }
0x11: {  	s7 =	sadd.s32 s7, s1;
	s4 =	sadd.s32 s4, s9;
	[dreg:$0x4] =	wrdreg s6  }
0x12: {  	s23 =	sadd.s32 $0xCC00, s7;
	s7 =	simm.s32 $0x2;
	[dreg:$0x5] =	wrdreg s4  }
0x13: {  	v2 =	vlaneseq.u32;
	s9 =	simm.s32 $0x80;
	s6 =	ssub.s32 s5, s22;
	[dreg:$0x6] =	wrdreg s23  }
0x14: {  	vm0 =	vmmov $0xffff;
	v1 =	vshrl.u32 v2, $0x3;
	s4 =	sadd.s32 $0x14D00, s1;
	s5 =	sadd.s32 $0x14E00, s1;
	s22 =	simm.s32 $0xA080  }
0x15: {  	v0 =	vand.u32 $0x7, v2;
	v2 =	vor.u32 $0x8, v2;
	v1 =	vmul.u32 $0x8, v1;
	s23 =	simm.s32 $0xA880;
	s1 =	simm.s32 $0x1;
	s6 =	smax.u32 s6, $0x1  }
.LBB2_1:
0x16: {  	s0 =	rddreg [dreg:$0x4]  }
0x17: {  	[tilespmem:s2], [sflag:$0x2] =	stream.linear.gather [hbm4b:s0+s2], $0x80, $0x38;
	[tilespmem:$0xE080] =	vst v63  }
0x18: {  	_ =	swait.ge [sflag:s7], $0x80  }
0x19: {  	[sflag:s7] =	ssyncset.done $0x0  }
0x1a: {  	s10 =	rddreg [dreg:$0x5];
	[sflag:s7] =	ssyncadd.s32 $0xFFFFFF80  }
0x1b: {  	[tilespmem:s8], [sflag:$0x2] =	stream.linear.gather [hbm4b:s10+s2], $0xC000, $0x38;
	[tilespmem:$0xE080] =	vst v63  }
0x1c: {  	_ =	swait.ge [sflag:s7], $0xC000  }
0x1d: {  	[sflag:s7] =	ssyncset.done $0x0  }
0x1e: {  	s10 =	rddreg [dreg:$0x6];
	[sflag:s7] =	ssyncadd.s32 $0xFFFF4000  }
0x1f: {  	[tilespmem:s9], [sflag:$0x2] =	stream.linear.gather [hbm4b:s10+s2], $0x2000, $0x38;
	[tilespmem:$0xE080] =	vst v63  }
0x20: {  	_ =	swait.ge [sflag:s7], $0x2000  }
0x21: {  	[sflag:s7] =	ssyncset.done $0x0  }
0x22: {  	[sflag:s7] =	ssyncadd.s32 $0xFFFFE000  }
0x23: {  	v3 =	vld [tilespmem:$0x0];
	_ =	sdelay $0x4  }
0x24: {  	v4 =	vshrl.u32 v3, $0x3  }
0x25: {  	v4 =	vmul.u32 $0x30, v4  }
0x26: {  	v3 =	vand.u32 $0x7, v3  }
0x27: {  	v3 =	vor.u32 v3, v4  }
0x28: {  	v4 =	vperm.xlane v3, v0;
	_ =	sdelay $0x1  }
0x29: {  	v4 =	vadd.s32 v1, v4;
	_ =	sdelay $0x3  }
0x2a: {  	v3 =	vperm.xlane v3, v2  }
0x2b: {  	[hbm4b:s3+s2] =	stream.indirect_vreg.scatter [tilespmem:s8], [sflag:$0x1], $0x80, v4, vm0, $0xb8;
	[tilespmem:$0xE080] =	vst v63  }
0x2c: {  	s0 =	rddreg [dreg:$0x7];
	v3 =	vadd.s32 v1, v3  }
0x2d: {  	[hbm4b:s4+s2] =	stream.indirect_vreg.scatter [tilespmem:s0], [sflag:$0x1], $0x80, v4, vm0, $0xb8;
	[tilespmem:$0xE080] =	vst v63  }
0x2e: {  	s10 =	rddreg [dreg:$0x8]  }
0x2f: {  	[hbm4b:s5+s2] =	stream.indirect_vreg.scatter [tilespmem:s10], [sflag:$0x1], $0x80, v4, vm0, $0xb8;
	[tilespmem:$0xE080] =	vst v63  }
0x30: {  	s0 =	rddreg [dreg:$0x9]  }
0x31: {  	[hbm4b:s3+s2] =	stream.indirect_vreg.scatter [tilespmem:s0], [sflag:$0x1], $0x80, v3, vm0, $0xb8;
	[tilespmem:$0xE080] =	vst v63  }
0x32: {  	s10 =	simm.s32 $0x4080  }
0x33: {  	[hbm4b:s4+s2] =	stream.indirect_vreg.scatter [tilespmem:s10], [sflag:$0x1], $0x80, v3, vm0, $0xb8;
	[tilespmem:$0xE080] =	vst v63  }
0x34: {  	_ = 	snop  }
0x35: {  	[hbm4b:s5+s2] =	stream.indirect_vreg.scatter [tilespmem:s11], [sflag:$0x1], $0x80, v3, vm0, $0xb8;
	[tilespmem:$0xE080] =	vst v63  }
0x36: {  	v3 =	vld [tilespmem:$0x10];
	_ =	sdelay $0x4  }
0x37: {  	v61 =	vshrl.u32 v3, $0x3  }
0x38: {  	v4 =	vmul.u32 $0x30, v61  }
0x39: {  	v3 =	vand.u32 $0x7, v3  }
0x3a: {  	v3 =	vor.u32 v3, v4  }
0x3b: {  	v4 =	vperm.xlane v3, v0;
	_ =	sdelay $0x1  }
0x3c: {  	v4 =	vadd.s32 v1, v4;
	_ =	sdelay $0x3  }
0x3d: {  	v3 =	vperm.xlane v3, v2  }
0x3e: {  	[hbm4b:s3+s2] =	stream.indirect_vreg.scatter [tilespmem:s12], [sflag:$0x1], $0x80, v4, vm0, $0xb8;
	[tilespmem:$0xE080] =	vst v63  }
0x3f: {  	v3 =	vadd.s32 v1, v3  }
0x40: {  	[hbm4b:s4+s2] =	stream.indirect_vreg.scatter [tilespmem:s13], [sflag:$0x1], $0x80, v4, vm0, $0xb8;
	[tilespmem:$0xE080] =	vst v63  }
0x41: {  	_ = 	snop  }
0x42: {  	[hbm4b:s5+s2] =	stream.indirect_vreg.scatter [tilespmem:s14], [sflag:$0x1], $0x80, v4, vm0, $0xb8;
	[tilespmem:$0xE080] =	vst v63  }
0x43: {  	_ = 	snop  }
0x44: {  	[hbm4b:s3+s2] =	stream.indirect_vreg.scatter [tilespmem:s15], [sflag:$0x1], $0x80, v3, vm0, $0xb8;
	[tilespmem:$0xE080] =	vst v63  }
0x45: {  	_ = 	snop  }
0x46: {  	[hbm4b:s4+s2] =	stream.indirect_vreg.scatter [tilespmem:s16], [sflag:$0x1], $0x80, v3, vm0, $0xb8;
	[tilespmem:$0xE080] =	vst v63  }
0x47: {  	_ = 	snop  }
0x48: {  	[hbm4b:s5+s2] =	stream.indirect_vreg.scatter [tilespmem:s17], [sflag:$0x1], $0x80, v3, vm0, $0xb8;
	[tilespmem:$0xE080] =	vst v63  }
0x49: {  	v3 =	vld [tilespmem:$0x20];
	_ =	sdelay $0x4  }
0x4a: {  	v62 =	vshrl.u32 v3, $0x3  }
0x4b: {  	v4 =	vmul.u32 $0x30, v62  }
0x4c: {  	v3 =	vand.u32 $0x7, v3  }
0x4d: {  	v3 =	vor.u32 v3, v4  }
0x4e: {  	v4 =	vperm.xlane v3, v0;
	_ =	sdelay $0x1  }
0x4f: {  	v4 =	vadd.s32 v1, v4;
	_ =	sdelay $0x3  }
0x50: {  	v3 =	vperm.xlane v3, v2  }
0x51: {  	[hbm4b:s3+s2] =	stream.indirect_vreg.scatter [tilespmem:s18], [sflag:$0x1], $0x80, v4, vm0, $0xb8;
	[tilespmem:$0xE080] =	vst v63  }
0x52: {  	v3 =	vadd.s32 v1, v3  }
0x53: {  	[hbm4b:s4+s2] =	stream.indirect_vreg.scatter [tilespmem:s19], [sflag:$0x1], $0x80, v4, vm0, $0xb8;
	[tilespmem:$0xE080] =	vst v63  }
0x54: {  	_ = 	snop  }
0x55: {  	[hbm4b:s5+s2] =	stream.indirect_vreg.scatter [tilespmem:s20], [sflag:$0x1], $0x80, v4, vm0, $0xb8;
	[tilespmem:$0xE080] =	vst v63  }
0x56: {  	_ = 	snop  }
0x57: {  	[hbm4b:s3+s2] =	stream.indirect_vreg.scatter [tilespmem:s21], [sflag:$0x1], $0x80, v3, vm0, $0xb8;
	[tilespmem:$0xE080] =	vst v63  }
0x58: {  	_ = 	snop  }
0x59: {  	[hbm4b:s4+s2] =	stream.indirect_vreg.scatter [tilespmem:s22], [sflag:$0x1], $0x80, v3, vm0, $0xb8;
	[tilespmem:$0xE080] =	vst v63  }
0x5a: {  	_ = 	snop  }
0x5b: {  	[hbm4b:s5+s2] =	stream.indirect_vreg.scatter [tilespmem:s23], [sflag:$0x1], $0x80, v3, vm0, $0xb8;
	[tilespmem:$0xE080] =	vst v63  }
0x5c: {  	v3 =	vld [tilespmem:$0x30];
	_ =	sdelay $0x4  }
0x5d: {  	v63 =	vshrl.u32 v3, $0x3  }
0x5e: {  	v4 =	vmul.u32 $0x30, v63  }
0x5f: {  	v3 =	vand.u32 $0x7, v3  }
0x60: {  	v3 =	vor.u32 v3, v4  }
0x61: {  	v4 =	vperm.xlane v3, v0;
	_ =	sdelay $0x1  }
0x62: {  	v4 =	vadd.s32 v1, v4;
	_ =	sdelay $0x3  }
0x63: {  	v3 =	vperm.xlane v3, v2  }
0x64: {  	[hbm4b:s3+s2] =	stream.indirect_vreg.scatter [tilespmem:s24], [sflag:$0x1], $0x80, v4, vm0, $0xb8;
	[tilespmem:$0xE080] =	vst v63  }
0x65: {  	v3 =	vadd.s32 v1, v3  }
0x66: {  	[hbm4b:s4+s2] =	stream.indirect_vreg.scatter [tilespmem:s25], [sflag:$0x1], $0x80, v4, vm0, $0xb8;
	[tilespmem:$0xE080] =	vst v63  }
0x67: {  	_ = 	snop  }
0x68: {  	[hbm4b:s5+s2] =	stream.indirect_vreg.scatter [tilespmem:s26], [sflag:$0x1], $0x80, v4, vm0, $0xb8;
	[tilespmem:$0xE080] =	vst v63  }
0x69: {  	_ = 	snop  }
0x6a: {  	[hbm4b:s3+s2] =	stream.indirect_vreg.scatter [tilespmem:s28], [sflag:$0x1], $0x80, v3, vm0, $0xb8;
	[tilespmem:$0xE080] =	vst v63  }
0x6b: {  	_ = 	snop  }
0x6c: {  	[hbm4b:s4+s2] =	stream.indirect_vreg.scatter [tilespmem:s29], [sflag:$0x1], $0x80, v3, vm0, $0xb8;
	[tilespmem:$0xE080] =	vst v63  }
0x6d: {  	_ = 	snop  }
0x6e: {  	[hbm4b:s5+s2] =	stream.indirect_vreg.scatter [tilespmem:s30], [sflag:$0x1], $0x80, v3, vm0, $0xb8;
	[tilespmem:$0xE080] =	vst v63  }
0x6f: {  	s10 =	rddreg [dreg:$0x3]  }
0x70: {  	[hbm4b:s10+s31] =	stream.indirect.scatter [tilespmem:s9], [sflag:$0x1], $0x80, s2, s31, $0xb8;
	[tilespmem:$0xE080] =	vst v63  }
0x71: {  	p0 =	sne.s32 s6, $0x1;
	_ =	swait.ge [sflag:s1], $0xC000  }
.Ltmp0:
0x72: {  	[sflag:s1] =	ssyncset.done $0x0;
	(pc) =	sbr.rel @p0 .LBB2_1-.Ltmp0, $4  }
0x73: {  	[sflag:s1] =	ssyncadd.s32 $0xFFFF4000  }
0x74: {  	_ =	swait.ge [sflag:s1], $0x2000  }
0x75: {  	[sflag:s1] =	ssyncset.done $0x0  }
0x76: {  	s6 =	sadd.s32 $0xFFFFFFFF, s6;
	[sflag:s1] =	ssyncadd.s32 $0xFFFFE000  }
0x77: {  	_ =	sfence.sel $0x180000  }
0x78: {  	[bflag:$0x0] =	sbarrier.arrive $0xFFFF  }
0x79: {  	_ =	strace $0x9000004A  }
0x7a: {  	s0 =	stileid.u32;
	[bflag:$0x2] =	sbarrier.arrive $0xFFFF  }
0x7b: {  	p0 =	sne.s32 s0, $0x0;
	s0 =	rddreg [dreg:$0x2]  }
0x7c: {  	s0 =	sadd.s32 @!p0 $0x100000, s0  }
0x7d: {  	[sflag:s0] =	ssyncadd.tile.s32 @!p0 $0x1;
	_ =	shalt  }
.Lfunc_end2:
_tile_overlayer_lowered:
.L_overlay_start_2:
0x7e: {  	(tag) =	ssettag $0x2  }
0x7f: {  	s0 =	rddreg [dreg:$0x0];
	s2 =	stileid.u32  }
0x80: {  	s1 =	rddreg [dreg:$0x1];
	p0 =	sne.s32 s2, $0x0  }
0x81: {  	s3 =	rddreg [dreg:$0x2];
	[bflag:$0x3] =	sbarrier.arrive $0xFFFF;
	s2 =	simm.s32 @!p0 $0x1C02  }
0x82: {  	[timem:s3], [sflag:s2] =	dma.local @!p0 [hbm:s0], s1  }
0x83: {  	s0 =	simm.s32 @!p0 $0x2  }
0x84: {  	_ =	swait.ge @!p0 [sflag:s0], s1  }
0x85: {  	s1 =	ssub.s32 @!p0 $0x0, s1;
	[sflag:s0] =	ssyncset.done @!p0 $0x0  }
0x86: {  	[sflag:s0] =	ssyncadd.s32 @!p0 s1  }
0x87: {  	[bflag:$0x3] =	sbarrier.arrive $0xFFFF  }
0x88: {  	_ =	shalt  }

// kernel: kernel.16.cloned.1.call-start
scs
__scs_entry_jumppad:
0x0: {  	(pc) =	sbr.rel $0x88, $3  }
0x1: {  	(tag) =	ssettag $0x0;
	lr =	simm.s32 $0x1  }
0x2: {  	[smem:$0x3F98] =	sst lr;
	_ =	strace $0xD0000000  }
0x3: {  	_ = 	snop  }
0x4: {  	_ = 	snop  }
0x5: {  	_ = 	snop  }
0x6: {  	_ = 	snop  }
0x7: {  	_ = 	snop  }
__scs_overlays_trampoline_lowered:
0x8: {  	[smem:$0x3FA7] =	sst s0  }
0x9: {  	[smem:$0x3FA8] =	sst s1  }
0xa: {  	[smem:$0x3FA9] =	sst s2  }
0xb: {  	[smem:$0x3FAA] =	sst s3  }
0xc: {  	[smem:$0x3FAB] =	sst s4  }
0xd: {  	[smem:$0x3FAC] =	sst s5  }
0xe: {  	[smem:$0x3FAD] =	sst s6  }
0xf: {  	[smem:$0x3FAE] =	sst s7  }
0x10: {  	[smem:$0x3FAF] =	sst s8  }
0x11: {  	[smem:$0x3FB0] =	sst s9;
	s0 =	simm.s32 @!p0 $0x0  }
0x12: {  	s1 =	sld [smem:$0x3F96];
	s0 =	simm.s32 @p0 $0x1  }
0x13: {  	[smem:$0x3FB1] =	sst s0;
	s0 =	simm.s32 @!p1 $0x0  }
0x14: {  	s2 =	sld [smem:$0x3F95];
	s0 =	simm.s32 @p1 $0x1  }
0x15: {  	[smem:$0x3FB2] =	sst s0;
	s0 =	simm.s32 @!p2 $0x0  }
0x16: {  	s3 =	sld [smem:$0x3FDB];
	s0 =	simm.s32 @p2 $0x1  }
0x17: {  	s4 =	simm.s32 $0x1BF5;
	[smem:$0x3FB4] =	sst s0  }
0x18: {  	s0 =	sld [smem:$0x3F97];
	_ =	swait.ge [sflag:s4], $0x0  }
0x19: {  	s7 =	sld [smem:$0x3F98]  }
0x1a: {  	s8 =	sadd.s32 $0xFFFFE003, lr  }
0x1b: {  	s9 =	sadd.s32 $0xFFFFFEF7, lr;
	s5 =	simm.s32 $0xFFFFFFFF;
	p2 =	slt.u32 s8, $0xFFFFF086  }
0x1c: {  	p1 =	slt.u32 s9, $0xF7A;
	s5 =	simm.s32 @!p2 $0x0  }
0x1d: {  	s5 =	simm.s32 @p1 $0x1;
	p0 =	seq.s32 s7, s2  }
0x1e: {  	s7 =	smul.u32 @!p0 $0xF7A, s2;
	p2 =	seq.s32 @!p0 s5, $0x0  }
0x1f: {  	s9 =	smul.u32 $0xF7A, s1;
	s8 =	simm.s32 @!p0 $0x1BF5;
	p2 =	por !p2, p0  }
0x20: {  	[sflag:s8] =	ssyncset.s32 @!p0 $0xFFFFF086;
	s6 =	sadd.s32 @!p0 s3, s7;
	s7 =	simm.s32 @!p0 $0x108  }
0x21: {  	s3 =	sadd.s32 s3, s9;
	s6 =	sadd.s32 @!p0 $0x88, s6;
	s7 =	simm.s32 @p2 $0x1082  }
0x22: {  	[simem:s7], [sflag:s8] =	dma.local @!p0 [hbm:s6], $0xF7A  }
0x23: {  	s9 =	sor.u32 $0xD0000000, s2;
	s6 =	simm.s32 $0x108;
	_ =	swait.ge @!p0 [sflag:s8], $0x0  }
0x24: {  	s3 =	sadd.s32 $0x88, s3;
	s6 =	simm.s32 @!p1 $0x1082;
	[sflag:s4] =	ssyncset.s32 $0xFFFFF086  }
0x25: {  	[simem:s6], [sflag:s4] =	dma.local [hbm:s3], $0xF7A  }
0x26: {  	[smem:$0x3F98] =	sst s1;
	(tag) =	ssettag s2;
	_ =	strace s9  }
0x27: {  	s1 =	sld [smem:$0x3FA8]  }
0x28: {  	s2 =	sld [smem:$0x3FA9]  }
0x29: {  	s4 =	sld [smem:$0x3FAB]  }
0x2a: {  	p0 =	seq.s32 s5, $0x0;
	s5 =	sld [smem:$0x3FAC]  }
0x2b: {  	s6 =	sld [smem:$0x3FAD]  }
0x2c: {  	s7 =	sld [smem:$0x3FAE]  }
0x2d: {  	s3 =	simm.s32 $0x108;
	s8 =	sld [smem:$0x3FAF]  }
0x2e: {  	s3 =	simm.s32 @!p0 $0x1082;
	s9 =	sld [smem:$0x3FB0]  }
0x2f: {  	lr =	sadd.s32 s0, s3;
	s0 =	sld [smem:$0x3FA7]  }
0x30: {  	s3 =	sld [smem:$0x3FAA]  }
0x31: {  	[smem:$0x3FB3] =	sst s10  }
0x32: {  	s10 =	sld [smem:$0x3FB1];
	_ =	sdelay $0x3  }
0x33: {  	p0 =	seq.s32 s10, $0x1;
	s10 =	sld [smem:$0x3FB3];
	_ =	sdelay $0x3  }
0x34: {  	[smem:$0x3FB3] =	sst s10  }
0x35: {  	s10 =	sld [smem:$0x3FB2];
	_ =	sdelay $0x3  }
0x36: {  	p1 =	seq.s32 s10, $0x1;
	s10 =	sld [smem:$0x3FB3];
	_ =	sdelay $0x3  }
0x37: {  	[smem:$0x3FB3] =	sst s10  }
0x38: {  	s10 =	sld [smem:$0x3FB4]  }
0x39: {  	_ = 	snop;
	(pc) =	sbr.ind lr, $3  }
0x3a: {  	_ = 	snop  }
0x3b: {  	_ = 	snop  }
0x3c: {  	p2 =	seq.s32 s10, $0x1;
	s10 =	sld [smem:$0x3FB3]  }
0x3d: {  	_ =	shalt  }
0x3e: {  	_ =	shalt  }
0x3f: {  	_ =	shalt  }
0x40: {  	_ =	shalt  }
0x41: {  	_ =	shalt  }
0x42: {  	_ =	shalt  }
0x43: {  	_ =	shalt  }
0x44: {  	_ =	shalt  }
0x45: {  	_ =	shalt  }
0x46: {  	_ =	shalt  }
0x47: {  	_ =	shalt  }
0x48: {  	_ =	shalt  }
0x49: {  	_ =	shalt  }
0x4a: {  	_ =	shalt  }
0x4b: {  	_ =	shalt  }
0x4c: {  	_ =	shalt  }
0x4d: {  	_ =	shalt  }
0x4e: {  	_ =	shalt  }
0x4f: {  	_ =	shalt  }
0x50: {  	_ =	shalt  }
0x51: {  	_ =	shalt  }
0x52: {  	_ =	shalt  }
0x53: {  	_ =	shalt  }
0x54: {  	_ =	shalt  }
0x55: {  	_ =	shalt  }
0x56: {  	_ =	shalt  }
0x57: {  	_ =	shalt  }
0x58: {  	_ =	shalt  }
0x59: {  	_ =	shalt  }
0x5a: {  	_ =	shalt  }
0x5b: {  	_ =	shalt  }
0x5c: {  	_ =	shalt  }
0x5d: {  	_ =	shalt  }
0x5e: {  	_ =	shalt  }
0x5f: {  	_ =	shalt  }
0x60: {  	_ =	shalt  }
0x61: {  	_ =	shalt  }
0x62: {  	_ =	shalt  }
0x63: {  	_ =	shalt  }
0x64: {  	_ =	shalt  }
0x65: {  	_ =	shalt  }
0x66: {  	_ =	shalt  }
0x67: {  	_ =	shalt  }
0x68: {  	_ =	shalt  }
0x69: {  	_ =	shalt  }
0x6a: {  	_ =	shalt  }
0x6b: {  	_ =	shalt  }
0x6c: {  	_ =	shalt  }
0x6d: {  	_ =	shalt  }
0x6e: {  	_ =	shalt  }
0x6f: {  	_ =	shalt  }
0x70: {  	_ =	shalt  }
0x71: {  	_ =	shalt  }
0x72: {  	_ =	shalt  }
0x73: {  	_ =	shalt  }
0x74: {  	_ =	shalt  }
0x75: {  	_ =	shalt  }
0x76: {  	_ =	shalt  }
0x77: {  	_ =	shalt  }
0x78: {  	_ =	shalt  }
0x79: {  	_ =	shalt  }
0x7a: {  	_ =	shalt  }
0x7b: {  	_ =	shalt  }
0x7c: {  	_ =	shalt  }
0x7d: {  	_ =	shalt  }
0x7e: {  	_ =	shalt  }
0x7f: {  	_ =	shalt  }
0x80: {  	_ =	shalt  }
0x81: {  	_ =	shalt  }
0x82: {  	_ =	shalt  }
0x83: {  	_ =	shalt  }
0x84: {  	_ =	shalt  }
0x85: {  	_ =	shalt  }
0x86: {  	_ =	shalt  }
0x87: {  	_ =	shalt  }
.Lfunc_end0:
.L_simem_size_0:
called_computation.2_lowered:
.L_overlay_start_0:
0x88: {  	s2 =	sld [smem:$0x3FD9]  }
0x89: {  	s3 =	sld [smem:$0x3FFE];
	_ =	sdelay $0x1  }
0x8a: {  	s1 =	srdreg.scid  }
0x8b: {  	s0 =	sand.u32 $0x1, s1  }
0x8c: {  	s17 =	sshll.u32 s0, $0xA;
	s2 =	sadd.s32 s3, s2  }
0x8d: {  	s2 =	sadd.s32 s2, s17  }
0x8e: {  	[smem:$0x3FBF] =	sst s2  }
0x8f: {  	_ = 	snop  }
0x90: {  	s2 =	sld [smem:$0x3FD0];
	(tm) =	ssettm $0x1  }
0x91: {  	s18 =	sld [smem:$0x3FFB];
	_ =	sdelay $0x3  }
0x92: {  	_ =	strace s18  }
0x93: {  	s3 =	sld [smem:$0x3FFC];
	_ =	sdelay $0x3  }
0x94: {  	_ =	strace s3  }
0x95: {  	s3 =	sld [smem:$0x3FFD];
	_ =	sdelay $0x3  }
0x96: {  	_ =	strace s3  }
0x97: {  	_ =	strace $0x8FFFFFFF  }
0x98: {  	s19 =	sld [smem:$0x3FDB];
	_ =	sdelay $0x1  }
0x99: {  	s4 =	simm.s32 $_scs_section_size  }
0x9a: {  	s5 =	simm.s32 $_size__tile_overlayer_lowered;
	s6 =	simm.s32 $_tile_overlayer_lowered  }
0x9b: {  	s22 =	simm.s32 $0x1BFF;
	s21 =	sshll.u32 s6, $0x1;
	s3 =	sadd.s32 s4, s19  }
0x9c: {  	s7 =	simm.s32 $0x0;
	s20 =	sshll.u32 s5, $0x1;
	s5 =	sadd.s32 s21, s3  }
0x9d: {  	[timem:s7], [sflag:s22] =	dma.local [hbm:s5], s20  }
0x9e: {  	_ =	swait.ge [sflag:s22], s20  }
0x9f: {  	s4 =	ssub.s32 $0x0, s20;
	[sflag:s22] =	ssyncset.done $0x0  }
0xa0: {  	[sflag:s22] =	ssyncadd.s32 s4;
	_ =	sdelay $0x1  }
0xa1: {  	s23 =	simm.s32 $0x1B8B  }
0xa2: {  	_ =	swait.ge [sflag:s23], $0x1  }
0xa3: {  	[sflag:s23] =	ssyncset.done $0x0  }
0xa4: {  	s25 =	simm.s32 $0x1B8E;
	s24 =	sld [smem:$0x3FFE];
	[sflag:s23] =	ssyncadd.s32 $0xFFFFFFFF  }
0xa5: {  	s26 =	simm.s32 $execute0_lowered;
	[smem:$0x3FD2] =	sst s25  }
0xa6: {  	s5 =	sshll.u32 s26, $0x1;
	_ =	strace $0x8000004C;
	[dreg:$0x1] =	wrdreg $0xFFFFFFFF  }
0xa7: {  	s28 =	simm.s32 $_size_execute0_lowered;
	s3 =	sadd.s32 s3, s5;
	[dreg:$0x0] =	wrdreg $0x0  }
0xa8: {  	s5 =	sshll.u32 s28, $0x1;
	[dreg:$0x2] =	wrdreg s3  }
0xa9: {  	[dreg:$0x3] =	wrdreg s5  }
0xaa: {  	[dreg:$0x4] =	wrdreg $0xC0  }
0xab: {  	_ =	task [dreg:s7], $0x5FFFF  }
0xac: {  	[dreg:$0x1] =	wrdreg $0xFFFFFFFF  }
0xad: {  	[dreg:$0x0] =	wrdreg $0x60  }
0xae: {  	[dreg:$0x2] =	wrdreg s24  }
0xaf: {  	[dreg:$0x3] =	wrdreg s2  }
0xb0: {  	[dreg:$0x4] =	wrdreg $0x9  }
0xb1: {  	_ =	task.clear_ibuf [dreg:s7], $0x5FFFF;
	_ =	strace $0x9000004C  }
0xb2: {  	s29 =	simm.s32 $0x9;
	_ =	strace $0x8000004E  }
0xb3: {  	_ =	swait.ge [sflag:s29], $0x1  }
0xb4: {  	[sflag:s29] =	ssyncadd.s32 $0xFFFFFFFF  }
0xb5: {  	_ =	strace $0x9000004E  }
0xb6: {  	_ =	sfence  }
0xb7: {  	s30 =	sld [smem:$0x0];
	_ =	sdelay $0x2  }
0xb8: {  	s31 =	sshll.u32 s1, $0xD;
	s1 =	sshrl.u32 s1, $0x2  }
0xb9: {  	s3 =	sand.u32 $0x4000, s31;
	s1 =	sadd.s32 s1, s30  }
0xba: {  	s0 =	sor.u32 s3, s0;
	s1 =	sshll.u32 s1, $0x11  }
0xbb: {  	s0 =	sor.u32 s1, s0  }
0xbc: {  	s0 =	sadd.s32 $0x8F2B, s0  }
0xbd: {  	[sflag:s0] =	ssyncadd.remote.s32 $0x1  }
0xbe: {  	_ =	sfence.sel $0xFFFF  }
0xbf: {  	[dreg:$0x0] =	wrdreg $0xFFFFFFFF;
	(pc) =	sbr.abs _section_cstart, $3  }
0xc0: {  	[dreg:$0x1] =	wrdreg $0xFFFFFFFF  }
0xc1: {  	_ =	task.clear_ibuf [dreg:s7], $0x2FFFF;
	_ =	strace $0x9FFFFFFF  }
0xc2: {  	(tm) =	ssettm $0x7FFFFFFF  }
0xc3: {  	_ =	shalt  }
tec
execute0_lowered:
.L_overlay_start_1:
0x0: {  	(tag) =	ssettag $0x1  }
0x1: {  	s0 =	rddreg [dreg:$0x0]  }
0x2: {  	s3 =	rddreg [dreg:$0x1];
	s2 =	simm.s32 $0x0  }
0x3: {  	[smem:$0x7FF] =	sst s2;
	s8 =	sadd.s32 $0x9CC00, s0  }
0x4: {  	s20 =	simm.s32 $0x2880;
	_ =	strace $0x8000004D;
	[dreg:$0x3] =	wrdreg s8  }
0x5: {  	s21 =	simm.s32 $0x3080;
	[dreg:$0x8] =	wrdreg s20  }
0x6: {  	s22 =	simm.s32 $0x3880;
	[dreg:$0x9] =	wrdreg s21  }
0x7: {  	s23 =	simm.s32 $0x4080;
	[dreg:$0xa] =	wrdreg s22  }
0x8: {  	s24 =	simm.s32 $0x4880;
	[dreg:$0xb] =	wrdreg s23  }
0x9: {  	s25 =	simm.s32 $0x5080;
	[dreg:$0xc] =	wrdreg s24  }
0xa: {  	s1 =	stileid.u32;
	s26 =	simm.s32 $0x5880;
	[dreg:$0xd] =	wrdreg s25  }
0xb: {  	s16 =	sshll.u32 s1, $0x1;
	s1 =	simm.s32 $0x6080;
	[dreg:$0xe] =	wrdreg s26  }
0xc: {  	s4 =	srdreg.scid;
	s9 =	simm.s32 $0x8880;
	[dreg:$0xf] =	wrdreg s1  }
0xd: {  	s10 =	simm.s32 $0x9080;
	s11 =	simm.s32 $0x9880;
	[dreg:$0x14] =	wrdreg s9  }
0xe: {  	s12 =	simm.s32 $0xA080;
	s13 =	simm.s32 $0xA880;
	[dreg:$0x15] =	wrdreg s10  }
0xf: {  	s14 =	simm.s32 $0xB080;
	s15 =	simm.s32 $0xB880;
	[dreg:$0x16] =	wrdreg s11  }
0x10: {  	s28 =	simm.s32 $0x18880;
	s29 =	simm.s32 $0x19080;
	[dreg:$0x17] =	wrdreg s12  }
0x11: {  	s30 =	simm.s32 $0x19880;
	s5 =	sand.u32 $0x1, s4;
	[dreg:$0x18] =	wrdreg s13  }
0x12: {  	s31 =	simm.s32 $0x40;
	s4 =	sor.u32 s5, s16;
	[dreg:$0x19] =	wrdreg s14  }
0x13: {  	s8 =	simm.s32 $0x8080;
	[dreg:$0x1a] =	wrdreg s15;
	s16 =	simm.s32 $0xC080  }
0x14: {  	s5 =	ssub.s32 $0x2, s5;
	s20 =	simm.s32 $0xD880;
	[dreg:$0x13] =	wrdreg s8  }
0x15: {  	s21 =	simm.s32 $0xE880;
	s22 =	simm.s32 $0xF080;
	[dreg:$0x1b] =	wrdreg s16  }
0x16: {  	s10 =	simm.s32 $0xF880;
	s23 =	simm.s32 $0x10080;
	[dreg:$0x1e] =	wrdreg s20  }
0x17: {  	s24 =	simm.s32 $0x10880;
	s25 =	simm.s32 $0x11080;
	[dreg:$0x1f] =	wrdreg s21  }
0x18: {  	s11 =	simm.s32 $0x80;
	s26 =	simm.s32 $0x11880;
	[smem:$0x7F8] =	sst s22  }
0x19: {  	s12 =	simm.s32 $0x2080;
	s13 =	simm.s32 $0xE080;
	[smem:$0x7F9] =	sst s10  }
0x1a: {  	s15 =	simm.s32 $0x12880;
	s6 =	sshll.u32 s4, $0x4;
	[smem:$0x7FA] =	sst s23  }
0x1b: {  	s7 =	sshll.u32 s4, $0xA;
	s4 =	smul.u32 $0x1800, s4;
	[smem:$0x7FB] =	sst s24  }
0x1c: {  	s8 =	sadd.s32 $0x6CE00, s0;
	s10 =	simm.s32 $0x2;
	[smem:$0x7FC] =	sst s25  }
0x1d: {  	[smem:$0x7FD] =	sst s26;
	s16 =	simm.s32 $0x13080;
	s20 =	simm.s32 $0x15080  }
0x1e: {  	s21 =	simm.s32 $0x15880;
	s22 =	simm.s32 $0x16080;
	s6 =	sadd.s32 s6, s0  }
0x1f: {  	s23 =	simm.s32 $0x16880;
	s7 =	sadd.s32 s7, s0;
	s6 =	sadd.s32 $0x4A00, s6  }
0x20: {  	s24 =	simm.s32 $0x17080;
	s17 =	sadd.s32 $0x4C00, s7;
	[dreg:$0x4] =	wrdreg s6  }
0x21: {  	s25 =	simm.s32 $0x17880;
	s3 =	sadd.s32 s3, s4;
	[dreg:$0x5] =	wrdreg s17  }
0x22: {  	s18 =	sadd.s32 s4, s0;
	s4 =	simm.s32 $0x6880;
	[dreg:$0x6] =	wrdreg s3  }
0x23: {  	s26 =	simm.s32 $0x18080;
	s7 =	simm.s32 $0x7880;
	[dreg:$0x10] =	wrdreg s4  }
0x24: {  	s19 =	sadd.s32 $0xCC00, s18;
	s6 =	simm.s32 $0x7080;
	[dreg:$0x12] =	wrdreg s7  }
0x25: {  	s3 =	sadd.s32 $0x3CC00, s0;
	s4 =	sadd.s32 $0x6CC00, s0;
	[dreg:$0x7] =	wrdreg s19  }
0x26: {  	s17 =	simm.s32 $0xC880;
	s18 =	sshrl.u32 s5, $0x1;
	[dreg:$0x11] =	wrdreg s6  }
0x27: {  	s7 =	sadd.s32 $0x6CD00, s0;
	[dreg:$0x1c] =	wrdreg s17;
	s19 =	simm.s32 $0xD080  }
0x28: {  	v2 =	vlaneseq.u32;
	s9 =	ssub.s32 s5, s18;
	s5 =	sadd.s32 $0x3CD00, s0;
	s6 =	sadd.s32 $0x3CE00, s0  }
0x29: {  	vm0 =	vmmov $0xffff;
	v1 =	vshrl.u32 v2, $0x3;
	s17 =	simm.s32 $0x13880;
	s18 =	simm.s32 $0x14080;
	s0 =	simm.s32 $0x1  }
0x2a: {  	v0 =	vand.u32 $0x7, v2;
	v2 =	vor.u32 $0x8, v2;
	v1 =	vmul.u32 $0x8, v1;
	[dreg:$0x1d] =	wrdreg s19;
	s9 =	smax.u32 s9, $0x1;
	s19 =	simm.s32 $0x14880  }
.LBB2_1:
0x2b: {  	s1 =	rddreg [dreg:$0x4]  }
0x2c: {  	[tilespmem:s2], [sflag:$0x2] =	stream.linear.gather [hbm4b:s1+s2], $0x80, $0x38;
	[tilespmem:$0x1A080] =	vst v63  }
0x2d: {  	_ =	swait.ge [sflag:s10], $0x80  }
0x2e: {  	[sflag:s10] =	ssyncset.done $0x0  }
0x2f: {  	s14 =	rddreg [dreg:$0x5];
	[sflag:s10] =	ssyncadd.s32 $0xFFFFFF80  }
0x30: {  	[tilespmem:s11], [sflag:$0x2] =	stream.linear.gather [hbm4b:s14+s2], $0x2000, $0x38;
	[tilespmem:$0x1A080] =	vst v63  }
0x31: {  	_ =	swait.ge [sflag:s10], $0x2000  }
0x32: {  	[sflag:s10] =	ssyncset.done $0x0  }
0x33: {  	s14 =	rddreg [dreg:$0x6];
	[sflag:s10] =	ssyncadd.s32 $0xFFFFE000  }
0x34: {  	[tilespmem:s12], [sflag:$0x2] =	stream.linear.gather [hbm4b:s14+s2], $0xC000, $0x38;
	[tilespmem:$0x1A080] =	vst v63  }
0x35: {  	_ =	swait.ge [sflag:s10], $0xC000  }
0x36: {  	[sflag:s10] =	ssyncset.done $0x0  }
0x37: {  	s14 =	rddreg [dreg:$0x7];
	[sflag:s10] =	ssyncadd.s32 $0xFFFF4000  }
0x38: {  	[tilespmem:s13], [sflag:$0x2] =	stream.linear.gather [hbm4b:s14+s2], $0xC000, $0x38;
	[tilespmem:$0x1A080] =	vst v63  }
0x39: {  	_ =	swait.ge [sflag:s10], $0xC000  }
0x3a: {  	[sflag:s10] =	ssyncset.done $0x0  }
0x3b: {  	[sflag:s10] =	ssyncadd.s32 $0xFFFF4000  }
0x3c: {  	v3 =	vld [tilespmem:$0x0];
	_ =	sdelay $0x4  }
0x3d: {  	v4 =	vshrl.u32 v3, $0x3  }
0x3e: {  	v4 =	vmul.u32 $0x30, v4  }
0x3f: {  	v3 =	vand.u32 $0x7, v3  }
0x40: {  	v3 =	vor.u32 v3, v4  }
0x41: {  	v4 =	vperm.xlane v3, v0;
	_ =	sdelay $0x1  }
0x42: {  	v4 =	vadd.s32 v1, v4;
	_ =	sdelay $0x3  }
0x43: {  	v3 =	vperm.xlane v3, v2  }
0x44: {  	[hbm4b:s3+s2] =	stream.indirect_vreg.scatter [tilespmem:s12], [sflag:$0x1], $0x80, v4, vm0, $0xb8;
	[tilespmem:$0x1A080] =	vst v63  }
0x45: {  	s1 =	rddreg [dreg:$0x8];
	v3 =	vadd.s32 v1, v3  }
0x46: {  	[hbm4b:s5+s2] =	stream.indirect_vreg.scatter [tilespmem:s1], [sflag:$0x1], $0x80, v4, vm0, $0xb8;
	[tilespmem:$0x1A080] =	vst v63  }
0x47: {  	s14 =	rddreg [dreg:$0x9]  }
0x48: {  	[hbm4b:s6+s2] =	stream.indirect_vreg.scatter [tilespmem:s14], [sflag:$0x1], $0x80, v4, vm0, $0xb8;
	[tilespmem:$0x1A080] =	vst v63  }
0x49: {  	s1 =	rddreg [dreg:$0xa]  }
0x4a: {  	[hbm4b:s3+s2] =	stream.indirect_vreg.scatter [tilespmem:s1], [sflag:$0x1], $0x80, v3, vm0, $0xb8;
	[tilespmem:$0x1A080] =	vst v63  }
0x4b: {  	s14 =	rddreg [dreg:$0xb]  }
0x4c: {  	[hbm4b:s5+s2] =	stream.indirect_vreg.scatter [tilespmem:s14], [sflag:$0x1], $0x80, v3, vm0, $0xb8;
	[tilespmem:$0x1A080] =	vst v63  }
0x4d: {  	s1 =	rddreg [dreg:$0xc]  }
0x4e: {  	[hbm4b:s6+s2] =	stream.indirect_vreg.scatter [tilespmem:s1], [sflag:$0x1], $0x80, v3, vm0, $0xb8;
	[tilespmem:$0x1A080] =	vst v63  }
0x4f: {  	v3 =	vld [tilespmem:$0x10];
	_ =	sdelay $0x4  }
0x50: {  	v57 =	vshrl.u32 v3, $0x3  }
0x51: {  	v4 =	vmul.u32 $0x30, v57  }
0x52: {  	v3 =	vand.u32 $0x7, v3  }
0x53: {  	v3 =	vor.u32 v3, v4  }
0x54: {  	v4 =	vperm.xlane v3, v0;
	_ =	sdelay $0x1  }
0x55: {  	v4 =	vadd.s32 v1, v4;
	_ =	sdelay $0x3  }
0x56: {  	s1 =	rddreg [dreg:$0xd];
	v3 =	vperm.xlane v3, v2  }
0x57: {  	[hbm4b:s3+s2] =	stream.indirect_vreg.scatter [tilespmem:s1], [sflag:$0x1], $0x80, v4, vm0, $0xb8;
	[tilespmem:$0x1A080] =	vst v63  }
0x58: {  	s14 =	rddreg [dreg:$0xe];
	v3 =	vadd.s32 v1, v3  }
0x59: {  	[hbm4b:s5+s2] =	stream.indirect_vreg.scatter [tilespmem:s14], [sflag:$0x1], $0x80, v4, vm0, $0xb8;
	[tilespmem:$0x1A080] =	vst v63  }
0x5a: {  	s1 =	rddreg [dreg:$0xf]  }
0x5b: {  	[hbm4b:s6+s2] =	stream.indirect_vreg.scatter [tilespmem:s1], [sflag:$0x1], $0x80, v4, vm0, $0xb8;
	[tilespmem:$0x1A080] =	vst v63  }
0x5c: {  	s14 =	rddreg [dreg:$0x10]  }
0x5d: {  	[hbm4b:s3+s2] =	stream.indirect_vreg.scatter [tilespmem:s14], [sflag:$0x1], $0x80, v3, vm0, $0xb8;
	[tilespmem:$0x1A080] =	vst v63  }
0x5e: {  	s1 =	rddreg [dreg:$0x11]  }
0x5f: {  	[hbm4b:s5+s2] =	stream.indirect_vreg.scatter [tilespmem:s1], [sflag:$0x1], $0x80, v3, vm0, $0xb8;
	[tilespmem:$0x1A080] =	vst v63  }
0x60: {  	s14 =	rddreg [dreg:$0x12]  }
0x61: {  	[hbm4b:s6+s2] =	stream.indirect_vreg.scatter [tilespmem:s14], [sflag:$0x1], $0x80, v3, vm0, $0xb8;
	[tilespmem:$0x1A080] =	vst v63  }
0x62: {  	v3 =	vld [tilespmem:$0x20];
	_ =	sdelay $0x4  }
0x63: {  	v58 =	vshrl.u32 v3, $0x3  }
0x64: {  	v4 =	vmul.u32 $0x30, v58  }
0x65: {  	v3 =	vand.u32 $0x7, v3  }
0x66: {  	v3 =	vor.u32 v3, v4  }
0x67: {  	v4 =	vperm.xlane v3, v0;
	_ =	sdelay $0x1  }
0x68: {  	v4 =	vadd.s32 v1, v4;
	_ =	sdelay $0x3  }
0x69: {  	s1 =	rddreg [dreg:$0x13];
	v3 =	vperm.xlane v3, v2  }
0x6a: {  	[hbm4b:s3+s2] =	stream.indirect_vreg.scatter [tilespmem:s1], [sflag:$0x1], $0x80, v4, vm0, $0xb8;
	[tilespmem:$0x1A080] =	vst v63  }
0x6b: {  	s14 =	rddreg [dreg:$0x14];
	v3 =	vadd.s32 v1, v3  }
0x6c: {  	[hbm4b:s5+s2] =	stream.indirect_vreg.scatter [tilespmem:s14], [sflag:$0x1], $0x80, v4, vm0, $0xb8;
	[tilespmem:$0x1A080] =	vst v63  }
0x6d: {  	s1 =	rddreg [dreg:$0x15]  }
0x6e: {  	[hbm4b:s6+s2] =	stream.indirect_vreg.scatter [tilespmem:s1], [sflag:$0x1], $0x80, v4, vm0, $0xb8;
	[tilespmem:$0x1A080] =	vst v63  }
0x6f: {  	s14 =	rddreg [dreg:$0x16]  }
0x70: {  	[hbm4b:s3+s2] =	stream.indirect_vreg.scatter [tilespmem:s14], [sflag:$0x1], $0x80, v3, vm0, $0xb8;
	[tilespmem:$0x1A080] =	vst v63  }
0x71: {  	s1 =	rddreg [dreg:$0x17]  }
0x72: {  	[hbm4b:s5+s2] =	stream.indirect_vreg.scatter [tilespmem:s1], [sflag:$0x1], $0x80, v3, vm0, $0xb8;
	[tilespmem:$0x1A080] =	vst v63  }
0x73: {  	s14 =	rddreg [dreg:$0x18]  }
0x74: {  	[hbm4b:s6+s2] =	stream.indirect_vreg.scatter [tilespmem:s14], [sflag:$0x1], $0x80, v3, vm0, $0xb8;
	[tilespmem:$0x1A080] =	vst v63  }
0x75: {  	v3 =	vld [tilespmem:$0x30];
	_ =	sdelay $0x4  }
0x76: {  	v59 =	vshrl.u32 v3, $0x3  }
0x77: {  	v4 =	vmul.u32 $0x30, v59  }
0x78: {  	v3 =	vand.u32 $0x7, v3  }
0x79: {  	v3 =	vor.u32 v3, v4  }
0x7a: {  	v4 =	vperm.xlane v3, v0;
	_ =	sdelay $0x1  }
0x7b: {  	v4 =	vadd.s32 v1, v4;
	_ =	sdelay $0x3  }
0x7c: {  	s1 =	rddreg [dreg:$0x19];
	v3 =	vperm.xlane v3, v2  }
0x7d: {  	[hbm4b:s3+s2] =	stream.indirect_vreg.scatter [tilespmem:s1], [sflag:$0x1], $0x80, v4, vm0, $0xb8;
	[tilespmem:$0x1A080] =	vst v63  }
0x7e: {  	s14 =	rddreg [dreg:$0x1a];
	v3 =	vadd.s32 v1, v3  }
0x7f: {  	[hbm4b:s5+s2] =	stream.indirect_vreg.scatter [tilespmem:s14], [sflag:$0x1], $0x80, v4, vm0, $0xb8;
	[tilespmem:$0x1A080] =	vst v63  }
0x80: {  	s1 =	rddreg [dreg:$0x1b]  }
0x81: {  	[hbm4b:s6+s2] =	stream.indirect_vreg.scatter [tilespmem:s1], [sflag:$0x1], $0x80, v4, vm0, $0xb8;
	[tilespmem:$0x1A080] =	vst v63  }
0x82: {  	s14 =	rddreg [dreg:$0x1c]  }
0x83: {  	[hbm4b:s3+s2] =	stream.indirect_vreg.scatter [tilespmem:s14], [sflag:$0x1], $0x80, v3, vm0, $0xb8;
	[tilespmem:$0x1A080] =	vst v63  }
0x84: {  	s1 =	rddreg [dreg:$0x1d]  }
0x85: {  	[hbm4b:s5+s2] =	stream.indirect_vreg.scatter [tilespmem:s1], [sflag:$0x1], $0x80, v3, vm0, $0xb8;
	[tilespmem:$0x1A080] =	vst v63  }
0x86: {  	s14 =	rddreg [dreg:$0x1e]  }
0x87: {  	[hbm4b:s6+s2] =	stream.indirect_vreg.scatter [tilespmem:s14], [sflag:$0x1], $0x80, v3, vm0, $0xb8;
	[tilespmem:$0x1A080] =	vst v63  }
0x88: {  	v3 =	vld [tilespmem:$0x0];
	_ =	sdelay $0x4  }
0x89: {  	v60 =	vshrl.u32 v3, $0x3  }
0x8a: {  	v4 =	vmul.u32 $0x30, v60  }
0x8b: {  	v3 =	vand.u32 $0x7, v3  }
0x8c: {  	v3 =	vor.u32 v3, v4  }
0x8d: {  	v4 =	vperm.xlane v3, v0;
	_ =	sdelay $0x1  }
0x8e: {  	v4 =	vadd.s32 v1, v4;
	_ =	sdelay $0x3  }
0x8f: {  	s1 =	rddreg [dreg:$0x1f];
	v3 =	vperm.xlane v3, v2  }
0x90: {  	[hbm4b:s4+s2] =	stream.indirect_vreg.scatter [tilespmem:s13], [sflag:$0x1], $0x80, v4, vm0, $0xb8;
	[tilespmem:$0x1A080] =	vst v63  }
0x91: {  	s14 =	sld [smem:$0x7F8];
	v3 =	vadd.s32 v1, v3  }
0x92: {  	[hbm4b:s7+s2] =	stream.indirect_vreg.scatter [tilespmem:s1], [sflag:$0x1], $0x80, v4, vm0, $0xb8;
	[tilespmem:$0x1A080] =	vst v63  }
0x93: {  	s1 =	sld [smem:$0x7F9]  }
0x94: {  	[hbm4b:s8+s2] =	stream.indirect_vreg.scatter [tilespmem:s14], [sflag:$0x1], $0x80, v4, vm0, $0xb8;
	[tilespmem:$0x1A080] =	vst v63  }
0x95: {  	s14 =	sld [smem:$0x7FA]  }
0x96: {  	[hbm4b:s4+s2] =	stream.indirect_vreg.scatter [tilespmem:s1], [sflag:$0x1], $0x80, v3, vm0, $0xb8;
	[tilespmem:$0x1A080] =	vst v63  }
0x97: {  	s1 =	sld [smem:$0x7FB]  }
0x98: {  	[hbm4b:s7+s2] =	stream.indirect_vreg.scatter [tilespmem:s14], [sflag:$0x1], $0x80, v3, vm0, $0xb8;
	[tilespmem:$0x1A080] =	vst v63  }
0x99: {  	_ = 	snop  }
0x9a: {  	[hbm4b:s8+s2] =	stream.indirect_vreg.scatter [tilespmem:s1], [sflag:$0x1], $0x80, v3, vm0, $0xb8;
	[tilespmem:$0x1A080] =	vst v63  }
0x9b: {  	v3 =	vld [tilespmem:$0x10];
	_ =	sdelay $0x4  }
0x9c: {  	v61 =	vshrl.u32 v3, $0x3  }
0x9d: {  	v4 =	vmul.u32 $0x30, v61  }
0x9e: {  	v3 =	vand.u32 $0x7, v3  }
0x9f: {  	v3 =	vor.u32 v3, v4  }
0xa0: {  	v4 =	vperm.xlane v3, v0;
	_ =	sdelay $0x1  }
0xa1: {  	v4 =	vadd.s32 v1, v4;
	_ =	sdelay $0x1  }
0xa2: {  	s1 =	sld [smem:$0x7FC];
	_ =	sdelay $0x1  }
0xa3: {  	s14 =	sld [smem:$0x7FD];
	v3 =	vperm.xlane v3, v2  }
0xa4: {  	[hbm4b:s4+s2] =	stream.indirect_vreg.scatter [tilespmem:s1], [sflag:$0x1], $0x80, v4, vm0, $0xb8;
	[tilespmem:$0x1A080] =	vst v63  }
0xa5: {  	v3 =	vadd.s32 v1, v3  }
0xa6: {  	[hbm4b:s7+s2] =	stream.indirect_vreg.scatter [tilespmem:s14], [sflag:$0x1], $0x80, v4, vm0, $0xb8;
	[tilespmem:$0x1A080] =	vst v63  }
0xa7: {  	s14 =	simm.s32 $0x12080  }
0xa8: {  	[hbm4b:s8+s2] =	stream.indirect_vreg.scatter [tilespmem:s14], [sflag:$0x1], $0x80, v4, vm0, $0xb8;
	[tilespmem:$0x1A080] =	vst v63  }
0xa9: {  	_ = 	snop  }
0xaa: {  	[hbm4b:s4+s2] =	stream.indirect_vreg.scatter [tilespmem:s15], [sflag:$0x1], $0x80, v3, vm0, $0xb8;
	[tilespmem:$0x1A080] =	vst v63  }
0xab: {  	_ = 	snop  }
0xac: {  	[hbm4b:s7+s2] =	stream.indirect_vreg.scatter [tilespmem:s16], [sflag:$0x1], $0x80, v3, vm0, $0xb8;
	[tilespmem:$0x1A080] =	vst v63  }
0xad: {  	_ = 	snop  }
0xae: {  	[hbm4b:s8+s2] =	stream.indirect_vreg.scatter [tilespmem:s17], [sflag:$0x1], $0x80, v3, vm0, $0xb8;
	[tilespmem:$0x1A080] =	vst v63  }
0xaf: {  	v3 =	vld [tilespmem:$0x20];
	_ =	sdelay $0x4  }
0xb0: {  	v62 =	vshrl.u32 v3, $0x3  }
0xb1: {  	v4 =	vmul.u32 $0x30, v62  }
0xb2: {  	v3 =	vand.u32 $0x7, v3  }
0xb3: {  	v3 =	vor.u32 v3, v4  }
0xb4: {  	v4 =	vperm.xlane v3, v0;
	_ =	sdelay $0x1  }
0xb5: {  	v4 =	vadd.s32 v1, v4;
	_ =	sdelay $0x3  }
0xb6: {  	v3 =	vperm.xlane v3, v2  }
0xb7: {  	[hbm4b:s4+s2] =	stream.indirect_vreg.scatter [tilespmem:s18], [sflag:$0x1], $0x80, v4, vm0, $0xb8;
	[tilespmem:$0x1A080] =	vst v63  }
0xb8: {  	v3 =	vadd.s32 v1, v3  }
0xb9: {  	[hbm4b:s7+s2] =	stream.indirect_vreg.scatter [tilespmem:s19], [sflag:$0x1], $0x80, v4, vm0, $0xb8;
	[tilespmem:$0x1A080] =	vst v63  }
0xba: {  	_ = 	snop  }
0xbb: {  	[hbm4b:s8+s2] =	stream.indirect_vreg.scatter [tilespmem:s20], [sflag:$0x1], $0x80, v4, vm0, $0xb8;
	[tilespmem:$0x1A080] =	vst v63  }
0xbc: {  	_ = 	snop  }
0xbd: {  	[hbm4b:s4+s2] =	stream.indirect_vreg.scatter [tilespmem:s21], [sflag:$0x1], $0x80, v3, vm0, $0xb8;
	[tilespmem:$0x1A080] =	vst v63  }
0xbe: {  	_ = 	snop  }
0xbf: {  	[hbm4b:s7+s2] =	stream.indirect_vreg.scatter [tilespmem:s22], [sflag:$0x1], $0x80, v3, vm0, $0xb8;
	[tilespmem:$0x1A080] =	vst v63  }
0xc0: {  	_ = 	snop  }
0xc1: {  	[hbm4b:s8+s2] =	stream.indirect_vreg.scatter [tilespmem:s23], [sflag:$0x1], $0x80, v3, vm0, $0xb8;
	[tilespmem:$0x1A080] =	vst v63  }
0xc2: {  	v3 =	vld [tilespmem:$0x30];
	_ =	sdelay $0x4  }
0xc3: {  	v63 =	vshrl.u32 v3, $0x3  }
0xc4: {  	v4 =	vmul.u32 $0x30, v63  }
0xc5: {  	v3 =	vand.u32 $0x7, v3  }
0xc6: {  	v3 =	vor.u32 v3, v4  }
0xc7: {  	v4 =	vperm.xlane v3, v0;
	_ =	sdelay $0x1  }
0xc8: {  	v4 =	vadd.s32 v1, v4;
	_ =	sdelay $0x3  }
0xc9: {  	v3 =	vperm.xlane v3, v2  }
0xca: {  	[hbm4b:s4+s2] =	stream.indirect_vreg.scatter [tilespmem:s24], [sflag:$0x1], $0x80, v4, vm0, $0xb8;
	[tilespmem:$0x1A080] =	vst v63  }
0xcb: {  	v3 =	vadd.s32 v1, v3  }
0xcc: {  	[hbm4b:s7+s2] =	stream.indirect_vreg.scatter [tilespmem:s25], [sflag:$0x1], $0x80, v4, vm0, $0xb8;
	[tilespmem:$0x1A080] =	vst v63  }
0xcd: {  	_ = 	snop  }
0xce: {  	[hbm4b:s8+s2] =	stream.indirect_vreg.scatter [tilespmem:s26], [sflag:$0x1], $0x80, v4, vm0, $0xb8;
	[tilespmem:$0x1A080] =	vst v63  }
0xcf: {  	_ = 	snop  }
0xd0: {  	[hbm4b:s4+s2] =	stream.indirect_vreg.scatter [tilespmem:s28], [sflag:$0x1], $0x80, v3, vm0, $0xb8;
	[tilespmem:$0x1A080] =	vst v63  }
0xd1: {  	_ = 	snop  }
0xd2: {  	[hbm4b:s7+s2] =	stream.indirect_vreg.scatter [tilespmem:s29], [sflag:$0x1], $0x80, v3, vm0, $0xb8;
	[tilespmem:$0x1A080] =	vst v63  }
0xd3: {  	_ = 	snop  }
0xd4: {  	[hbm4b:s8+s2] =	stream.indirect_vreg.scatter [tilespmem:s30], [sflag:$0x1], $0x80, v3, vm0, $0xb8;
	[tilespmem:$0x1A080] =	vst v63  }
0xd5: {  	s14 =	rddreg [dreg:$0x3]  }
0xd6: {  	[hbm4b:s14+s31] =	stream.indirect.scatter [tilespmem:s11], [sflag:$0x1], $0x80, s2, s31, $0xb8;
	[tilespmem:$0x1A080] =	vst v63  }
0xd7: {  	_ =	swait.ge [sflag:s0], $0xC000  }
0xd8: {  	[sflag:s0] =	ssyncset.done $0x0  }
0xd9: {  	[sflag:s0] =	ssyncadd.s32 $0xFFFF4000  }
0xda: {  	p0 =	sne.s32 s9, $0x1;
	_ =	swait.ge [sflag:s0], $0xC000  }
.Ltmp0:
0xdb: {  	[sflag:s0] =	ssyncset.done $0x0;
	(pc) =	sbr.rel @p0 .LBB2_1-.Ltmp0, $4  }
0xdc: {  	[sflag:s0] =	ssyncadd.s32 $0xFFFF4000  }
0xdd: {  	_ =	swait.ge [sflag:s0], $0x2000  }
0xde: {  	[sflag:s0] =	ssyncset.done $0x0  }
0xdf: {  	s9 =	sadd.s32 $0xFFFFFFFF, s9;
	[sflag:s0] =	ssyncadd.s32 $0xFFFFE000  }
0xe0: {  	_ =	sfence.sel $0x180000  }
0xe1: {  	[bflag:$0x0] =	sbarrier.arrive $0xFFFF  }
0xe2: {  	_ =	strace $0x9000004D  }
0xe3: {  	s0 =	stileid.u32;
	[bflag:$0x2] =	sbarrier.arrive $0xFFFF  }
0xe4: {  	p0 =	sne.s32 s0, $0x0;
	s0 =	rddreg [dreg:$0x2]  }
0xe5: {  	s0 =	sadd.s32 @!p0 $0x100000, s0  }
0xe6: {  	[sflag:s0] =	ssyncadd.tile.s32 @!p0 $0x1;
	_ =	shalt  }
.Lfunc_end2:
_tile_overlayer_lowered:
.L_overlay_start_2:
0xe7: {  	(tag) =	ssettag $0x2  }
0xe8: {  	s0 =	rddreg [dreg:$0x0];
	s2 =	stileid.u32  }
0xe9: {  	s1 =	rddreg [dreg:$0x1];
	p0 =	sne.s32 s2, $0x0  }
0xea: {  	s3 =	rddreg [dreg:$0x2];
	[bflag:$0x3] =	sbarrier.arrive $0xFFFF;
	s2 =	simm.s32 @!p0 $0x1C02  }
0xeb: {  	[timem:s3], [sflag:s2] =	dma.local @!p0 [hbm:s0], s1  }
0xec: {  	s0 =	simm.s32 @!p0 $0x2  }
0xed: {  	_ =	swait.ge @!p0 [sflag:s0], s1  }
0xee: {  	s1 =	ssub.s32 @!p0 $0x0, s1;
	[sflag:s0] =	ssyncset.done @!p0 $0x0  }
0xef: {  	[sflag:s0] =	ssyncadd.s32 @!p0 s1  }
0xf0: {  	[bflag:$0x3] =	sbarrier.arrive $0xFFFF  }
0xf1: {  	_ =	shalt  }

// kernel: kernel.19.cloned.1.call-start
scs
__scs_entry_jumppad:
0x0: {  	(pc) =	sbr.rel $0x88, $3  }
0x1: {  	(tag) =	ssettag $0x0;
	lr =	simm.s32 $0x1  }
0x2: {  	[smem:$0x3F98] =	sst lr;
	_ =	strace $0xD0000000  }
0x3: {  	_ = 	snop  }
0x4: {  	_ = 	snop  }
0x5: {  	_ = 	snop  }
0x6: {  	_ = 	snop  }
0x7: {  	_ = 	snop  }
__scs_overlays_trampoline_lowered:
0x8: {  	[smem:$0x3FA7] =	sst s0  }
0x9: {  	[smem:$0x3FA8] =	sst s1  }
0xa: {  	[smem:$0x3FA9] =	sst s2  }
0xb: {  	[smem:$0x3FAA] =	sst s3  }
0xc: {  	[smem:$0x3FAB] =	sst s4  }
0xd: {  	[smem:$0x3FAC] =	sst s5  }
0xe: {  	[smem:$0x3FAD] =	sst s6  }
0xf: {  	[smem:$0x3FAE] =	sst s7  }
0x10: {  	[smem:$0x3FAF] =	sst s8  }
0x11: {  	[smem:$0x3FB0] =	sst s9;
	s0 =	simm.s32 @!p0 $0x0  }
0x12: {  	s1 =	sld [smem:$0x3F96];
	s0 =	simm.s32 @p0 $0x1  }
0x13: {  	[smem:$0x3FB1] =	sst s0;
	s0 =	simm.s32 @!p1 $0x0  }
0x14: {  	s2 =	sld [smem:$0x3F95];
	s0 =	simm.s32 @p1 $0x1  }
0x15: {  	[smem:$0x3FB2] =	sst s0;
	s0 =	simm.s32 @!p2 $0x0  }
0x16: {  	s3 =	sld [smem:$0x3FDB];
	s0 =	simm.s32 @p2 $0x1  }
0x17: {  	s4 =	simm.s32 $0x1BF5;
	[smem:$0x3FB4] =	sst s0  }
0x18: {  	s0 =	sld [smem:$0x3F97];
	_ =	swait.ge [sflag:s4], $0x0  }
0x19: {  	s7 =	sld [smem:$0x3F98]  }
0x1a: {  	s8 =	sadd.s32 $0xFFFFE003, lr  }
0x1b: {  	s9 =	sadd.s32 $0xFFFFFEF7, lr;
	s5 =	simm.s32 $0xFFFFFFFF;
	p2 =	slt.u32 s8, $0xFFFFF086  }
0x1c: {  	p1 =	slt.u32 s9, $0xF7A;
	s5 =	simm.s32 @!p2 $0x0  }
0x1d: {  	s5 =	simm.s32 @p1 $0x1;
	p0 =	seq.s32 s7, s2  }
0x1e: {  	s7 =	smul.u32 @!p0 $0xF7A, s2;
	p2 =	seq.s32 @!p0 s5, $0x0  }
0x1f: {  	s9 =	smul.u32 $0xF7A, s1;
	s8 =	simm.s32 @!p0 $0x1BF5;
	p2 =	por !p2, p0  }
0x20: {  	[sflag:s8] =	ssyncset.s32 @!p0 $0xFFFFF086;
	s6 =	sadd.s32 @!p0 s3, s7;
	s7 =	simm.s32 @!p0 $0x108  }
0x21: {  	s3 =	sadd.s32 s3, s9;
	s6 =	sadd.s32 @!p0 $0x88, s6;
	s7 =	simm.s32 @p2 $0x1082  }
0x22: {  	[simem:s7], [sflag:s8] =	dma.local @!p0 [hbm:s6], $0xF7A  }
0x23: {  	s9 =	sor.u32 $0xD0000000, s2;
	s6 =	simm.s32 $0x108;
	_ =	swait.ge @!p0 [sflag:s8], $0x0  }
0x24: {  	s3 =	sadd.s32 $0x88, s3;
	s6 =	simm.s32 @!p1 $0x1082;
	[sflag:s4] =	ssyncset.s32 $0xFFFFF086  }
0x25: {  	[simem:s6], [sflag:s4] =	dma.local [hbm:s3], $0xF7A  }
0x26: {  	[smem:$0x3F98] =	sst s1;
	(tag) =	ssettag s2;
	_ =	strace s9  }
0x27: {  	s1 =	sld [smem:$0x3FA8]  }
0x28: {  	s2 =	sld [smem:$0x3FA9]  }
0x29: {  	s4 =	sld [smem:$0x3FAB]  }
0x2a: {  	p0 =	seq.s32 s5, $0x0;
	s5 =	sld [smem:$0x3FAC]  }
0x2b: {  	s6 =	sld [smem:$0x3FAD]  }
0x2c: {  	s7 =	sld [smem:$0x3FAE]  }
0x2d: {  	s3 =	simm.s32 $0x108;
	s8 =	sld [smem:$0x3FAF]  }
0x2e: {  	s3 =	simm.s32 @!p0 $0x1082;
	s9 =	sld [smem:$0x3FB0]  }
0x2f: {  	lr =	sadd.s32 s0, s3;
	s0 =	sld [smem:$0x3FA7]  }
0x30: {  	s3 =	sld [smem:$0x3FAA]  }
0x31: {  	[smem:$0x3FB3] =	sst s10  }
0x32: {  	s10 =	sld [smem:$0x3FB1];
	_ =	sdelay $0x3  }
0x33: {  	p0 =	seq.s32 s10, $0x1;
	s10 =	sld [smem:$0x3FB3];
	_ =	sdelay $0x3  }
0x34: {  	[smem:$0x3FB3] =	sst s10  }
0x35: {  	s10 =	sld [smem:$0x3FB2];
	_ =	sdelay $0x3  }
0x36: {  	p1 =	seq.s32 s10, $0x1;
	s10 =	sld [smem:$0x3FB3];
	_ =	sdelay $0x3  }
0x37: {  	[smem:$0x3FB3] =	sst s10  }
0x38: {  	s10 =	sld [smem:$0x3FB4]  }
0x39: {  	_ = 	snop;
	(pc) =	sbr.ind lr, $3  }
0x3a: {  	_ = 	snop  }
0x3b: {  	_ = 	snop  }
0x3c: {  	p2 =	seq.s32 s10, $0x1;
	s10 =	sld [smem:$0x3FB3]  }
0x3d: {  	_ =	shalt  }
0x3e: {  	_ =	shalt  }
0x3f: {  	_ =	shalt  }
0x40: {  	_ =	shalt  }
0x41: {  	_ =	shalt  }
0x42: {  	_ =	shalt  }
0x43: {  	_ =	shalt  }
0x44: {  	_ =	shalt  }
0x45: {  	_ =	shalt  }
0x46: {  	_ =	shalt  }
0x47: {  	_ =	shalt  }
0x48: {  	_ =	shalt  }
0x49: {  	_ =	shalt  }
0x4a: {  	_ =	shalt  }
0x4b: {  	_ =	shalt  }
0x4c: {  	_ =	shalt  }
0x4d: {  	_ =	shalt  }
0x4e: {  	_ =	shalt  }
0x4f: {  	_ =	shalt  }
0x50: {  	_ =	shalt  }
0x51: {  	_ =	shalt  }
0x52: {  	_ =	shalt  }
0x53: {  	_ =	shalt  }
0x54: {  	_ =	shalt  }
0x55: {  	_ =	shalt  }
0x56: {  	_ =	shalt  }
0x57: {  	_ =	shalt  }
0x58: {  	_ =	shalt  }
0x59: {  	_ =	shalt  }
0x5a: {  	_ =	shalt  }
0x5b: {  	_ =	shalt  }
0x5c: {  	_ =	shalt  }
0x5d: {  	_ =	shalt  }
0x5e: {  	_ =	shalt  }
0x5f: {  	_ =	shalt  }
0x60: {  	_ =	shalt  }
0x61: {  	_ =	shalt  }
0x62: {  	_ =	shalt  }
0x63: {  	_ =	shalt  }
0x64: {  	_ =	shalt  }
0x65: {  	_ =	shalt  }
0x66: {  	_ =	shalt  }
0x67: {  	_ =	shalt  }
0x68: {  	_ =	shalt  }
0x69: {  	_ =	shalt  }
0x6a: {  	_ =	shalt  }
0x6b: {  	_ =	shalt  }
0x6c: {  	_ =	shalt  }
0x6d: {  	_ =	shalt  }
0x6e: {  	_ =	shalt  }
0x6f: {  	_ =	shalt  }
0x70: {  	_ =	shalt  }
0x71: {  	_ =	shalt  }
0x72: {  	_ =	shalt  }
0x73: {  	_ =	shalt  }
0x74: {  	_ =	shalt  }
0x75: {  	_ =	shalt  }
0x76: {  	_ =	shalt  }
0x77: {  	_ =	shalt  }
0x78: {  	_ =	shalt  }
0x79: {  	_ =	shalt  }
0x7a: {  	_ =	shalt  }
0x7b: {  	_ =	shalt  }
0x7c: {  	_ =	shalt  }
0x7d: {  	_ =	shalt  }
0x7e: {  	_ =	shalt  }
0x7f: {  	_ =	shalt  }
0x80: {  	_ =	shalt  }
0x81: {  	_ =	shalt  }
0x82: {  	_ =	shalt  }
0x83: {  	_ =	shalt  }
0x84: {  	_ =	shalt  }
0x85: {  	_ =	shalt  }
0x86: {  	_ =	shalt  }
0x87: {  	_ =	shalt  }
.Lfunc_end0:
.L_simem_size_0:
called_computation.3_lowered:
.L_overlay_start_0:
0x88: {  	s2 =	sld [smem:$0x3FD9]  }
0x89: {  	s3 =	sld [smem:$0x3FFE];
	_ =	sdelay $0x1  }
0x8a: {  	s1 =	srdreg.scid  }
0x8b: {  	s0 =	sand.u32 $0x1, s1  }
0x8c: {  	s17 =	sshll.u32 s0, $0xA;
	s2 =	sadd.s32 s3, s2  }
0x8d: {  	s2 =	sadd.s32 s2, s17  }
0x8e: {  	[smem:$0x3FBF] =	sst s2  }
0x8f: {  	_ = 	snop  }
0x90: {  	s2 =	sld [smem:$0x3FD0];
	(tm) =	ssettm $0x1  }
0x91: {  	s18 =	sld [smem:$0x3FFB];
	_ =	sdelay $0x3  }
0x92: {  	_ =	strace s18  }
0x93: {  	s3 =	sld [smem:$0x3FFC];
	_ =	sdelay $0x3  }
0x94: {  	_ =	strace s3  }
0x95: {  	s3 =	sld [smem:$0x3FFD];
	_ =	sdelay $0x3  }
0x96: {  	_ =	strace s3  }
0x97: {  	_ =	strace $0x8FFFFFFF  }
0x98: {  	s19 =	sld [smem:$0x3FDB];
	_ =	sdelay $0x1  }
0x99: {  	s4 =	simm.s32 $_scs_section_size  }
0x9a: {  	s5 =	simm.s32 $_size__tile_overlayer_lowered;
	s6 =	simm.s32 $_tile_overlayer_lowered  }
0x9b: {  	s22 =	simm.s32 $0x1BFF;
	s21 =	sshll.u32 s6, $0x1;
	s3 =	sadd.s32 s4, s19  }
0x9c: {  	s7 =	simm.s32 $0x0;
	s20 =	sshll.u32 s5, $0x1;
	s5 =	sadd.s32 s21, s3  }
0x9d: {  	[timem:s7], [sflag:s22] =	dma.local [hbm:s5], s20  }
0x9e: {  	_ =	swait.ge [sflag:s22], s20  }
0x9f: {  	s4 =	ssub.s32 $0x0, s20;
	[sflag:s22] =	ssyncset.done $0x0  }
0xa0: {  	[sflag:s22] =	ssyncadd.s32 s4;
	_ =	sdelay $0x1  }
0xa1: {  	s23 =	simm.s32 $0x1B8B  }
0xa2: {  	_ =	swait.ge [sflag:s23], $0x1  }
0xa3: {  	[sflag:s23] =	ssyncset.done $0x0  }
0xa4: {  	s25 =	simm.s32 $0x1B8E;
	s24 =	sld [smem:$0x3FFE];
	[sflag:s23] =	ssyncadd.s32 $0xFFFFFFFF  }
0xa5: {  	s26 =	simm.s32 $execute0_lowered;
	[smem:$0x3FD2] =	sst s25  }
0xa6: {  	s5 =	sshll.u32 s26, $0x1;
	_ =	strace $0x8000004F;
	[dreg:$0x1] =	wrdreg $0xFFFFFFFF  }
0xa7: {  	s28 =	simm.s32 $_size_execute0_lowered;
	s3 =	sadd.s32 s3, s5;
	[dreg:$0x0] =	wrdreg $0x0  }
0xa8: {  	s5 =	sshll.u32 s28, $0x1;
	[dreg:$0x2] =	wrdreg s3  }
0xa9: {  	[dreg:$0x3] =	wrdreg s5  }
0xaa: {  	[dreg:$0x4] =	wrdreg $0xC0  }
0xab: {  	_ =	task [dreg:s7], $0x5FFFF  }
0xac: {  	[dreg:$0x1] =	wrdreg $0xFFFFFFFF  }
0xad: {  	[dreg:$0x0] =	wrdreg $0x60  }
0xae: {  	[dreg:$0x2] =	wrdreg s24  }
0xaf: {  	[dreg:$0x3] =	wrdreg s2  }
0xb0: {  	[dreg:$0x4] =	wrdreg $0x9  }
0xb1: {  	_ =	task.clear_ibuf [dreg:s7], $0x5FFFF;
	_ =	strace $0x9000004F  }
0xb2: {  	s29 =	simm.s32 $0x9;
	_ =	strace $0x80000051  }
0xb3: {  	_ =	swait.ge [sflag:s29], $0x1  }
0xb4: {  	[sflag:s29] =	ssyncadd.s32 $0xFFFFFFFF  }
0xb5: {  	_ =	strace $0x90000051  }
0xb6: {  	_ =	sfence  }
0xb7: {  	s30 =	sld [smem:$0x0];
	_ =	sdelay $0x2  }
0xb8: {  	s31 =	sshll.u32 s1, $0xD;
	s1 =	sshrl.u32 s1, $0x2  }
0xb9: {  	s3 =	sand.u32 $0x4000, s31;
	s1 =	sadd.s32 s1, s30  }
0xba: {  	s0 =	sor.u32 s3, s0;
	s1 =	sshll.u32 s1, $0x11  }
0xbb: {  	s0 =	sor.u32 s1, s0  }
0xbc: {  	s0 =	sadd.s32 $0x8F2B, s0  }
0xbd: {  	[sflag:s0] =	ssyncadd.remote.s32 $0x1  }
0xbe: {  	_ =	sfence.sel $0xFFFF  }
0xbf: {  	[dreg:$0x0] =	wrdreg $0xFFFFFFFF;
	(pc) =	sbr.abs _section_cstart, $3  }
0xc0: {  	[dreg:$0x1] =	wrdreg $0xFFFFFFFF  }
0xc1: {  	_ =	task.clear_ibuf [dreg:s7], $0x2FFFF;
	_ =	strace $0x9FFFFFFF  }
0xc2: {  	(tm) =	ssettm $0x7FFFFFFF  }
0xc3: {  	_ =	shalt  }
tec
execute0_lowered:
.L_overlay_start_1:
0x0: {  	(tag) =	ssettag $0x1  }
0x1: {  	s1 =	rddreg [dreg:$0x0]  }
0x2: {  	s3 =	srdreg.scid;
	s0 =	stileid.u32  }
0x3: {  	s2 =	rddreg [dreg:$0x1];
	s7 =	simm.s32 $0x2;
	s8 =	simm.s32 $0x80  }
0x4: {  	s26 =	simm.s32 $0x880;
	s9 =	simm.s32 $0x1080;
	s10 =	simm.s32 $0x1880  }
0x5: {  	s11 =	simm.s32 $0x2080;
	s12 =	simm.s32 $0x2880;
	s13 =	simm.s32 $0x3080  }
0x6: {  	s14 =	simm.s32 $0x3880;
	s15 =	simm.s32 $0x4080;
	s16 =	simm.s32 $0x4880  }
0x7: {  	s17 =	simm.s32 $0x5080;
	s18 =	simm.s32 $0x5880;
	s19 =	simm.s32 $0x6080  }
0x8: {  	s20 =	simm.s32 $0x6880;
	s21 =	simm.s32 $0x7080;
	s22 =	simm.s32 $0x7880  }
0x9: {  	s23 =	simm.s32 $0x8080;
	s28 =	simm.s32 $0xA080;
	s29 =	simm.s32 $0xA880  }
0xa: {  	s30 =	simm.s32 $0xB080;
	s4 =	sand.u32 $0x1, s3;
	s5 =	sshll.u32 s0, $0x1  }
0xb: {  	s31 =	simm.s32 $0xB880;
	s3 =	simm.s32 $0x0;
	s5 =	sor.u32 s4, s5  }
0xc: {  	[smem:$0x7FF] =	sst s3;
	s4 =	ssub.s32 $0x2, s4;
	s6 =	sshll.u32 s5, $0x4  }
0xd: {  	s5 =	smul.u32 $0x1800, s5;
	_ =	strace $0x80000050;
	s25 =	sshrl.u32 s4, $0x1  }
0xe: {  	[dreg:$0x5] =	wrdreg s26;
	s26 =	simm.s32 $0x9880;
	s6 =	sadd.s32 s6, s1  }
0xf: {  	s1 =	sadd.s32 s5, s1;
	s24 =	sadd.s32 $0x34A00, s6;
	s6 =	ssub.s32 s4, s25  }
0x10: {  	v2 =	vlaneseq.u32;
	s4 =	sadd.s32 $0x100, s2;
	s5 =	sadd.s32 $0x200, s2;
	s25 =	simm.s32 $0x9080  }
0x11: {  	vm0 =	vmmov $0xffff;
	v1 =	vshrl.u32 v2, $0x3;
	[dreg:$0x3] =	wrdreg s24;
	s1 =	sadd.s32 $0x4A00, s1;
	s6 =	smax.u32 s6, $0x1  }
0x12: {  	v0 =	vand.u32 $0x7, v2;
	v2 =	vor.u32 $0x8, v2;
	v1 =	vmul.u32 $0x8, v1;
	s24 =	simm.s32 $0x8880;
	[dreg:$0x4] =	wrdreg s1;
	s1 =	simm.s32 $0x1  }
.LBB2_1:
0x13: {  	s0 =	rddreg [dreg:$0x3]  }
0x14: {  	[tilespmem:s3], [sflag:$0x2] =	stream.linear.gather [hbm4b:s0+s3], $0x80, $0x38;
	[tilespmem:$0xC080] =	vst v63  }
0x15: {  	_ =	swait.ge [sflag:s7], $0x80  }
0x16: {  	[sflag:s7] =	ssyncset.done $0x0  }
0x17: {  	s0 =	rddreg [dreg:$0x4];
	[sflag:s7] =	ssyncadd.s32 $0xFFFFFF80  }
0x18: {  	[tilespmem:s8], [sflag:$0x2] =	stream.linear.gather [hbm4b:s0+s3], $0xC000, $0x38;
	[tilespmem:$0xC080] =	vst v63  }
0x19: {  	_ =	swait.ge [sflag:s7], $0xC000  }
0x1a: {  	[sflag:s7] =	ssyncset.done $0x0  }
0x1b: {  	[sflag:s7] =	ssyncadd.s32 $0xFFFF4000  }
0x1c: {  	v3 =	vld [tilespmem:$0x0];
	_ =	sdelay $0x4  }
0x1d: {  	v4 =	vshrl.u32 v3, $0x3  }
0x1e: {  	v4 =	vmul.u32 $0x30, v4  }
0x1f: {  	v3 =	vand.u32 $0x7, v3  }
0x20: {  	v3 =	vor.u32 v3, v4  }
0x21: {  	v4 =	vperm.xlane v3, v0;
	_ =	sdelay $0x1  }
0x22: {  	v4 =	vadd.s32 v1, v4;
	_ =	sdelay $0x3  }
0x23: {  	v3 =	vperm.xlane v3, v2  }
0x24: {  	[hbm4b:s2+s3] =	stream.indirect_vreg.scatter [tilespmem:s8], [sflag:$0x1], $0x80, v4, vm0, $0xb8;
	[tilespmem:$0xC080] =	vst v63  }
0x25: {  	s0 =	rddreg [dreg:$0x5];
	v3 =	vadd.s32 v1, v3  }
0x26: {  	[hbm4b:s4+s3] =	stream.indirect_vreg.scatter [tilespmem:s0], [sflag:$0x1], $0x80, v4, vm0, $0xb8;
	[tilespmem:$0xC080] =	vst v63  }
0x27: {  	_ = 	snop  }
0x28: {  	[hbm4b:s5+s3] =	stream.indirect_vreg.scatter [tilespmem:s9], [sflag:$0x1], $0x80, v4, vm0, $0xb8;
	[tilespmem:$0xC080] =	vst v63  }
0x29: {  	_ = 	snop  }
0x2a: {  	[hbm4b:s2+s3] =	stream.indirect_vreg.scatter [tilespmem:s10], [sflag:$0x1], $0x80, v3, vm0, $0xb8;
	[tilespmem:$0xC080] =	vst v63  }
0x2b: {  	_ = 	snop  }
0x2c: {  	[hbm4b:s4+s3] =	stream.indirect_vreg.scatter [tilespmem:s11], [sflag:$0x1], $0x80, v3, vm0, $0xb8;
	[tilespmem:$0xC080] =	vst v63  }
0x2d: {  	_ = 	snop  }
0x2e: {  	[hbm4b:s5+s3] =	stream.indirect_vreg.scatter [tilespmem:s12], [sflag:$0x1], $0x80, v3, vm0, $0xb8;
	[tilespmem:$0xC080] =	vst v63  }
0x2f: {  	v3 =	vld [tilespmem:$0x10];
	_ =	sdelay $0x4  }
0x30: {  	v61 =	vshrl.u32 v3, $0x3  }
0x31: {  	v4 =	vmul.u32 $0x30, v61  }
0x32: {  	v3 =	vand.u32 $0x7, v3  }
0x33: {  	v3 =	vor.u32 v3, v4  }
0x34: {  	v4 =	vperm.xlane v3, v0;
	_ =	sdelay $0x1  }
0x35: {  	v4 =	vadd.s32 v1, v4;
	_ =	sdelay $0x3  }
0x36: {  	v3 =	vperm.xlane v3, v2  }
0x37: {  	[hbm4b:s2+s3] =	stream.indirect_vreg.scatter [tilespmem:s13], [sflag:$0x1], $0x80, v4, vm0, $0xb8;
	[tilespmem:$0xC080] =	vst v63  }
0x38: {  	v3 =	vadd.s32 v1, v3  }
0x39: {  	[hbm4b:s4+s3] =	stream.indirect_vreg.scatter [tilespmem:s14], [sflag:$0x1], $0x80, v4, vm0, $0xb8;
	[tilespmem:$0xC080] =	vst v63  }
0x3a: {  	_ = 	snop  }
0x3b: {  	[hbm4b:s5+s3] =	stream.indirect_vreg.scatter [tilespmem:s15], [sflag:$0x1], $0x80, v4, vm0, $0xb8;
	[tilespmem:$0xC080] =	vst v63  }
0x3c: {  	_ = 	snop  }
0x3d: {  	[hbm4b:s2+s3] =	stream.indirect_vreg.scatter [tilespmem:s16], [sflag:$0x1], $0x80, v3, vm0, $0xb8;
	[tilespmem:$0xC080] =	vst v63  }
0x3e: {  	_ = 	snop  }
0x3f: {  	[hbm4b:s4+s3] =	stream.indirect_vreg.scatter [tilespmem:s17], [sflag:$0x1], $0x80, v3, vm0, $0xb8;
	[tilespmem:$0xC080] =	vst v63  }
0x40: {  	_ = 	snop  }
0x41: {  	[hbm4b:s5+s3] =	stream.indirect_vreg.scatter [tilespmem:s18], [sflag:$0x1], $0x80, v3, vm0, $0xb8;
	[tilespmem:$0xC080] =	vst v63  }
0x42: {  	v3 =	vld [tilespmem:$0x20];
	_ =	sdelay $0x4  }
0x43: {  	v62 =	vshrl.u32 v3, $0x3  }
0x44: {  	v4 =	vmul.u32 $0x30, v62  }
0x45: {  	v3 =	vand.u32 $0x7, v3  }
0x46: {  	v3 =	vor.u32 v3, v4  }
0x47: {  	v4 =	vperm.xlane v3, v0;
	_ =	sdelay $0x1  }
0x48: {  	v4 =	vadd.s32 v1, v4;
	_ =	sdelay $0x3  }
0x49: {  	v3 =	vperm.xlane v3, v2  }
0x4a: {  	[hbm4b:s2+s3] =	stream.indirect_vreg.scatter [tilespmem:s19], [sflag:$0x1], $0x80, v4, vm0, $0xb8;
	[tilespmem:$0xC080] =	vst v63  }
0x4b: {  	v3 =	vadd.s32 v1, v3  }
0x4c: {  	[hbm4b:s4+s3] =	stream.indirect_vreg.scatter [tilespmem:s20], [sflag:$0x1], $0x80, v4, vm0, $0xb8;
	[tilespmem:$0xC080] =	vst v63  }
0x4d: {  	_ = 	snop  }
0x4e: {  	[hbm4b:s5+s3] =	stream.indirect_vreg.scatter [tilespmem:s21], [sflag:$0x1], $0x80, v4, vm0, $0xb8;
	[tilespmem:$0xC080] =	vst v63  }
0x4f: {  	_ = 	snop  }
0x50: {  	[hbm4b:s2+s3] =	stream.indirect_vreg.scatter [tilespmem:s22], [sflag:$0x1], $0x80, v3, vm0, $0xb8;
	[tilespmem:$0xC080] =	vst v63  }
0x51: {  	_ = 	snop  }
0x52: {  	[hbm4b:s4+s3] =	stream.indirect_vreg.scatter [tilespmem:s23], [sflag:$0x1], $0x80, v3, vm0, $0xb8;
	[tilespmem:$0xC080] =	vst v63  }
0x53: {  	_ = 	snop  }
0x54: {  	[hbm4b:s5+s3] =	stream.indirect_vreg.scatter [tilespmem:s24], [sflag:$0x1], $0x80, v3, vm0, $0xb8;
	[tilespmem:$0xC080] =	vst v63  }
0x55: {  	v3 =	vld [tilespmem:$0x30];
	_ =	sdelay $0x4  }
0x56: {  	v63 =	vshrl.u32 v3, $0x3  }
0x57: {  	v4 =	vmul.u32 $0x30, v63  }
0x58: {  	v3 =	vand.u32 $0x7, v3  }
0x59: {  	v3 =	vor.u32 v3, v4  }
0x5a: {  	v4 =	vperm.xlane v3, v0;
	_ =	sdelay $0x1  }
0x5b: {  	v4 =	vadd.s32 v1, v4;
	_ =	sdelay $0x3  }
0x5c: {  	v3 =	vperm.xlane v3, v2  }
0x5d: {  	[hbm4b:s2+s3] =	stream.indirect_vreg.scatter [tilespmem:s25], [sflag:$0x1], $0x80, v4, vm0, $0xb8;
	[tilespmem:$0xC080] =	vst v63  }
0x5e: {  	v3 =	vadd.s32 v1, v3  }
0x5f: {  	[hbm4b:s4+s3] =	stream.indirect_vreg.scatter [tilespmem:s26], [sflag:$0x1], $0x80, v4, vm0, $0xb8;
	[tilespmem:$0xC080] =	vst v63  }
0x60: {  	_ = 	snop  }
0x61: {  	[hbm4b:s5+s3] =	stream.indirect_vreg.scatter [tilespmem:s28], [sflag:$0x1], $0x80, v4, vm0, $0xb8;
	[tilespmem:$0xC080] =	vst v63  }
0x62: {  	_ = 	snop  }
0x63: {  	[hbm4b:s2+s3] =	stream.indirect_vreg.scatter [tilespmem:s29], [sflag:$0x1], $0x80, v3, vm0, $0xb8;
	[tilespmem:$0xC080] =	vst v63  }
0x64: {  	p0 =	sne.s32 s6, $0x1  }
0x65: {  	[hbm4b:s4+s3] =	stream.indirect_vreg.scatter [tilespmem:s30], [sflag:$0x1], $0x80, v3, vm0, $0xb8;
	[tilespmem:$0xC080] =	vst v63  }
.Ltmp0:
0x66: {  	_ = 	snop;
	(pc) =	sbr.rel @p0 .LBB2_1-.Ltmp0, $4  }
0x67: {  	[hbm4b:s5+s3] =	stream.indirect_vreg.scatter [tilespmem:s31], [sflag:$0x1], $0x80, v3, vm0, $0xb8;
	[tilespmem:$0xC080] =	vst v63  }
0x68: {  	_ =	swait.ge [sflag:s1], $0xC000  }
0x69: {  	[sflag:s1] =	ssyncset.done $0x0  }
0x6a: {  	s6 =	sadd.s32 $0xFFFFFFFF, s6;
	[sflag:s1] =	ssyncadd.s32 $0xFFFF4000  }
0x6b: {  	_ =	sfence.sel $0x180000  }
0x6c: {  	[bflag:$0x0] =	sbarrier.arrive $0xFFFF  }
0x6d: {  	_ =	strace $0x90000050  }
0x6e: {  	s0 =	stileid.u32;
	[bflag:$0x2] =	sbarrier.arrive $0xFFFF  }
0x6f: {  	p0 =	sne.s32 s0, $0x0;
	s0 =	rddreg [dreg:$0x2]  }
0x70: {  	s0 =	sadd.s32 @!p0 $0x100000, s0  }
0x71: {  	[sflag:s0] =	ssyncadd.tile.s32 @!p0 $0x1;
	_ =	shalt  }
.Lfunc_end2:
_tile_overlayer_lowered:
.L_overlay_start_2:
0x72: {  	(tag) =	ssettag $0x2  }
0x73: {  	s0 =	rddreg [dreg:$0x0];
	s2 =	stileid.u32  }
0x74: {  	s1 =	rddreg [dreg:$0x1];
	p0 =	sne.s32 s2, $0x0  }
0x75: {  	s3 =	rddreg [dreg:$0x2];
	[bflag:$0x3] =	sbarrier.arrive $0xFFFF;
	s2 =	simm.s32 @!p0 $0x1C02  }
0x76: {  	[timem:s3], [sflag:s2] =	dma.local @!p0 [hbm:s0], s1  }
0x77: {  	s0 =	simm.s32 @!p0 $0x2  }
0x78: {  	_ =	swait.ge @!p0 [sflag:s0], s1  }
0x79: {  	s1 =	ssub.s32 @!p0 $0x0, s1;
	[sflag:s0] =	ssyncset.done @!p0 $0x0  }
0x7a: {  	[sflag:s0] =	ssyncadd.s32 @!p0 s1  }
0x7b: {  	[bflag:$0x3] =	sbarrier.arrive $0xFFFF  }
0x7c: {  	_ =	shalt  }

</sc_bundles>
